<compile_context>
chip_gen: v7x
topology: tpu7x:2x2x1
jax: 0.10.2.dev20260603
libtpu: 0.0.44.dev20260713+nightly
codegen_flags: <defaults>
</compile_context>

<pallas_src>
import math
import functools

import jax
import jax.numpy as jnp
from jax import lax
from jax.experimental import pallas as pl
from jax.experimental.pallas import tpu as pltpu
from jax.experimental.pallas import tpu_sc as plsc

NC = 2
NS = 16
NW = NC * NS

CHUNK = 200
SUB = 100
NG = 4
NO = 2


def _pe_table(seq, d_model):
    position = jnp.arange(0, seq, dtype=jnp.float32)[:, None]
    div_term = jnp.exp(
        jnp.arange(0, d_model, 2, dtype=jnp.float32)
        * -(math.log(10000.0) / d_model)
    )
    pe = jnp.zeros((seq, d_model), dtype=jnp.float32)
    pe = pe.at[:, 0::2].set(jnp.sin(position * div_term))
    pe = pe.at[:, 1::2].set(jnp.cos(position * div_term))
    return pe


def _build_sc_call(n_chunks, d_model, seq):
    mesh = plsc.VectorSubcoreMesh(
        core_axis_name="c", subcore_axis_name="s",
        num_cores=NC, num_subcores=NS,
    )
    total = NW * n_chunks * CHUNK
    n_outer = n_chunks // NG

    @functools.partial(
        pl.kernel,
        out_type=jax.ShapeDtypeStruct((total, d_model), jnp.float32),
        mesh=mesh,
        scratch_types=[
            pltpu.VMEM((2 * n_chunks, SUB), jnp.int32),
            pltpu.VMEM((seq, d_model), jnp.float32),
        ]
        + [pltpu.VMEM((SUB, d_model), jnp.float32) for _ in range(2 * NG)]
        + [pltpu.VMEM((CHUNK, d_model), jnp.float32) for _ in range(NO)]
        + [
            pltpu.SemaphoreType.DMA((NG,)),
            pltpu.SemaphoreType.DMA((NO,)),
        ],
        compiler_params=pltpu.CompilerParams(use_tc_tiling_on_sc=False),
    )
    def sc_call(idx_hbm, table_hbm, pe_hbm, out_hbm,
                idx_v, pe_v, *bufs_and_sems):
        gin = bufs_and_sems[:2 * NG]
        gout = bufs_and_sems[2 * NG:2 * NG + NO]
        gsem = bufs_and_sems[2 * NG + NO]
        osem = bufs_and_sems[2 * NG + NO + 1]

        wid = lax.axis_index("s") * NC + lax.axis_index("c")
        pltpu.sync_copy(idx_hbm.at[wid], idx_v)
        pltpu.sync_copy(pe_hbm, pe_v)

        def fire_gather(g, b):
            for h in range(CHUNK // SUB):
                pltpu.async_copy(
                    table_hbm.at[idx_v.at[2 * g + h]],
                    gin[2 * b + h],
                    gsem.at[b])

        def wait_gather(g, b):
            for h in range(CHUNK // SUB):
                pltpu.make_async_copy(
                    table_hbm.at[idx_v.at[2 * g + h]],
                    gin[2 * b + h],
                    gsem.at[b]).wait()

        def out_slice(g):
            base = (wid * n_chunks + g) * CHUNK
            return out_hbm.at[pl.ds(base, CHUNK)]

        for b in range(NG):
            fire_gather(b, b)

        @pl.loop(0, n_outer)
        def _outer(t):
            for b in range(NG):
                bo = b % NO
                g = t * NG + b
                dst = gout[bo]
                wait_gather(g, b)

                @pl.when(g >= NO)
                def _wait_prev_out():
                    pltpu.make_async_copy(
                        dst, out_slice(g - NO), osem.at[bo]).wait()

                for h in range(CHUNK // SUB):
                    src = gin[2 * b + h]

                    @plsc.parallel_loop(0, SUB, unroll=4)
                    def _rows(r):
                        for cb in range(d_model // 16):
                            sl = pl.ds(cb * 16, 16)
                            dst[h * SUB + r, sl] = src[r, sl] + pe_v[h * SUB + r, sl]

                pltpu.async_copy(dst, out_slice(g), osem.at[bo])

                gn = g + NG

                @pl.when(gn < n_chunks)
                def _refill():
                    fire_gather(gn, b)

        for b in range(NO):
            g = n_chunks - NO + b
            pltpu.make_async_copy(
                gout[g % NO], out_slice(g), osem.at[g % NO]).wait()

    return sc_call


def kernel(input, table):
    batch, seq = input.shape
    vocab, d_model = table.shape
    total = batch * seq
    per_worker = total // NW
    assert total % (NW * CHUNK) == 0 and per_worker % seq == 0
    assert seq == CHUNK and CHUNK % SUB == 0
    n_chunks = per_worker // CHUNK
    assert n_chunks % NG == 0 and NG % NO == 0

    pe = _pe_table(seq, d_model)
    idx = input.reshape(NW, 2 * n_chunks, SUB).astype(jnp.int32)
    out = _build_sc_call(n_chunks, d_model, seq)(idx, table, pe)
    return out.reshape(batch, seq, d_model)

# --- scband reference (transcript-rebuilt; emitter-appended) ---
"""Pipeline reference for scband-positional-embedder-3435973837160 (READ-ONLY COPY).

The authoritative reference and input builder live on the scoring server;
editing this copy changes nothing except your own understanding.
"""

import math
import jax, jax.numpy as jnp
import numpy as np

VOCAB = 100000
D_MODEL = 64
MAX_LEN = 5000
BATCH = 4096
SEQ = 200


def _make_pe(max_len, d_model):
    position = jnp.arange(0, max_len, dtype=jnp.float32)[:, None]
    div_term = jnp.exp(jnp.arange(0, d_model, 2, dtype=jnp.float32) * -(math.log(10000.0) / d_model))
    pe = jnp.zeros((max_len, d_model), dtype=jnp.float32)
    pe = pe.at[:, 0::2].set(jnp.sin(position * div_term))
    pe = pe.at[:, 1::2].set(jnp.cos(position * div_term))
    return pe[None, :, :]  # [1, max_len, d_model]


def setup_inputs(seed: int = 0) -> dict:
    key = jax.random.key(seed)
    k1, k2 = jax.random.split(key)
    input_ids = jax.random.randint(k1, (BATCH, SEQ), 0, VOCAB, dtype=jnp.int64 if jax.config.jax_enable_x64 else jnp.int32)
    table = jax.random.normal(k2, (VOCAB, D_MODEL), dtype=jnp.float32) * 0.02
    return {"input": input_ids, "table": table}


def reference(input, table):
    # embedding lookup (gather)
    emb = jnp.take(table, input, axis=0)  # [B, S, D]
    pe = _make_pe(MAX_LEN, D_MODEL)       # non-trainable buffer, deterministic
    out = emb + pe[:, : input.shape[1]]
    # dropout is identity in eval mode
    return out

if __name__ == "__main__":
    import jax
    _d = setup_inputs()
    print(jax.jit(kernel)(*tuple(_d.values())))

</pallas_src>

<mosaic_0001>
#map = affine_map<(d0, d1) -> (0, 0, 0)>
#map1 = affine_map<(d0, d1) -> (0, 0)>
module attributes {stable_mosaic.version = 14 : i64} {
  func.func @sc_call(%arg0: i32, %arg1: i32, %arg2: memref<32x256x100xi32, #tpu.memory_space<hbm>>, %arg3: memref<100000x64xf32, #tpu.memory_space<hbm>>, %arg4: memref<200x64xf32, #tpu.memory_space<hbm>>, %arg5: memref<819200x64xf32, #tpu.memory_space<hbm>>, %arg6: memref<256x100xi32, #tpu.memory_space<vmem>>, %arg7: memref<200x64xf32, #tpu.memory_space<vmem>>, %arg8: memref<100x64xf32, #tpu.memory_space<vmem>>, %arg9: memref<100x64xf32, #tpu.memory_space<vmem>>, %arg10: memref<100x64xf32, #tpu.memory_space<vmem>>, %arg11: memref<100x64xf32, #tpu.memory_space<vmem>>, %arg12: memref<100x64xf32, #tpu.memory_space<vmem>>, %arg13: memref<100x64xf32, #tpu.memory_space<vmem>>, %arg14: memref<100x64xf32, #tpu.memory_space<vmem>>, %arg15: memref<100x64xf32, #tpu.memory_space<vmem>>, %arg16: memref<200x64xf32, #tpu.memory_space<vmem>>, %arg17: memref<200x64xf32, #tpu.memory_space<vmem>>, %arg18: memref<4x!tpu.dma_semaphore, #tpu.memory_space<semaphore_mem>>, %arg19: memref<2x!tpu.dma_semaphore, #tpu.memory_space<semaphore_mem>>) attributes {dimension_semantics = [#tpu.dimension_semantics<core_parallel>, #tpu.dimension_semantics<subcore_parallel>], iteration_bounds = array<i64: 2, 16>, scalar_prefetch = 0 : i64, scratch_operands = 14 : i64, tpu.core_type = #tpu.core_type<sc_vector_subcore>, window_params = [{transform_indices = #map}, {transform_indices = #map1}, {transform_indices = #map1}, {transform_indices = #map1}]} {
    %mul3A = arith.constant 2 : i32
    %mul3A_0 = arith.muli %arg1, %mul3A : i32
    %add3A = arith.addi %mul3A_0, %arg0 : i32
    "tpu.region"() ({
      %run_scoped3A = tpu.sem_alloc : memref<!tpu.dma_semaphore, #tpu.memory_space<semaphore_mem>>
      %dma_start3A_109 = arith.constant 0 : i32
      %dma_start3A_110 = arith.constant 0 : i32
      %dma_start3A_111 = tpu.memref_slice %arg2[%add3A, %dma_start3A_109, %dma_start3A_110] : memref<32x256x100xi32, #tpu.memory_space<hbm>> -> memref<1x256x100xi32, #tpu.memory_space<hbm>>
      %dma_start3A_112 = tpu.memref_squeeze %dma_start3A_111 : memref<1x256x100xi32, #tpu.memory_space<hbm>> -> memref<256x100xi32, #tpu.memory_space<hbm>>
      %dma_start3A_113 = arith.constant 0 : i32
      %dma_start3A_114 = arith.constant 0 : i32
      %dma_start3A_115 = tpu.memref_slice %arg2[%add3A, %dma_start3A_113, %dma_start3A_114] : memref<32x256x100xi32, #tpu.memory_space<hbm>> -> memref<1x256x100xi32, #tpu.memory_space<hbm>>
      %dma_start3A_116 = tpu.memref_squeeze %dma_start3A_115 : memref<1x256x100xi32, #tpu.memory_space<hbm>> -> memref<256x100xi32, #tpu.memory_space<hbm>>
      tpu.enqueue_dma source(%dma_start3A_116 : memref<256x100xi32, #tpu.memory_space<hbm>>) target(%arg6 : memref<256x100xi32, #tpu.memory_space<vmem>>) target_semaphore(%run_scoped3A : memref<!tpu.dma_semaphore, #tpu.memory_space<semaphore_mem>>)
      %dma_wait3A_117 = arith.constant 0 : i32
      %dma_wait3A_118 = arith.constant 0 : i32
      %dma_wait3A_119 = tpu.memref_slice %arg2[%add3A, %dma_wait3A_117, %dma_wait3A_118] : memref<32x256x100xi32, #tpu.memory_space<hbm>> -> memref<1x256x100xi32, #tpu.memory_space<hbm>>
      %dma_wait3A_120 = tpu.memref_squeeze %dma_wait3A_119 : memref<1x256x100xi32, #tpu.memory_space<hbm>> -> memref<256x100xi32, #tpu.memory_space<hbm>>
      %dma_wait3A_121 = arith.constant 0 : i32
      %dma_wait3A_122 = arith.constant 0 : i32
      %dma_wait3A_123 = tpu.memref_slice %arg2[%add3A, %dma_wait3A_121, %dma_wait3A_122] : memref<32x256x100xi32, #tpu.memory_space<hbm>> -> memref<1x256x100xi32, #tpu.memory_space<hbm>>
      %dma_wait3A_124 = tpu.memref_squeeze %dma_wait3A_123 : memref<1x256x100xi32, #tpu.memory_space<hbm>> -> memref<256x100xi32, #tpu.memory_space<hbm>>
      tpu.wait_dma2 semaphore(%run_scoped3A : memref<!tpu.dma_semaphore, #tpu.memory_space<semaphore_mem>>) src(%dma_wait3A_124 : memref<256x100xi32, #tpu.memory_space<hbm>>) dst(%arg6 : memref<256x100xi32, #tpu.memory_space<vmem>>)
      tpu.yield
    }) : () -> ()
    "tpu.region"() ({
      %run_scoped3A = tpu.sem_alloc : memref<!tpu.dma_semaphore, #tpu.memory_space<semaphore_mem>>
      tpu.enqueue_dma source(%arg4 : memref<200x64xf32, #tpu.memory_space<hbm>>) target(%arg7 : memref<200x64xf32, #tpu.memory_space<vmem>>) target_semaphore(%run_scoped3A : memref<!tpu.dma_semaphore, #tpu.memory_space<semaphore_mem>>)
      tpu.wait_dma2 semaphore(%run_scoped3A : memref<!tpu.dma_semaphore, #tpu.memory_space<semaphore_mem>>) src(%arg4 : memref<200x64xf32, #tpu.memory_space<hbm>>) dst(%arg7 : memref<200x64xf32, #tpu.memory_space<vmem>>)
      tpu.yield
    }) : () -> ()
    %dma_start3A = arith.constant 0 : i32
    %dma_start3A_1 = arith.constant 0 : i32
    %dma_start3A_2 = arith.constant 0 : i32
    %dma_start3A_3 = tpu.memref_slice %arg6[%dma_start3A, %dma_start3A_2] : memref<256x100xi32, #tpu.memory_space<vmem>> -> memref<1x100xi32, #tpu.memory_space<vmem>>
    %dma_start3A_4 = tpu.memref_squeeze %dma_start3A_3 : memref<1x100xi32, #tpu.memory_space<vmem>> -> memref<100xi32, #tpu.memory_space<vmem>>
    %dma_start3A_5 = arith.constant 0 : i32
    %dma_start3A_6 = arith.constant 0 : i32
    %dma_start3A_7 = tpu.memref_slice %arg3[%dma_start3A_5, %dma_start3A_6] : memref<100000x64xf32, #tpu.memory_space<hbm>> -> memref<100000x64xf32, #tpu.memory_space<hbm>>
    %dma_start3A_8 = tpu.memref_slice %arg18[%dma_start3A_1] : memref<4x!tpu.dma_semaphore, #tpu.memory_space<semaphore_mem>> -> memref<1x!tpu.dma_semaphore, #tpu.memory_space<semaphore_mem>>
    %dma_start3A_9 = tpu.memref_squeeze %dma_start3A_8 : memref<1x!tpu.dma_semaphore, #tpu.memory_space<semaphore_mem>> -> memref<!tpu.dma_semaphore, #tpu.memory_space<semaphore_mem>>
    tpu.enqueue_indirect_dma source(%dma_start3A_7 : memref<100000x64xf32, #tpu.memory_space<hbm>>) target(%arg8 : memref<100x64xf32, #tpu.memory_space<vmem>>) offsets(%dma_start3A_4 : memref<100xi32, #tpu.memory_space<vmem>>) semaphore(%dma_start3A_9 : memref<!tpu.dma_semaphore, #tpu.memory_space<semaphore_mem>>)
    %dma_start3A_10 = arith.constant 1 : i32
    %dma_start3A_11 = arith.constant 0 : i32
    %dma_start3A_12 = arith.constant 0 : i32
    %dma_start3A_13 = tpu.memref_slice %arg6[%dma_start3A_10, %dma_start3A_12] : memref<256x100xi32, #tpu.memory_space<vmem>> -> memref<1x100xi32, #tpu.memory_space<vmem>>
    %dma_start3A_14 = tpu.memref_squeeze %dma_start3A_13 : memref<1x100xi32, #tpu.memory_space<vmem>> -> memref<100xi32, #tpu.memory_space<vmem>>
    %dma_start3A_15 = arith.constant 0 : i32
    %dma_start3A_16 = arith.constant 0 : i32
    %dma_start3A_17 = tpu.memref_slice %arg3[%dma_start3A_15, %dma_start3A_16] : memref<100000x64xf32, #tpu.memory_space<hbm>> -> memref<100000x64xf32, #tpu.memory_space<hbm>>
    %dma_start3A_18 = tpu.memref_slice %arg18[%dma_start3A_11] : memref<4x!tpu.dma_semaphore, #tpu.memory_space<semaphore_mem>> -> memref<1x!tpu.dma_semaphore, #tpu.memory_space<semaphore_mem>>
    %dma_start3A_19 = tpu.memref_squeeze %dma_start3A_18 : memref<1x!tpu.dma_semaphore, #tpu.memory_space<semaphore_mem>> -> memref<!tpu.dma_semaphore, #tpu.memory_space<semaphore_mem>>
    tpu.enqueue_indirect_dma source(%dma_start3A_17 : memref<100000x64xf32, #tpu.memory_space<hbm>>) target(%arg9 : memref<100x64xf32, #tpu.memory_space<vmem>>) offsets(%dma_start3A_14 : memref<100xi32, #tpu.memory_space<vmem>>) semaphore(%dma_start3A_19 : memref<!tpu.dma_semaphore, #tpu.memory_space<semaphore_mem>>)
    %dma_start3A_20 = arith.constant 2 : i32
    %dma_start3A_21 = arith.constant 1 : i32
    %dma_start3A_22 = arith.constant 0 : i32
    %dma_start3A_23 = tpu.memref_slice %arg6[%dma_start3A_20, %dma_start3A_22] : memref<256x100xi32, #tpu.memory_space<vmem>> -> memref<1x100xi32, #tpu.memory_space<vmem>>
    %dma_start3A_24 = tpu.memref_squeeze %dma_start3A_23 : memref<1x100xi32, #tpu.memory_space<vmem>> -> memref<100xi32, #tpu.memory_space<vmem>>
    %dma_start3A_25 = arith.constant 0 : i32
    %dma_start3A_26 = arith.constant 0 : i32
    %dma_start3A_27 = tpu.memref_slice %arg3[%dma_start3A_25, %dma_start3A_26] : memref<100000x64xf32, #tpu.memory_space<hbm>> -> memref<100000x64xf32, #tpu.memory_space<hbm>>
    %dma_start3A_28 = tpu.memref_slice %arg18[%dma_start3A_21] : memref<4x!tpu.dma_semaphore, #tpu.memory_space<semaphore_mem>> -> memref<1x!tpu.dma_semaphore, #tpu.memory_space<semaphore_mem>>
    %dma_start3A_29 = tpu.memref_squeeze %dma_start3A_28 : memref<1x!tpu.dma_semaphore, #tpu.memory_space<semaphore_mem>> -> memref<!tpu.dma_semaphore, #tpu.memory_space<semaphore_mem>>
    tpu.enqueue_indirect_dma source(%dma_start3A_27 : memref<100000x64xf32, #tpu.memory_space<hbm>>) target(%arg10 : memref<100x64xf32, #tpu.memory_space<vmem>>) offsets(%dma_start3A_24 : memref<100xi32, #tpu.memory_space<vmem>>) semaphore(%dma_start3A_29 : memref<!tpu.dma_semaphore, #tpu.memory_space<semaphore_mem>>)
    %dma_start3A_30 = arith.constant 3 : i32
    %dma_start3A_31 = arith.constant 1 : i32
    %dma_start3A_32 = arith.constant 0 : i32
    %dma_start3A_33 = tpu.memref_slice %arg6[%dma_start3A_30, %dma_start3A_32] : memref<256x100xi32, #tpu.memory_space<vmem>> -> memref<1x100xi32, #tpu.memory_space<vmem>>
    %dma_start3A_34 = tpu.memref_squeeze %dma_start3A_33 : memref<1x100xi32, #tpu.memory_space<vmem>> -> memref<100xi32, #tpu.memory_space<vmem>>
    %dma_start3A_35 = arith.constant 0 : i32
    %dma_start3A_36 = arith.constant 0 : i32
    %dma_start3A_37 = tpu.memref_slice %arg3[%dma_start3A_35, %dma_start3A_36] : memref<100000x64xf32, #tpu.memory_space<hbm>> -> memref<100000x64xf32, #tpu.memory_space<hbm>>
    %dma_start3A_38 = tpu.memref_slice %arg18[%dma_start3A_31] : memref<4x!tpu.dma_semaphore, #tpu.memory_space<semaphore_mem>> -> memref<1x!tpu.dma_semaphore, #tpu.memory_space<semaphore_mem>>
    %dma_start3A_39 = tpu.memref_squeeze %dma_start3A_38 : memref<1x!tpu.dma_semaphore, #tpu.memory_space<semaphore_mem>> -> memref<!tpu.dma_semaphore, #tpu.memory_space<semaphore_mem>>
    tpu.enqueue_indirect_dma source(%dma_start3A_37 : memref<100000x64xf32, #tpu.memory_space<hbm>>) target(%arg11 : memref<100x64xf32, #tpu.memory_space<vmem>>) offsets(%dma_start3A_34 : memref<100xi32, #tpu.memory_space<vmem>>) semaphore(%dma_start3A_39 : memref<!tpu.dma_semaphore, #tpu.memory_space<semaphore_mem>>)
    %dma_start3A_40 = arith.constant 4 : i32
    %dma_start3A_41 = arith.constant 2 : i32
    %dma_start3A_42 = arith.constant 0 : i32
    %dma_start3A_43 = tpu.memref_slice %arg6[%dma_start3A_40, %dma_start3A_42] : memref<256x100xi32, #tpu.memory_space<vmem>> -> memref<1x100xi32, #tpu.memory_space<vmem>>
    %dma_start3A_44 = tpu.memref_squeeze %dma_start3A_43 : memref<1x100xi32, #tpu.memory_space<vmem>> -> memref<100xi32, #tpu.memory_space<vmem>>
    %dma_start3A_45 = arith.constant 0 : i32
    %dma_start3A_46 = arith.constant 0 : i32
    %dma_start3A_47 = tpu.memref_slice %arg3[%dma_start3A_45, %dma_start3A_46] : memref<100000x64xf32, #tpu.memory_space<hbm>> -> memref<100000x64xf32, #tpu.memory_space<hbm>>
    %dma_start3A_48 = tpu.memref_slice %arg18[%dma_start3A_41] : memref<4x!tpu.dma_semaphore, #tpu.memory_space<semaphore_mem>> -> memref<1x!tpu.dma_semaphore, #tpu.memory_space<semaphore_mem>>
    %dma_start3A_49 = tpu.memref_squeeze %dma_start3A_48 : memref<1x!tpu.dma_semaphore, #tpu.memory_space<semaphore_mem>> -> memref<!tpu.dma_semaphore, #tpu.memory_space<semaphore_mem>>
    tpu.enqueue_indirect_dma source(%dma_start3A_47 : memref<100000x64xf32, #tpu.memory_space<hbm>>) target(%arg12 : memref<100x64xf32, #tpu.memory_space<vmem>>) offsets(%dma_start3A_44 : memref<100xi32, #tpu.memory_space<vmem>>) semaphore(%dma_start3A_49 : memref<!tpu.dma_semaphore, #tpu.memory_space<semaphore_mem>>)
    %dma_start3A_50 = arith.constant 5 : i32
    %dma_start3A_51 = arith.constant 2 : i32
    %dma_start3A_52 = arith.constant 0 : i32
    %dma_start3A_53 = tpu.memref_slice %arg6[%dma_start3A_50, %dma_start3A_52] : memref<256x100xi32, #tpu.memory_space<vmem>> -> memref<1x100xi32, #tpu.memory_space<vmem>>
    %dma_start3A_54 = tpu.memref_squeeze %dma_start3A_53 : memref<1x100xi32, #tpu.memory_space<vmem>> -> memref<100xi32, #tpu.memory_space<vmem>>
    %dma_start3A_55 = arith.constant 0 : i32
    %dma_start3A_56 = arith.constant 0 : i32
    %dma_start3A_57 = tpu.memref_slice %arg3[%dma_start3A_55, %dma_start3A_56] : memref<100000x64xf32, #tpu.memory_space<hbm>> -> memref<100000x64xf32, #tpu.memory_space<hbm>>
    %dma_start3A_58 = tpu.memref_slice %arg18[%dma_start3A_51] : memref<4x!tpu.dma_semaphore, #tpu.memory_space<semaphore_mem>> -> memref<1x!tpu.dma_semaphore, #tpu.memory_space<semaphore_mem>>
    %dma_start3A_59 = tpu.memref_squeeze %dma_start3A_58 : memref<1x!tpu.dma_semaphore, #tpu.memory_space<semaphore_mem>> -> memref<!tpu.dma_semaphore, #tpu.memory_space<semaphore_mem>>
    tpu.enqueue_indirect_dma source(%dma_start3A_57 : memref<100000x64xf32, #tpu.memory_space<hbm>>) target(%arg13 : memref<100x64xf32, #tpu.memory_space<vmem>>) offsets(%dma_start3A_54 : memref<100xi32, #tpu.memory_space<vmem>>) semaphore(%dma_start3A_59 : memref<!tpu.dma_semaphore, #tpu.memory_space<semaphore_mem>>)
    %dma_start3A_60 = arith.constant 6 : i32
    %dma_start3A_61 = arith.constant 3 : i32
    %dma_start3A_62 = arith.constant 0 : i32
    %dma_start3A_63 = tpu.memref_slice %arg6[%dma_start3A_60, %dma_start3A_62] : memref<256x100xi32, #tpu.memory_space<vmem>> -> memref<1x100xi32, #tpu.memory_space<vmem>>
    %dma_start3A_64 = tpu.memref_squeeze %dma_start3A_63 : memref<1x100xi32, #tpu.memory_space<vmem>> -> memref<100xi32, #tpu.memory_space<vmem>>
    %dma_start3A_65 = arith.constant 0 : i32
    %dma_start3A_66 = arith.constant 0 : i32
    %dma_start3A_67 = tpu.memref_slice %arg3[%dma_start3A_65, %dma_start3A_66] : memref<100000x64xf32, #tpu.memory_space<hbm>> -> memref<100000x64xf32, #tpu.memory_space<hbm>>
    %dma_start3A_68 = tpu.memref_slice %arg18[%dma_start3A_61] : memref<4x!tpu.dma_semaphore, #tpu.memory_space<semaphore_mem>> -> memref<1x!tpu.dma_semaphore, #tpu.memory_space<semaphore_mem>>
    %dma_start3A_69 = tpu.memref_squeeze %dma_start3A_68 : memref<1x!tpu.dma_semaphore, #tpu.memory_space<semaphore_mem>> -> memref<!tpu.dma_semaphore, #tpu.memory_space<semaphore_mem>>
    tpu.enqueue_indirect_dma source(%dma_start3A_67 : memref<100000x64xf32, #tpu.memory_space<hbm>>) target(%arg14 : memref<100x64xf32, #tpu.memory_space<vmem>>) offsets(%dma_start3A_64 : memref<100xi32, #tpu.memory_space<vmem>>) semaphore(%dma_start3A_69 : memref<!tpu.dma_semaphore, #tpu.memory_space<semaphore_mem>>)
    %dma_start3A_70 = arith.constant 7 : i32
    %dma_start3A_71 = arith.constant 3 : i32
    %dma_start3A_72 = arith.constant 0 : i32
    %dma_start3A_73 = tpu.memref_slice %arg6[%dma_start3A_70, %dma_start3A_72] : memref<256x100xi32, #tpu.memory_space<vmem>> -> memref<1x100xi32, #tpu.memory_space<vmem>>
    %dma_start3A_74 = tpu.memref_squeeze %dma_start3A_73 : memref<1x100xi32, #tpu.memory_space<vmem>> -> memref<100xi32, #tpu.memory_space<vmem>>
    %dma_start3A_75 = arith.constant 0 : i32
    %dma_start3A_76 = arith.constant 0 : i32
    %dma_start3A_77 = tpu.memref_slice %arg3[%dma_start3A_75, %dma_start3A_76] : memref<100000x64xf32, #tpu.memory_space<hbm>> -> memref<100000x64xf32, #tpu.memory_space<hbm>>
    %dma_start3A_78 = tpu.memref_slice %arg18[%dma_start3A_71] : memref<4x!tpu.dma_semaphore, #tpu.memory_space<semaphore_mem>> -> memref<1x!tpu.dma_semaphore, #tpu.memory_space<semaphore_mem>>
    %dma_start3A_79 = tpu.memref_squeeze %dma_start3A_78 : memref<1x!tpu.dma_semaphore, #tpu.memory_space<semaphore_mem>> -> memref<!tpu.dma_semaphore, #tpu.memory_space<semaphore_mem>>
    tpu.enqueue_indirect_dma source(%dma_start3A_77 : memref<100000x64xf32, #tpu.memory_space<hbm>>) target(%arg15 : memref<100x64xf32, #tpu.memory_space<vmem>>) offsets(%dma_start3A_74 : memref<100xi32, #tpu.memory_space<vmem>>) semaphore(%dma_start3A_79 : memref<!tpu.dma_semaphore, #tpu.memory_space<semaphore_mem>>)
    %scan3A = arith.constant 0 : i32
    %scan3A_80 = arith.constant 32 : i32
    %scan3A_81 = arith.addi %scan3A, %scan3A_80 : i32
    %scan3A_82 = arith.constant 1 : i32
    scf.for %scan3A_109 = %scan3A to %scan3A_81 step %scan3A_82  : i32 {
      %mul3A_110 = arith.constant 1 : i32
      %mul3A_111 = arith.muli %scan3A_109, %mul3A_110 : i32
      %add3A_112 = arith.constant 0 : i32
      %add3A_113 = arith.addi %add3A_112, %mul3A_111 : i32
      %mul3A_114 = arith.constant 4 : i32
      %mul3A_115 = arith.muli %add3A_113, %mul3A_114 : i32
      %add3A_116 = arith.constant 0 : i32
      %add3A_117 = arith.addi %mul3A_115, %add3A_116 : i32
      %mul3A_118 = arith.constant 2 : i32
      %mul3A_119 = arith.muli %mul3A_118, %add3A_117 : i32
      %add3A_120 = arith.constant 0 : i32
      %add3A_121 = arith.addi %mul3A_119, %add3A_120 : i32
      %dma_wait3A_122 = arith.constant 0 : i32
      %dma_wait3A_123 = arith.constant 0 : i32
      %dma_wait3A_124 = tpu.memref_slice %arg6[%add3A_121, %dma_wait3A_123] : memref<256x100xi32, #tpu.memory_space<vmem>> -> memref<1x100xi32, #tpu.memory_space<vmem>>
      %dma_wait3A_125 = tpu.memref_squeeze %dma_wait3A_124 : memref<1x100xi32, #tpu.memory_space<vmem>> -> memref<100xi32, #tpu.memory_space<vmem>>
      %dma_wait3A_126 = arith.constant 0 : i32
      %dma_wait3A_127 = arith.constant 0 : i32
      %dma_wait3A_128 = tpu.memref_slice %arg3[%dma_wait3A_126, %dma_wait3A_127] : memref<100000x64xf32, #tpu.memory_space<hbm>> -> memref<100000x64xf32, #tpu.memory_space<hbm>>
      %dma_wait3A_129 = tpu.memref_slice %arg18[%dma_wait3A_122] : memref<4x!tpu.dma_semaphore, #tpu.memory_space<semaphore_mem>> -> memref<1x!tpu.dma_semaphore, #tpu.memory_space<semaphore_mem>>
      %dma_wait3A_130 = tpu.memref_squeeze %dma_wait3A_129 : memref<1x!tpu.dma_semaphore, #tpu.memory_space<semaphore_mem>> -> memref<!tpu.dma_semaphore, #tpu.memory_space<semaphore_mem>>
      tpu.wait_indirect_dma semaphore(%dma_wait3A_130 : memref<!tpu.dma_semaphore, #tpu.memory_space<semaphore_mem>>) src(%dma_wait3A_128 : memref<100000x64xf32, #tpu.memory_space<hbm>>) dst(%arg8 : memref<100x64xf32, #tpu.memory_space<vmem>>)
      %mul3A_131 = arith.constant 2 : i32
      %mul3A_132 = arith.muli %mul3A_131, %add3A_117 : i32
      %add3A_133 = arith.constant 1 : i32
      %add3A_134 = arith.addi %mul3A_132, %add3A_133 : i32
      %dma_wait3A_135 = arith.constant 0 : i32
      %dma_wait3A_136 = arith.constant 0 : i32
      %dma_wait3A_137 = tpu.memref_slice %arg6[%add3A_134, %dma_wait3A_136] : memref<256x100xi32, #tpu.memory_space<vmem>> -> memref<1x100xi32, #tpu.memory_space<vmem>>
      %dma_wait3A_138 = tpu.memref_squeeze %dma_wait3A_137 : memref<1x100xi32, #tpu.memory_space<vmem>> -> memref<100xi32, #tpu.memory_space<vmem>>
      %dma_wait3A_139 = arith.constant 0 : i32
      %dma_wait3A_140 = arith.constant 0 : i32
      %dma_wait3A_141 = tpu.memref_slice %arg3[%dma_wait3A_139, %dma_wait3A_140] : memref<100000x64xf32, #tpu.memory_space<hbm>> -> memref<100000x64xf32, #tpu.memory_space<hbm>>
      %dma_wait3A_142 = tpu.memref_slice %arg18[%dma_wait3A_135] : memref<4x!tpu.dma_semaphore, #tpu.memory_space<semaphore_mem>> -> memref<1x!tpu.dma_semaphore, #tpu.memory_space<semaphore_mem>>
      %dma_wait3A_143 = tpu.memref_squeeze %dma_wait3A_142 : memref<1x!tpu.dma_semaphore, #tpu.memory_space<semaphore_mem>> -> memref<!tpu.dma_semaphore, #tpu.memory_space<semaphore_mem>>
      tpu.wait_indirect_dma semaphore(%dma_wait3A_143 : memref<!tpu.dma_semaphore, #tpu.memory_space<semaphore_mem>>) src(%dma_wait3A_141 : memref<100000x64xf32, #tpu.memory_space<hbm>>) dst(%arg9 : memref<100x64xf32, #tpu.memory_space<vmem>>)
      %ge3A = arith.constant 2 : i32
      %ge3A_144 = arith.cmpi sge, %add3A_117, %ge3A : i32
      %convert_element_type3A = arith.extui %ge3A_144 : i1 to i32
      %cond3A = arith.constant 0 : i32
      %cond3A_145 = arith.cmpi ne, %convert_element_type3A, %cond3A : i32
      scf.if %cond3A_145 {
        %sub3A = arith.constant 2 : i32
        %sub3A_349 = arith.subi %add3A_117, %sub3A : i32
        %mul3A_350 = arith.constant 128 : i32
        %mul3A_351 = arith.muli %add3A, %mul3A_350 : i32
        %add3A_352 = arith.addi %mul3A_351, %sub3A_349 : i32
        %mul3A_353 = arith.constant 200 : i32
        %mul3A_354 = arith.muli %add3A_352, %mul3A_353 : i32
        %dma_wait3A_355 = arith.constant 0 : i32
        %dma_wait3A_356 = arith.constant 0 : i32
        %dma_wait3A_357 = tpu.memref_slice %arg5[%mul3A_354, %dma_wait3A_356] : memref<819200x64xf32, #tpu.memory_space<hbm>> -> memref<200x64xf32, #tpu.memory_space<hbm>>
        %dma_wait3A_358 = tpu.memref_slice %arg19[%dma_wait3A_355] : memref<2x!tpu.dma_semaphore, #tpu.memory_space<semaphore_mem>> -> memref<1x!tpu.dma_semaphore, #tpu.memory_space<semaphore_mem>>
        %dma_wait3A_359 = tpu.memref_squeeze %dma_wait3A_358 : memref<1x!tpu.dma_semaphore, #tpu.memory_space<semaphore_mem>> -> memref<!tpu.dma_semaphore, #tpu.memory_space<semaphore_mem>>
        %dma_wait3A_360 = arith.constant 0 : i32
        %dma_wait3A_361 = tpu.memref_slice %arg5[%mul3A_354, %dma_wait3A_360] : memref<819200x64xf32, #tpu.memory_space<hbm>> -> memref<200x64xf32, #tpu.memory_space<hbm>>
        tpu.wait_dma2 semaphore(%dma_wait3A_359 : memref<!tpu.dma_semaphore, #tpu.memory_space<semaphore_mem>>) src(%arg16 : memref<200x64xf32, #tpu.memory_space<vmem>>) dst(%dma_wait3A_361 : memref<200x64xf32, #tpu.memory_space<hbm>>)
      } else {
      }
      %parallel_loop3A = arith.constant 0 : i32
      %parallel_loop3A_146 = arith.constant 100 : i32
      %parallel_loop3A_147 = arith.constant 1 : i32
      scf.for %parallel_loop3A_349 = %parallel_loop3A to %parallel_loop3A_146 step %parallel_loop3A_147  : i32 {
        %parallel_loop3A_350 = arith.index_cast %parallel_loop3A_349 : i32 to index
        %parallel_loop3A_351 = arith.constant 0 : index
        %parallel_loop3A_352 = tpu.vector_load %arg8[%parallel_loop3A_350, %parallel_loop3A_351] {strides = array<i32>} : memref<100x64xf32, #tpu.memory_space<vmem>>, vector<1x16xf32>,
        %parallel_loop3A_353 = vector.shape_cast %parallel_loop3A_352 : vector<1x16xf32> to vector<16xf32>
        %parallel_loop3A_354 = arith.constant 0 : i32
        %parallel_loop3A_355 = arith.addi %parallel_loop3A_354, %parallel_loop3A_349 : i32
        %parallel_loop3A_356 = arith.index_cast %parallel_loop3A_355 : i32 to index
        %parallel_loop3A_357 = arith.constant 0 : index
        %parallel_loop3A_358 = tpu.vector_load %arg7[%parallel_loop3A_356, %parallel_loop3A_357] {strides = array<i32>} : memref<200x64xf32, #tpu.memory_space<vmem>>, vector<1x16xf32>,
        %parallel_loop3A_359 = vector.shape_cast %parallel_loop3A_358 : vector<1x16xf32> to vector<16xf32>
        %parallel_loop3A_360 = arith.addf %parallel_loop3A_353, %parallel_loop3A_359 : vector<16xf32>
        %parallel_loop3A_361 = arith.constant 0 : i32
        %parallel_loop3A_362 = arith.addi %parallel_loop3A_361, %parallel_loop3A_349 : i32
        %parallel_loop3A_363 = arith.index_cast %parallel_loop3A_362 : i32 to index
        %parallel_loop3A_364 = arith.constant 0 : index
        %parallel_loop3A_365 = tpu.vector_load %arg16[%parallel_loop3A_363, %parallel_loop3A_364] {strides = array<i32>} : memref<200x64xf32, #tpu.memory_space<vmem>>, vector<1x16xf32>,
        %parallel_loop3A_366 = vector.shape_cast %parallel_loop3A_365 : vector<1x16xf32> to vector<16xf32>
        %parallel_loop3A_367 = vector.shape_cast %parallel_loop3A_360 : vector<16xf32> to vector<1x16xf32>
        tpu.vector_store %arg16[%parallel_loop3A_363, %parallel_loop3A_364], %parallel_loop3A_367 {strides = array<i32>} : memref<200x64xf32, #tpu.memory_space<vmem>>, vector<1x16xf32>,
        %parallel_loop3A_368 = arith.index_cast %parallel_loop3A_349 : i32 to index
        %parallel_loop3A_369 = arith.constant 16 : index
        %parallel_loop3A_370 = tpu.vector_load %arg8[%parallel_loop3A_368, %parallel_loop3A_369] {strides = array<i32>} : memref<100x64xf32, #tpu.memory_space<vmem>>, vector<1x16xf32>,
        %parallel_loop3A_371 = vector.shape_cast %parallel_loop3A_370 : vector<1x16xf32> to vector<16xf32>
        %parallel_loop3A_372 = arith.constant 0 : i32
        %parallel_loop3A_373 = arith.addi %parallel_loop3A_372, %parallel_loop3A_349 : i32
        %parallel_loop3A_374 = arith.index_cast %parallel_loop3A_373 : i32 to index
        %parallel_loop3A_375 = arith.constant 16 : index
        %parallel_loop3A_376 = tpu.vector_load %arg7[%parallel_loop3A_374, %parallel_loop3A_375] {strides = array<i32>} : memref<200x64xf32, #tpu.memory_space<vmem>>, vector<1x16xf32>,
        %parallel_loop3A_377 = vector.shape_cast %parallel_loop3A_376 : vector<1x16xf32> to vector<16xf32>
        %parallel_loop3A_378 = arith.addf %parallel_loop3A_371, %parallel_loop3A_377 : vector<16xf32>
        %parallel_loop3A_379 = arith.constant 0 : i32
        %parallel_loop3A_380 = arith.addi %parallel_loop3A_379, %parallel_loop3A_349 : i32
        %parallel_loop3A_381 = arith.index_cast %parallel_loop3A_380 : i32 to index
        %parallel_loop3A_382 = arith.constant 16 : index
        %parallel_loop3A_383 = tpu.vector_load %arg16[%parallel_loop3A_381, %parallel_loop3A_382] {strides = array<i32>} : memref<200x64xf32, #tpu.memory_space<vmem>>, vector<1x16xf32>,
        %parallel_loop3A_384 = vector.shape_cast %parallel_loop3A_383 : vector<1x16xf32> to vector<16xf32>
        %parallel_loop3A_385 = vector.shape_cast %parallel_loop3A_378 : vector<16xf32> to vector<1x16xf32>
        tpu.vector_store %arg16[%parallel_loop3A_381, %parallel_loop3A_382], %parallel_loop3A_385 {strides = array<i32>} : memref<200x64xf32, #tpu.memory_space<vmem>>, vector<1x16xf32>,
        %parallel_loop3A_386 = arith.index_cast %parallel_loop3A_349 : i32 to index
        %parallel_loop3A_387 = arith.constant 32 : index
        %parallel_loop3A_388 = tpu.vector_load %arg8[%parallel_loop3A_386, %parallel_loop3A_387] {strides = array<i32>} : memref<100x64xf32, #tpu.memory_space<vmem>>, vector<1x16xf32>,
        %parallel_loop3A_389 = vector.shape_cast %parallel_loop3A_388 : vector<1x16xf32> to vector<16xf32>
        %parallel_loop3A_390 = arith.constant 0 : i32
        %parallel_loop3A_391 = arith.addi %parallel_loop3A_390, %parallel_loop3A_349 : i32
        %parallel_loop3A_392 = arith.index_cast %parallel_loop3A_391 : i32 to index
        %parallel_loop3A_393 = arith.constant 32 : index
        %parallel_loop3A_394 = tpu.vector_load %arg7[%parallel_loop3A_392, %parallel_loop3A_393] {strides = array<i32>} : memref<200x64xf32, #tpu.memory_space<vmem>>, vector<1x16xf32>,
        %parallel_loop3A_395 = vector.shape_cast %parallel_loop3A_394 : vector<1x16xf32> to vector<16xf32>
        %parallel_loop3A_396 = arith.addf %parallel_loop3A_389, %parallel_loop3A_395 : vector<16xf32>
        %parallel_loop3A_397 = arith.constant 0 : i32
        %parallel_loop3A_398 = arith.addi %parallel_loop3A_397, %parallel_loop3A_349 : i32
        %parallel_loop3A_399 = arith.index_cast %parallel_loop3A_398 : i32 to index
        %parallel_loop3A_400 = arith.constant 32 : index
        %parallel_loop3A_401 = tpu.vector_load %arg16[%parallel_loop3A_399, %parallel_loop3A_400] {strides = array<i32>} : memref<200x64xf32, #tpu.memory_space<vmem>>, vector<1x16xf32>,
        %parallel_loop3A_402 = vector.shape_cast %parallel_loop3A_401 : vector<1x16xf32> to vector<16xf32>
        %parallel_loop3A_403 = vector.shape_cast %parallel_loop3A_396 : vector<16xf32> to vector<1x16xf32>
        tpu.vector_store %arg16[%parallel_loop3A_399, %parallel_loop3A_400], %parallel_loop3A_403 {strides = array<i32>} : memref<200x64xf32, #tpu.memory_space<vmem>>, vector<1x16xf32>,
        %parallel_loop3A_404 = arith.index_cast %parallel_loop3A_349 : i32 to index
        %parallel_loop3A_405 = arith.constant 48 : index
        %parallel_loop3A_406 = tpu.vector_load %arg8[%parallel_loop3A_404, %parallel_loop3A_405] {strides = array<i32>} : memref<100x64xf32, #tpu.memory_space<vmem>>, vector<1x16xf32>,
        %parallel_loop3A_407 = vector.shape_cast %parallel_loop3A_406 : vector<1x16xf32> to vector<16xf32>
        %parallel_loop3A_408 = arith.constant 0 : i32
        %parallel_loop3A_409 = arith.addi %parallel_loop3A_408, %parallel_loop3A_349 : i32
        %parallel_loop3A_410 = arith.index_cast %parallel_loop3A_409 : i32 to index
        %parallel_loop3A_411 = arith.constant 48 : index
        %parallel_loop3A_412 = tpu.vector_load %arg7[%parallel_loop3A_410, %parallel_loop3A_411] {strides = array<i32>} : memref<200x64xf32, #tpu.memory_space<vmem>>, vector<1x16xf32>,
        %parallel_loop3A_413 = vector.shape_cast %parallel_loop3A_412 : vector<1x16xf32> to vector<16xf32>
        %parallel_loop3A_414 = arith.addf %parallel_loop3A_407, %parallel_loop3A_413 : vector<16xf32>
        %parallel_loop3A_415 = arith.constant 0 : i32
        %parallel_loop3A_416 = arith.addi %parallel_loop3A_415, %parallel_loop3A_349 : i32
        %parallel_loop3A_417 = arith.index_cast %parallel_loop3A_416 : i32 to index
        %parallel_loop3A_418 = arith.constant 48 : index
        %parallel_loop3A_419 = tpu.vector_load %arg16[%parallel_loop3A_417, %parallel_loop3A_418] {strides = array<i32>} : memref<200x64xf32, #tpu.memory_space<vmem>>, vector<1x16xf32>,
        %parallel_loop3A_420 = vector.shape_cast %parallel_loop3A_419 : vector<1x16xf32> to vector<16xf32>
        %parallel_loop3A_421 = vector.shape_cast %parallel_loop3A_414 : vector<16xf32> to vector<1x16xf32>
        tpu.vector_store %arg16[%parallel_loop3A_417, %parallel_loop3A_418], %parallel_loop3A_421 {strides = array<i32>} : memref<200x64xf32, #tpu.memory_space<vmem>>, vector<1x16xf32>,
      } {sc.loop_unroll_factor = 4 : i64, sc.parallel_access}
      %parallel_loop3A_148 = arith.constant 0 : i32
      %parallel_loop3A_149 = arith.constant 100 : i32
      %parallel_loop3A_150 = arith.constant 1 : i32
      scf.for %parallel_loop3A_349 = %parallel_loop3A_148 to %parallel_loop3A_149 step %parallel_loop3A_150  : i32 {
        %parallel_loop3A_350 = arith.index_cast %parallel_loop3A_349 : i32 to index
        %parallel_loop3A_351 = arith.constant 0 : index
        %parallel_loop3A_352 = tpu.vector_load %arg9[%parallel_loop3A_350, %parallel_loop3A_351] {strides = array<i32>} : memref<100x64xf32, #tpu.memory_space<vmem>>, vector<1x16xf32>,
        %parallel_loop3A_353 = vector.shape_cast %parallel_loop3A_352 : vector<1x16xf32> to vector<16xf32>
        %parallel_loop3A_354 = arith.constant 100 : i32
        %parallel_loop3A_355 = arith.addi %parallel_loop3A_354, %parallel_loop3A_349 : i32
        %parallel_loop3A_356 = arith.index_cast %parallel_loop3A_355 : i32 to index
        %parallel_loop3A_357 = arith.constant 0 : index
        %parallel_loop3A_358 = tpu.vector_load %arg7[%parallel_loop3A_356, %parallel_loop3A_357] {strides = array<i32>} : memref<200x64xf32, #tpu.memory_space<vmem>>, vector<1x16xf32>,
        %parallel_loop3A_359 = vector.shape_cast %parallel_loop3A_358 : vector<1x16xf32> to vector<16xf32>
        %parallel_loop3A_360 = arith.addf %parallel_loop3A_353, %parallel_loop3A_359 : vector<16xf32>
        %parallel_loop3A_361 = arith.constant 100 : i32
        %parallel_loop3A_362 = arith.addi %parallel_loop3A_361, %parallel_loop3A_349 : i32
        %parallel_loop3A_363 = arith.index_cast %parallel_loop3A_362 : i32 to index
        %parallel_loop3A_364 = arith.constant 0 : index
        %parallel_loop3A_365 = tpu.vector_load %arg16[%parallel_loop3A_363, %parallel_loop3A_364] {strides = array<i32>} : memref<200x64xf32, #tpu.memory_space<vmem>>, vector<1x16xf32>,
        %parallel_loop3A_366 = vector.shape_cast %parallel_loop3A_365 : vector<1x16xf32> to vector<16xf32>
        %parallel_loop3A_367 = vector.shape_cast %parallel_loop3A_360 : vector<16xf32> to vector<1x16xf32>
        tpu.vector_store %arg16[%parallel_loop3A_363, %parallel_loop3A_364], %parallel_loop3A_367 {strides = array<i32>} : memref<200x64xf32, #tpu.memory_space<vmem>>, vector<1x16xf32>,
        %parallel_loop3A_368 = arith.index_cast %parallel_loop3A_349 : i32 to index
        %parallel_loop3A_369 = arith.constant 16 : index
        %parallel_loop3A_370 = tpu.vector_load %arg9[%parallel_loop3A_368, %parallel_loop3A_369] {strides = array<i32>} : memref<100x64xf32, #tpu.memory_space<vmem>>, vector<1x16xf32>,
        %parallel_loop3A_371 = vector.shape_cast %parallel_loop3A_370 : vector<1x16xf32> to vector<16xf32>
        %parallel_loop3A_372 = arith.constant 100 : i32
        %parallel_loop3A_373 = arith.addi %parallel_loop3A_372, %parallel_loop3A_349 : i32
        %parallel_loop3A_374 = arith.index_cast %parallel_loop3A_373 : i32 to index
        %parallel_loop3A_375 = arith.constant 16 : index
        %parallel_loop3A_376 = tpu.vector_load %arg7[%parallel_loop3A_374, %parallel_loop3A_375] {strides = array<i32>} : memref<200x64xf32, #tpu.memory_space<vmem>>, vector<1x16xf32>,
        %parallel_loop3A_377 = vector.shape_cast %parallel_loop3A_376 : vector<1x16xf32> to vector<16xf32>
        %parallel_loop3A_378 = arith.addf %parallel_loop3A_371, %parallel_loop3A_377 : vector<16xf32>
        %parallel_loop3A_379 = arith.constant 100 : i32
        %parallel_loop3A_380 = arith.addi %parallel_loop3A_379, %parallel_loop3A_349 : i32
        %parallel_loop3A_381 = arith.index_cast %parallel_loop3A_380 : i32 to index
        %parallel_loop3A_382 = arith.constant 16 : index
        %parallel_loop3A_383 = tpu.vector_load %arg16[%parallel_loop3A_381, %parallel_loop3A_382] {strides = array<i32>} : memref<200x64xf32, #tpu.memory_space<vmem>>, vector<1x16xf32>,
        %parallel_loop3A_384 = vector.shape_cast %parallel_loop3A_383 : vector<1x16xf32> to vector<16xf32>
        %parallel_loop3A_385 = vector.shape_cast %parallel_loop3A_378 : vector<16xf32> to vector<1x16xf32>
        tpu.vector_store %arg16[%parallel_loop3A_381, %parallel_loop3A_382], %parallel_loop3A_385 {strides = array<i32>} : memref<200x64xf32, #tpu.memory_space<vmem>>, vector<1x16xf32>,
        %parallel_loop3A_386 = arith.index_cast %parallel_loop3A_349 : i32 to index
        %parallel_loop3A_387 = arith.constant 32 : index
        %parallel_loop3A_388 = tpu.vector_load %arg9[%parallel_loop3A_386, %parallel_loop3A_387] {strides = array<i32>} : memref<100x64xf32, #tpu.memory_space<vmem>>, vector<1x16xf32>,
        %parallel_loop3A_389 = vector.shape_cast %parallel_loop3A_388 : vector<1x16xf32> to vector<16xf32>
        %parallel_loop3A_390 = arith.constant 100 : i32
        %parallel_loop3A_391 = arith.addi %parallel_loop3A_390, %parallel_loop3A_349 : i32
        %parallel_loop3A_392 = arith.index_cast %parallel_loop3A_391 : i32 to index
        %parallel_loop3A_393 = arith.constant 32 : index
        %parallel_loop3A_394 = tpu.vector_load %arg7[%parallel_loop3A_392, %parallel_loop3A_393] {strides = array<i32>} : memref<200x64xf32, #tpu.memory_space<vmem>>, vector<1x16xf32>,
        %parallel_loop3A_395 = vector.shape_cast %parallel_loop3A_394 : vector<1x16xf32> to vector<16xf32>
        %parallel_loop3A_396 = arith.addf %parallel_loop3A_389, %parallel_loop3A_395 : vector<16xf32>
        %parallel_loop3A_397 = arith.constant 100 : i32
        %parallel_loop3A_398 = arith.addi %parallel_loop3A_397, %parallel_loop3A_349 : i32
        %parallel_loop3A_399 = arith.index_cast %parallel_loop3A_398 : i32 to index
        %parallel_loop3A_400 = arith.constant 32 : index
        %parallel_loop3A_401 = tpu.vector_load %arg16[%parallel_loop3A_399, %parallel_loop3A_400] {strides = array<i32>} : memref<200x64xf32, #tpu.memory_space<vmem>>, vector<1x16xf32>,
        %parallel_loop3A_402 = vector.shape_cast %parallel_loop3A_401 : vector<1x16xf32> to vector<16xf32>
        %parallel_loop3A_403 = vector.shape_cast %parallel_loop3A_396 : vector<16xf32> to vector<1x16xf32>
        tpu.vector_store %arg16[%parallel_loop3A_399, %parallel_loop3A_400], %parallel_loop3A_403 {strides = array<i32>} : memref<200x64xf32, #tpu.memory_space<vmem>>, vector<1x16xf32>,
        %parallel_loop3A_404 = arith.index_cast %parallel_loop3A_349 : i32 to index
        %parallel_loop3A_405 = arith.constant 48 : index
        %parallel_loop3A_406 = tpu.vector_load %arg9[%parallel_loop3A_404, %parallel_loop3A_405] {strides = array<i32>} : memref<100x64xf32, #tpu.memory_space<vmem>>, vector<1x16xf32>,
        %parallel_loop3A_407 = vector.shape_cast %parallel_loop3A_406 : vector<1x16xf32> to vector<16xf32>
        %parallel_loop3A_408 = arith.constant 100 : i32
        %parallel_loop3A_409 = arith.addi %parallel_loop3A_408, %parallel_loop3A_349 : i32
        %parallel_loop3A_410 = arith.index_cast %parallel_loop3A_409 : i32 to index
        %parallel_loop3A_411 = arith.constant 48 : index
        %parallel_loop3A_412 = tpu.vector_load %arg7[%parallel_loop3A_410, %parallel_loop3A_411] {strides = array<i32>} : memref<200x64xf32, #tpu.memory_space<vmem>>, vector<1x16xf32>,
        %parallel_loop3A_413 = vector.shape_cast %parallel_loop3A_412 : vector<1x16xf32> to vector<16xf32>
        %parallel_loop3A_414 = arith.addf %parallel_loop3A_407, %parallel_loop3A_413 : vector<16xf32>
        %parallel_loop3A_415 = arith.constant 100 : i32
        %parallel_loop3A_416 = arith.addi %parallel_loop3A_415, %parallel_loop3A_349 : i32
        %parallel_loop3A_417 = arith.index_cast %parallel_loop3A_416 : i32 to index
        %parallel_loop3A_418 = arith.constant 48 : index
        %parallel_loop3A_419 = tpu.vector_load %arg16[%parallel_loop3A_417, %parallel_loop3A_418] {strides = array<i32>} : memref<200x64xf32, #tpu.memory_space<vmem>>, vector<1x16xf32>,
        %parallel_loop3A_420 = vector.shape_cast %parallel_loop3A_419 : vector<1x16xf32> to vector<16xf32>
        %parallel_loop3A_421 = vector.shape_cast %parallel_loop3A_414 : vector<16xf32> to vector<1x16xf32>
        tpu.vector_store %arg16[%parallel_loop3A_417, %parallel_loop3A_418], %parallel_loop3A_421 {strides = array<i32>} : memref<200x64xf32, #tpu.memory_space<vmem>>, vector<1x16xf32>,
      } {sc.loop_unroll_factor = 4 : i64, sc.parallel_access}
      %mul3A_151 = arith.constant 128 : i32
      %mul3A_152 = arith.muli %add3A, %mul3A_151 : i32
      %add3A_153 = arith.addi %mul3A_152, %add3A_117 : i32
      %mul3A_154 = arith.constant 200 : i32
      %mul3A_155 = arith.muli %add3A_153, %mul3A_154 : i32
      %dma_start3A_156 = arith.constant 0 : i32
      %dma_start3A_157 = arith.constant 0 : i32
      %dma_start3A_158 = tpu.memref_slice %arg5[%mul3A_155, %dma_start3A_157] : memref<819200x64xf32, #tpu.memory_space<hbm>> -> memref<200x64xf32, #tpu.memory_space<hbm>>
      %dma_start3A_159 = tpu.memref_slice %arg19[%dma_start3A_156] : memref<2x!tpu.dma_semaphore, #tpu.memory_space<semaphore_mem>> -> memref<1x!tpu.dma_semaphore, #tpu.memory_space<semaphore_mem>>
      %dma_start3A_160 = tpu.memref_squeeze %dma_start3A_159 : memref<1x!tpu.dma_semaphore, #tpu.memory_space<semaphore_mem>> -> memref<!tpu.dma_semaphore, #tpu.memory_space<semaphore_mem>>
      %dma_start3A_161 = arith.constant 0 : i32
      %dma_start3A_162 = tpu.memref_slice %arg5[%mul3A_155, %dma_start3A_161] : memref<819200x64xf32, #tpu.memory_space<hbm>> -> memref<200x64xf32, #tpu.memory_space<hbm>>
      tpu.enqueue_dma source(%arg16 : memref<200x64xf32, #tpu.memory_space<vmem>>) target(%dma_start3A_162 : memref<200x64xf32, #tpu.memory_space<hbm>>) target_semaphore(%dma_start3A_160 : memref<!tpu.dma_semaphore, #tpu.memory_space<semaphore_mem>>)
      %add3A_163 = arith.constant 4 : i32
      %add3A_164 = arith.addi %add3A_117, %add3A_163 : i32
      %lt3A = arith.constant 128 : i32
      %lt3A_165 = arith.cmpi slt, %add3A_164, %lt3A : i32
      %convert_element_type3A_166 = arith.extui %lt3A_165 : i1 to i32
      %cond3A_167 = arith.constant 0 : i32
      %cond3A_168 = arith.cmpi ne, %convert_element_type3A_166, %cond3A_167 : i32
      scf.if %cond3A_168 {
        %mul3A_349 = arith.constant 2 : i32
        %mul3A_350 = arith.muli %mul3A_349, %add3A_164 : i32
        %add3A_351 = arith.constant 0 : i32
        %add3A_352 = arith.addi %mul3A_350, %add3A_351 : i32
        %dma_start3A_353 = arith.constant 0 : i32
        %dma_start3A_354 = arith.constant 0 : i32
        %dma_start3A_355 = tpu.memref_slice %arg6[%add3A_352, %dma_start3A_354] : memref<256x100xi32, #tpu.memory_space<vmem>> -> memref<1x100xi32, #tpu.memory_space<vmem>>
        %dma_start3A_356 = tpu.memref_squeeze %dma_start3A_355 : memref<1x100xi32, #tpu.memory_space<vmem>> -> memref<100xi32, #tpu.memory_space<vmem>>
        %dma_start3A_357 = arith.constant 0 : i32
        %dma_start3A_358 = arith.constant 0 : i32
        %dma_start3A_359 = tpu.memref_slice %arg3[%dma_start3A_357, %dma_start3A_358] : memref<100000x64xf32, #tpu.memory_space<hbm>> -> memref<100000x64xf32, #tpu.memory_space<hbm>>
        %dma_start3A_360 = tpu.memref_slice %arg18[%dma_start3A_353] : memref<4x!tpu.dma_semaphore, #tpu.memory_space<semaphore_mem>> -> memref<1x!tpu.dma_semaphore, #tpu.memory_space<semaphore_mem>>
        %dma_start3A_361 = tpu.memref_squeeze %dma_start3A_360 : memref<1x!tpu.dma_semaphore, #tpu.memory_space<semaphore_mem>> -> memref<!tpu.dma_semaphore, #tpu.memory_space<semaphore_mem>>
        tpu.enqueue_indirect_dma source(%dma_start3A_359 : memref<100000x64xf32, #tpu.memory_space<hbm>>) target(%arg8 : memref<100x64xf32, #tpu.memory_space<vmem>>) offsets(%dma_start3A_356 : memref<100xi32, #tpu.memory_space<vmem>>) semaphore(%dma_start3A_361 : memref<!tpu.dma_semaphore, #tpu.memory_space<semaphore_mem>>)
        %mul3A_362 = arith.constant 2 : i32
        %mul3A_363 = arith.muli %mul3A_362, %add3A_164 : i32
        %add3A_364 = arith.constant 1 : i32
        %add3A_365 = arith.addi %mul3A_363, %add3A_364 : i32
        %dma_start3A_366 = arith.constant 0 : i32
        %dma_start3A_367 = arith.constant 0 : i32
        %dma_start3A_368 = tpu.memref_slice %arg6[%add3A_365, %dma_start3A_367] : memref<256x100xi32, #tpu.memory_space<vmem>> -> memref<1x100xi32, #tpu.memory_space<vmem>>
        %dma_start3A_369 = tpu.memref_squeeze %dma_start3A_368 : memref<1x100xi32, #tpu.memory_space<vmem>> -> memref<100xi32, #tpu.memory_space<vmem>>
        %dma_start3A_370 = arith.constant 0 : i32
        %dma_start3A_371 = arith.constant 0 : i32
        %dma_start3A_372 = tpu.memref_slice %arg3[%dma_start3A_370, %dma_start3A_371] : memref<100000x64xf32, #tpu.memory_space<hbm>> -> memref<100000x64xf32, #tpu.memory_space<hbm>>
        %dma_start3A_373 = tpu.memref_slice %arg18[%dma_start3A_366] : memref<4x!tpu.dma_semaphore, #tpu.memory_space<semaphore_mem>> -> memref<1x!tpu.dma_semaphore, #tpu.memory_space<semaphore_mem>>
        %dma_start3A_374 = tpu.memref_squeeze %dma_start3A_373 : memref<1x!tpu.dma_semaphore, #tpu.memory_space<semaphore_mem>> -> memref<!tpu.dma_semaphore, #tpu.memory_space<semaphore_mem>>
        tpu.enqueue_indirect_dma source(%dma_start3A_372 : memref<100000x64xf32, #tpu.memory_space<hbm>>) target(%arg9 : memref<100x64xf32, #tpu.memory_space<vmem>>) offsets(%dma_start3A_369 : memref<100xi32, #tpu.memory_space<vmem>>) semaphore(%dma_start3A_374 : memref<!tpu.dma_semaphore, #tpu.memory_space<semaphore_mem>>)
      } else {
      }
      %mul3A_169 = arith.constant 4 : i32
      %mul3A_170 = arith.muli %add3A_113, %mul3A_169 : i32
      %add3A_171 = arith.constant 1 : i32
      %add3A_172 = arith.addi %mul3A_170, %add3A_171 : i32
      %mul3A_173 = arith.constant 2 : i32
      %mul3A_174 = arith.muli %mul3A_173, %add3A_172 : i32
      %add3A_175 = arith.constant 0 : i32
      %add3A_176 = arith.addi %mul3A_174, %add3A_175 : i32
      %dma_wait3A_177 = arith.constant 1 : i32
      %dma_wait3A_178 = arith.constant 0 : i32
      %dma_wait3A_179 = tpu.memref_slice %arg6[%add3A_176, %dma_wait3A_178] : memref<256x100xi32, #tpu.memory_space<vmem>> -> memref<1x100xi32, #tpu.memory_space<vmem>>
      %dma_wait3A_180 = tpu.memref_squeeze %dma_wait3A_179 : memref<1x100xi32, #tpu.memory_space<vmem>> -> memref<100xi32, #tpu.memory_space<vmem>>
      %dma_wait3A_181 = arith.constant 0 : i32
      %dma_wait3A_182 = arith.constant 0 : i32
      %dma_wait3A_183 = tpu.memref_slice %arg3[%dma_wait3A_181, %dma_wait3A_182] : memref<100000x64xf32, #tpu.memory_space<hbm>> -> memref<100000x64xf32, #tpu.memory_space<hbm>>
      %dma_wait3A_184 = tpu.memref_slice %arg18[%dma_wait3A_177] : memref<4x!tpu.dma_semaphore, #tpu.memory_space<semaphore_mem>> -> memref<1x!tpu.dma_semaphore, #tpu.memory_space<semaphore_mem>>
      %dma_wait3A_185 = tpu.memref_squeeze %dma_wait3A_184 : memref<1x!tpu.dma_semaphore, #tpu.memory_space<semaphore_mem>> -> memref<!tpu.dma_semaphore, #tpu.memory_space<semaphore_mem>>
      tpu.wait_indirect_dma semaphore(%dma_wait3A_185 : memref<!tpu.dma_semaphore, #tpu.memory_space<semaphore_mem>>) src(%dma_wait3A_183 : memref<100000x64xf32, #tpu.memory_space<hbm>>) dst(%arg10 : memref<100x64xf32, #tpu.memory_space<vmem>>)
      %mul3A_186 = arith.constant 2 : i32
      %mul3A_187 = arith.muli %mul3A_186, %add3A_172 : i32
      %add3A_188 = arith.constant 1 : i32
      %add3A_189 = arith.addi %mul3A_187, %add3A_188 : i32
      %dma_wait3A_190 = arith.constant 1 : i32
      %dma_wait3A_191 = arith.constant 0 : i32
      %dma_wait3A_192 = tpu.memref_slice %arg6[%add3A_189, %dma_wait3A_191] : memref<256x100xi32, #tpu.memory_space<vmem>> -> memref<1x100xi32, #tpu.memory_space<vmem>>
      %dma_wait3A_193 = tpu.memref_squeeze %dma_wait3A_192 : memref<1x100xi32, #tpu.memory_space<vmem>> -> memref<100xi32, #tpu.memory_space<vmem>>
      %dma_wait3A_194 = arith.constant 0 : i32
      %dma_wait3A_195 = arith.constant 0 : i32
      %dma_wait3A_196 = tpu.memref_slice %arg3[%dma_wait3A_194, %dma_wait3A_195] : memref<100000x64xf32, #tpu.memory_space<hbm>> -> memref<100000x64xf32, #tpu.memory_space<hbm>>
      %dma_wait3A_197 = tpu.memref_slice %arg18[%dma_wait3A_190] : memref<4x!tpu.dma_semaphore, #tpu.memory_space<semaphore_mem>> -> memref<1x!tpu.dma_semaphore, #tpu.memory_space<semaphore_mem>>
      %dma_wait3A_198 = tpu.memref_squeeze %dma_wait3A_197 : memref<1x!tpu.dma_semaphore, #tpu.memory_space<semaphore_mem>> -> memref<!tpu.dma_semaphore, #tpu.memory_space<semaphore_mem>>
      tpu.wait_indirect_dma semaphore(%dma_wait3A_198 : memref<!tpu.dma_semaphore, #tpu.memory_space<semaphore_mem>>) src(%dma_wait3A_196 : memref<100000x64xf32, #tpu.memory_space<hbm>>) dst(%arg11 : memref<100x64xf32, #tpu.memory_space<vmem>>)
      %ge3A_199 = arith.constant 2 : i32
      %ge3A_200 = arith.cmpi sge, %add3A_172, %ge3A_199 : i32
      %convert_element_type3A_201 = arith.extui %ge3A_200 : i1 to i32
      %cond3A_202 = arith.constant 0 : i32
      %cond3A_203 = arith.cmpi ne, %convert_element_type3A_201, %cond3A_202 : i32
      scf.if %cond3A_203 {
        %sub3A = arith.constant 2 : i32
        %sub3A_349 = arith.subi %add3A_172, %sub3A : i32
        %mul3A_350 = arith.constant 128 : i32
        %mul3A_351 = arith.muli %add3A, %mul3A_350 : i32
        %add3A_352 = arith.addi %mul3A_351, %sub3A_349 : i32
        %mul3A_353 = arith.constant 200 : i32
        %mul3A_354 = arith.muli %add3A_352, %mul3A_353 : i32
        %dma_wait3A_355 = arith.constant 1 : i32
        %dma_wait3A_356 = arith.constant 0 : i32
        %dma_wait3A_357 = tpu.memref_slice %arg5[%mul3A_354, %dma_wait3A_356] : memref<819200x64xf32, #tpu.memory_space<hbm>> -> memref<200x64xf32, #tpu.memory_space<hbm>>
        %dma_wait3A_358 = tpu.memref_slice %arg19[%dma_wait3A_355] : memref<2x!tpu.dma_semaphore, #tpu.memory_space<semaphore_mem>> -> memref<1x!tpu.dma_semaphore, #tpu.memory_space<semaphore_mem>>
        %dma_wait3A_359 = tpu.memref_squeeze %dma_wait3A_358 : memref<1x!tpu.dma_semaphore, #tpu.memory_space<semaphore_mem>> -> memref<!tpu.dma_semaphore, #tpu.memory_space<semaphore_mem>>
        %dma_wait3A_360 = arith.constant 0 : i32
        %dma_wait3A_361 = tpu.memref_slice %arg5[%mul3A_354, %dma_wait3A_360] : memref<819200x64xf32, #tpu.memory_space<hbm>> -> memref<200x64xf32, #tpu.memory_space<hbm>>
        tpu.wait_dma2 semaphore(%dma_wait3A_359 : memref<!tpu.dma_semaphore, #tpu.memory_space<semaphore_mem>>) src(%arg17 : memref<200x64xf32, #tpu.memory_space<vmem>>) dst(%dma_wait3A_361 : memref<200x64xf32, #tpu.memory_space<hbm>>)
      } else {
      }
      %parallel_loop3A_204 = arith.constant 0 : i32
      %parallel_loop3A_205 = arith.constant 100 : i32
      %parallel_loop3A_206 = arith.constant 1 : i32
      scf.for %parallel_loop3A_349 = %parallel_loop3A_204 to %parallel_loop3A_205 step %parallel_loop3A_206  : i32 {
        %parallel_loop3A_350 = arith.index_cast %parallel_loop3A_349 : i32 to index
        %parallel_loop3A_351 = arith.constant 0 : index
        %parallel_loop3A_352 = tpu.vector_load %arg10[%parallel_loop3A_350, %parallel_loop3A_351] {strides = array<i32>} : memref<100x64xf32, #tpu.memory_space<vmem>>, vector<1x16xf32>,
        %parallel_loop3A_353 = vector.shape_cast %parallel_loop3A_352 : vector<1x16xf32> to vector<16xf32>
        %parallel_loop3A_354 = arith.constant 0 : i32
        %parallel_loop3A_355 = arith.addi %parallel_loop3A_354, %parallel_loop3A_349 : i32
        %parallel_loop3A_356 = arith.index_cast %parallel_loop3A_355 : i32 to index
        %parallel_loop3A_357 = arith.constant 0 : index
        %parallel_loop3A_358 = tpu.vector_load %arg7[%parallel_loop3A_356, %parallel_loop3A_357] {strides = array<i32>} : memref<200x64xf32, #tpu.memory_space<vmem>>, vector<1x16xf32>,
        %parallel_loop3A_359 = vector.shape_cast %parallel_loop3A_358 : vector<1x16xf32> to vector<16xf32>
        %parallel_loop3A_360 = arith.addf %parallel_loop3A_353, %parallel_loop3A_359 : vector<16xf32>
        %parallel_loop3A_361 = arith.constant 0 : i32
        %parallel_loop3A_362 = arith.addi %parallel_loop3A_361, %parallel_loop3A_349 : i32
        %parallel_loop3A_363 = arith.index_cast %parallel_loop3A_362 : i32 to index
        %parallel_loop3A_364 = arith.constant 0 : index
        %parallel_loop3A_365 = tpu.vector_load %arg17[%parallel_loop3A_363, %parallel_loop3A_364] {strides = array<i32>} : memref<200x64xf32, #tpu.memory_space<vmem>>, vector<1x16xf32>,
        %parallel_loop3A_366 = vector.shape_cast %parallel_loop3A_365 : vector<1x16xf32> to vector<16xf32>
        %parallel_loop3A_367 = vector.shape_cast %parallel_loop3A_360 : vector<16xf32> to vector<1x16xf32>
        tpu.vector_store %arg17[%parallel_loop3A_363, %parallel_loop3A_364], %parallel_loop3A_367 {strides = array<i32>} : memref<200x64xf32, #tpu.memory_space<vmem>>, vector<1x16xf32>,
        %parallel_loop3A_368 = arith.index_cast %parallel_loop3A_349 : i32 to index
        %parallel_loop3A_369 = arith.constant 16 : index
        %parallel_loop3A_370 = tpu.vector_load %arg10[%parallel_loop3A_368, %parallel_loop3A_369] {strides = array<i32>} : memref<100x64xf32, #tpu.memory_space<vmem>>, vector<1x16xf32>,
        %parallel_loop3A_371 = vector.shape_cast %parallel_loop3A_370 : vector<1x16xf32> to vector<16xf32>
        %parallel_loop3A_372 = arith.constant 0 : i32
        %parallel_loop3A_373 = arith.addi %parallel_loop3A_372, %parallel_loop3A_349 : i32
        %parallel_loop3A_374 = arith.index_cast %parallel_loop3A_373 : i32 to index
        %parallel_loop3A_375 = arith.constant 16 : index
        %parallel_loop3A_376 = tpu.vector_load %arg7[%parallel_loop3A_374, %parallel_loop3A_375] {strides = array<i32>} : memref<200x64xf32, #tpu.memory_space<vmem>>, vector<1x16xf32>,
        %parallel_loop3A_377 = vector.shape_cast %parallel_loop3A_376 : vector<1x16xf32> to vector<16xf32>
        %parallel_loop3A_378 = arith.addf %parallel_loop3A_371, %parallel_loop3A_377 : vector<16xf32>
        %parallel_loop3A_379 = arith.constant 0 : i32
        %parallel_loop3A_380 = arith.addi %parallel_loop3A_379, %parallel_loop3A_349 : i32
        %parallel_loop3A_381 = arith.index_cast %parallel_loop3A_380 : i32 to index
        %parallel_loop3A_382 = arith.constant 16 : index
        %parallel_loop3A_383 = tpu.vector_load %arg17[%parallel_loop3A_381, %parallel_loop3A_382] {strides = array<i32>} : memref<200x64xf32, #tpu.memory_space<vmem>>, vector<1x16xf32>,
        %parallel_loop3A_384 = vector.shape_cast %parallel_loop3A_383 : vector<1x16xf32> to vector<16xf32>
        %parallel_loop3A_385 = vector.shape_cast %parallel_loop3A_378 : vector<16xf32> to vector<1x16xf32>
        tpu.vector_store %arg17[%parallel_loop3A_381, %parallel_loop3A_382], %parallel_loop3A_385 {strides = array<i32>} : memref<200x64xf32, #tpu.memory_space<vmem>>, vector<1x16xf32>,
        %parallel_loop3A_386 = arith.index_cast %parallel_loop3A_349 : i32 to index
        %parallel_loop3A_387 = arith.constant 32 : index
        %parallel_loop3A_388 = tpu.vector_load %arg10[%parallel_loop3A_386, %parallel_loop3A_387] {strides = array<i32>} : memref<100x64xf32, #tpu.memory_space<vmem>>, vector<1x16xf32>,
        %parallel_loop3A_389 = vector.shape_cast %parallel_loop3A_388 : vector<1x16xf32> to vector<16xf32>
        %parallel_loop3A_390 = arith.constant 0 : i32
        %parallel_loop3A_391 = arith.addi %parallel_loop3A_390, %parallel_loop3A_349 : i32
        %parallel_loop3A_392 = arith.index_cast %parallel_loop3A_391 : i32 to index
        %parallel_loop3A_393 = arith.constant 32 : index
        %parallel_loop3A_394 = tpu.vector_load %arg7[%parallel_loop3A_392, %parallel_loop3A_393] {strides = array<i32>} : memref<200x64xf32, #tpu.memory_space<vmem>>, vector<1x16xf32>,
        %parallel_loop3A_395 = vector.shape_cast %parallel_loop3A_394 : vector<1x16xf32> to vector<16xf32>
        %parallel_loop3A_396 = arith.addf %parallel_loop3A_389, %parallel_loop3A_395 : vector<16xf32>
        %parallel_loop3A_397 = arith.constant 0 : i32
        %parallel_loop3A_398 = arith.addi %parallel_loop3A_397, %parallel_loop3A_349 : i32
        %parallel_loop3A_399 = arith.index_cast %parallel_loop3A_398 : i32 to index
        %parallel_loop3A_400 = arith.constant 32 : index
        %parallel_loop3A_401 = tpu.vector_load %arg17[%parallel_loop3A_399, %parallel_loop3A_400] {strides = array<i32>} : memref<200x64xf32, #tpu.memory_space<vmem>>, vector<1x16xf32>,
        %parallel_loop3A_402 = vector.shape_cast %parallel_loop3A_401 : vector<1x16xf32> to vector<16xf32>
        %parallel_loop3A_403 = vector.shape_cast %parallel_loop3A_396 : vector<16xf32> to vector<1x16xf32>
        tpu.vector_store %arg17[%parallel_loop3A_399, %parallel_loop3A_400], %parallel_loop3A_403 {strides = array<i32>} : memref<200x64xf32, #tpu.memory_space<vmem>>, vector<1x16xf32>,
        %parallel_loop3A_404 = arith.index_cast %parallel_loop3A_349 : i32 to index
        %parallel_loop3A_405 = arith.constant 48 : index
        %parallel_loop3A_406 = tpu.vector_load %arg10[%parallel_loop3A_404, %parallel_loop3A_405] {strides = array<i32>} : memref<100x64xf32, #tpu.memory_space<vmem>>, vector<1x16xf32>,
        %parallel_loop3A_407 = vector.shape_cast %parallel_loop3A_406 : vector<1x16xf32> to vector<16xf32>
        %parallel_loop3A_408 = arith.constant 0 : i32
        %parallel_loop3A_409 = arith.addi %parallel_loop3A_408, %parallel_loop3A_349 : i32
        %parallel_loop3A_410 = arith.index_cast %parallel_loop3A_409 : i32 to index
        %parallel_loop3A_411 = arith.constant 48 : index
        %parallel_loop3A_412 = tpu.vector_load %arg7[%parallel_loop3A_410, %parallel_loop3A_411] {strides = array<i32>} : memref<200x64xf32, #tpu.memory_space<vmem>>, vector<1x16xf32>,
        %parallel_loop3A_413 = vector.shape_cast %parallel_loop3A_412 : vector<1x16xf32> to vector<16xf32>
        %parallel_loop3A_414 = arith.addf %parallel_loop3A_407, %parallel_loop3A_413 : vector<16xf32>
        %parallel_loop3A_415 = arith.constant 0 : i32
        %parallel_loop3A_416 = arith.addi %parallel_loop3A_415, %parallel_loop3A_349 : i32
        %parallel_loop3A_417 = arith.index_cast %parallel_loop3A_416 : i32 to index
        %parallel_loop3A_418 = arith.constant 48 : index
        %parallel_loop3A_419 = tpu.vector_load %arg17[%parallel_loop3A_417, %parallel_loop3A_418] {strides = array<i32>} : memref<200x64xf32, #tpu.memory_space<vmem>>, vector<1x16xf32>,
        %parallel_loop3A_420 = vector.shape_cast %parallel_loop3A_419 : vector<1x16xf32> to vector<16xf32>
        %parallel_loop3A_421 = vector.shape_cast %parallel_loop3A_414 : vector<16xf32> to vector<1x16xf32>
        tpu.vector_store %arg17[%parallel_loop3A_417, %parallel_loop3A_418], %parallel_loop3A_421 {strides = array<i32>} : memref<200x64xf32, #tpu.memory_space<vmem>>, vector<1x16xf32>,
      } {sc.loop_unroll_factor = 4 : i64, sc.parallel_access}
      %parallel_loop3A_207 = arith.constant 0 : i32
      %parallel_loop3A_208 = arith.constant 100 : i32
      %parallel_loop3A_209 = arith.constant 1 : i32
      scf.for %parallel_loop3A_349 = %parallel_loop3A_207 to %parallel_loop3A_208 step %parallel_loop3A_209  : i32 {
        %parallel_loop3A_350 = arith.index_cast %parallel_loop3A_349 : i32 to index
        %parallel_loop3A_351 = arith.constant 0 : index
        %parallel_loop3A_352 = tpu.vector_load %arg11[%parallel_loop3A_350, %parallel_loop3A_351] {strides = array<i32>} : memref<100x64xf32, #tpu.memory_space<vmem>>, vector<1x16xf32>,
        %parallel_loop3A_353 = vector.shape_cast %parallel_loop3A_352 : vector<1x16xf32> to vector<16xf32>
        %parallel_loop3A_354 = arith.constant 100 : i32
        %parallel_loop3A_355 = arith.addi %parallel_loop3A_354, %parallel_loop3A_349 : i32
        %parallel_loop3A_356 = arith.index_cast %parallel_loop3A_355 : i32 to index
        %parallel_loop3A_357 = arith.constant 0 : index
        %parallel_loop3A_358 = tpu.vector_load %arg7[%parallel_loop3A_356, %parallel_loop3A_357] {strides = array<i32>} : memref<200x64xf32, #tpu.memory_space<vmem>>, vector<1x16xf32>,
        %parallel_loop3A_359 = vector.shape_cast %parallel_loop3A_358 : vector<1x16xf32> to vector<16xf32>
        %parallel_loop3A_360 = arith.addf %parallel_loop3A_353, %parallel_loop3A_359 : vector<16xf32>
        %parallel_loop3A_361 = arith.constant 100 : i32
        %parallel_loop3A_362 = arith.addi %parallel_loop3A_361, %parallel_loop3A_349 : i32
        %parallel_loop3A_363 = arith.index_cast %parallel_loop3A_362 : i32 to index
        %parallel_loop3A_364 = arith.constant 0 : index
        %parallel_loop3A_365 = tpu.vector_load %arg17[%parallel_loop3A_363, %parallel_loop3A_364] {strides = array<i32>} : memref<200x64xf32, #tpu.memory_space<vmem>>, vector<1x16xf32>,
        %parallel_loop3A_366 = vector.shape_cast %parallel_loop3A_365 : vector<1x16xf32> to vector<16xf32>
        %parallel_loop3A_367 = vector.shape_cast %parallel_loop3A_360 : vector<16xf32> to vector<1x16xf32>
        tpu.vector_store %arg17[%parallel_loop3A_363, %parallel_loop3A_364], %parallel_loop3A_367 {strides = array<i32>} : memref<200x64xf32, #tpu.memory_space<vmem>>, vector<1x16xf32>,
        %parallel_loop3A_368 = arith.index_cast %parallel_loop3A_349 : i32 to index
        %parallel_loop3A_369 = arith.constant 16 : index
        %parallel_loop3A_370 = tpu.vector_load %arg11[%parallel_loop3A_368, %parallel_loop3A_369] {strides = array<i32>} : memref<100x64xf32, #tpu.memory_space<vmem>>, vector<1x16xf32>,
        %parallel_loop3A_371 = vector.shape_cast %parallel_loop3A_370 : vector<1x16xf32> to vector<16xf32>
        %parallel_loop3A_372 = arith.constant 100 : i32
        %parallel_loop3A_373 = arith.addi %parallel_loop3A_372, %parallel_loop3A_349 : i32
        %parallel_loop3A_374 = arith.index_cast %parallel_loop3A_373 : i32 to index
        %parallel_loop3A_375 = arith.constant 16 : index
        %parallel_loop3A_376 = tpu.vector_load %arg7[%parallel_loop3A_374, %parallel_loop3A_375] {strides = array<i32>} : memref<200x64xf32, #tpu.memory_space<vmem>>, vector<1x16xf32>,
        %parallel_loop3A_377 = vector.shape_cast %parallel_loop3A_376 : vector<1x16xf32> to vector<16xf32>
        %parallel_loop3A_378 = arith.addf %parallel_loop3A_371, %parallel_loop3A_377 : vector<16xf32>
        %parallel_loop3A_379 = arith.constant 100 : i32
        %parallel_loop3A_380 = arith.addi %parallel_loop3A_379, %parallel_loop3A_349 : i32
        %parallel_loop3A_381 = arith.index_cast %parallel_loop3A_380 : i32 to index
        %parallel_loop3A_382 = arith.constant 16 : index
        %parallel_loop3A_383 = tpu.vector_load %arg17[%parallel_loop3A_381, %parallel_loop3A_382] {strides = array<i32>} : memref<200x64xf32, #tpu.memory_space<vmem>>, vector<1x16xf32>,
        %parallel_loop3A_384 = vector.shape_cast %parallel_loop3A_383 : vector<1x16xf32> to vector<16xf32>
        %parallel_loop3A_385 = vector.shape_cast %parallel_loop3A_378 : vector<16xf32> to vector<1x16xf32>
        tpu.vector_store %arg17[%parallel_loop3A_381, %parallel_loop3A_382], %parallel_loop3A_385 {strides = array<i32>} : memref<200x64xf32, #tpu.memory_space<vmem>>, vector<1x16xf32>,
        %parallel_loop3A_386 = arith.index_cast %parallel_loop3A_349 : i32 to index
        %parallel_loop3A_387 = arith.constant 32 : index
        %parallel_loop3A_388 = tpu.vector_load %arg11[%parallel_loop3A_386, %parallel_loop3A_387] {strides = array<i32>} : memref<100x64xf32, #tpu.memory_space<vmem>>, vector<1x16xf32>,
        %parallel_loop3A_389 = vector.shape_cast %parallel_loop3A_388 : vector<1x16xf32> to vector<16xf32>
        %parallel_loop3A_390 = arith.constant 100 : i32
        %parallel_loop3A_391 = arith.addi %parallel_loop3A_390, %parallel_loop3A_349 : i32
        %parallel_loop3A_392 = arith.index_cast %parallel_loop3A_391 : i32 to index
        %parallel_loop3A_393 = arith.constant 32 : index
        %parallel_loop3A_394 = tpu.vector_load %arg7[%parallel_loop3A_392, %parallel_loop3A_393] {strides = array<i32>} : memref<200x64xf32, #tpu.memory_space<vmem>>, vector<1x16xf32>,
        %parallel_loop3A_395 = vector.shape_cast %parallel_loop3A_394 : vector<1x16xf32> to vector<16xf32>
        %parallel_loop3A_396 = arith.addf %parallel_loop3A_389, %parallel_loop3A_395 : vector<16xf32>
        %parallel_loop3A_397 = arith.constant 100 : i32
        %parallel_loop3A_398 = arith.addi %parallel_loop3A_397, %parallel_loop3A_349 : i32
        %parallel_loop3A_399 = arith.index_cast %parallel_loop3A_398 : i32 to index
        %parallel_loop3A_400 = arith.constant 32 : index
        %parallel_loop3A_401 = tpu.vector_load %arg17[%parallel_loop3A_399, %parallel_loop3A_400] {strides = array<i32>} : memref<200x64xf32, #tpu.memory_space<vmem>>, vector<1x16xf32>,
        %parallel_loop3A_402 = vector.shape_cast %parallel_loop3A_401 : vector<1x16xf32> to vector<16xf32>
        %parallel_loop3A_403 = vector.shape_cast %parallel_loop3A_396 : vector<16xf32> to vector<1x16xf32>
        tpu.vector_store %arg17[%parallel_loop3A_399, %parallel_loop3A_400], %parallel_loop3A_403 {strides = array<i32>} : memref<200x64xf32, #tpu.memory_space<vmem>>, vector<1x16xf32>,
        %parallel_loop3A_404 = arith.index_cast %parallel_loop3A_349 : i32 to index
        %parallel_loop3A_405 = arith.constant 48 : index
        %parallel_loop3A_406 = tpu.vector_load %arg11[%parallel_loop3A_404, %parallel_loop3A_405] {strides = array<i32>} : memref<100x64xf32, #tpu.memory_space<vmem>>, vector<1x16xf32>,
        %parallel_loop3A_407 = vector.shape_cast %parallel_loop3A_406 : vector<1x16xf32> to vector<16xf32>
        %parallel_loop3A_408 = arith.constant 100 : i32
        %parallel_loop3A_409 = arith.addi %parallel_loop3A_408, %parallel_loop3A_349 : i32
        %parallel_loop3A_410 = arith.index_cast %parallel_loop3A_409 : i32 to index
        %parallel_loop3A_411 = arith.constant 48 : index
        %parallel_loop3A_412 = tpu.vector_load %arg7[%parallel_loop3A_410, %parallel_loop3A_411] {strides = array<i32>} : memref<200x64xf32, #tpu.memory_space<vmem>>, vector<1x16xf32>,
        %parallel_loop3A_413 = vector.shape_cast %parallel_loop3A_412 : vector<1x16xf32> to vector<16xf32>
        %parallel_loop3A_414 = arith.addf %parallel_loop3A_407, %parallel_loop3A_413 : vector<16xf32>
        %parallel_loop3A_415 = arith.constant 100 : i32
        %parallel_loop3A_416 = arith.addi %parallel_loop3A_415, %parallel_loop3A_349 : i32
        %parallel_loop3A_417 = arith.index_cast %parallel_loop3A_416 : i32 to index
        %parallel_loop3A_418 = arith.constant 48 : index
        %parallel_loop3A_419 = tpu.vector_load %arg17[%parallel_loop3A_417, %parallel_loop3A_418] {strides = array<i32>} : memref<200x64xf32, #tpu.memory_space<vmem>>, vector<1x16xf32>,
        %parallel_loop3A_420 = vector.shape_cast %parallel_loop3A_419 : vector<1x16xf32> to vector<16xf32>
        %parallel_loop3A_421 = vector.shape_cast %parallel_loop3A_414 : vector<16xf32> to vector<1x16xf32>
        tpu.vector_store %arg17[%parallel_loop3A_417, %parallel_loop3A_418], %parallel_loop3A_421 {strides = array<i32>} : memref<200x64xf32, #tpu.memory_space<vmem>>, vector<1x16xf32>,
      } {sc.loop_unroll_factor = 4 : i64, sc.parallel_access}
      %mul3A_210 = arith.constant 128 : i32
      %mul3A_211 = arith.muli %add3A, %mul3A_210 : i32
      %add3A_212 = arith.addi %mul3A_211, %add3A_172 : i32
      %mul3A_213 = arith.constant 200 : i32
      %mul3A_214 = arith.muli %add3A_212, %mul3A_213 : i32
      %dma_start3A_215 = arith.constant 1 : i32
      %dma_start3A_216 = arith.constant 0 : i32
      %dma_start3A_217 = tpu.memref_slice %arg5[%mul3A_214, %dma_start3A_216] : memref<819200x64xf32, #tpu.memory_space<hbm>> -> memref<200x64xf32, #tpu.memory_space<hbm>>
      %dma_start3A_218 = tpu.memref_slice %arg19[%dma_start3A_215] : memref<2x!tpu.dma_semaphore, #tpu.memory_space<semaphore_mem>> -> memref<1x!tpu.dma_semaphore, #tpu.memory_space<semaphore_mem>>
      %dma_start3A_219 = tpu.memref_squeeze %dma_start3A_218 : memref<1x!tpu.dma_semaphore, #tpu.memory_space<semaphore_mem>> -> memref<!tpu.dma_semaphore, #tpu.memory_space<semaphore_mem>>
      %dma_start3A_220 = arith.constant 0 : i32
      %dma_start3A_221 = tpu.memref_slice %arg5[%mul3A_214, %dma_start3A_220] : memref<819200x64xf32, #tpu.memory_space<hbm>> -> memref<200x64xf32, #tpu.memory_space<hbm>>
      tpu.enqueue_dma source(%arg17 : memref<200x64xf32, #tpu.memory_space<vmem>>) target(%dma_start3A_221 : memref<200x64xf32, #tpu.memory_space<hbm>>) target_semaphore(%dma_start3A_219 : memref<!tpu.dma_semaphore, #tpu.memory_space<semaphore_mem>>)
      %add3A_222 = arith.constant 4 : i32
      %add3A_223 = arith.addi %add3A_172, %add3A_222 : i32
      %lt3A_224 = arith.constant 128 : i32
      %lt3A_225 = arith.cmpi slt, %add3A_223, %lt3A_224 : i32
      %convert_element_type3A_226 = arith.extui %lt3A_225 : i1 to i32
      %cond3A_227 = arith.constant 0 : i32
      %cond3A_228 = arith.cmpi ne, %convert_element_type3A_226, %cond3A_227 : i32
      scf.if %cond3A_228 {
        %mul3A_349 = arith.constant 2 : i32
        %mul3A_350 = arith.muli %mul3A_349, %add3A_223 : i32
        %add3A_351 = arith.constant 0 : i32
        %add3A_352 = arith.addi %mul3A_350, %add3A_351 : i32
        %dma_start3A_353 = arith.constant 1 : i32
        %dma_start3A_354 = arith.constant 0 : i32
        %dma_start3A_355 = tpu.memref_slice %arg6[%add3A_352, %dma_start3A_354] : memref<256x100xi32, #tpu.memory_space<vmem>> -> memref<1x100xi32, #tpu.memory_space<vmem>>
        %dma_start3A_356 = tpu.memref_squeeze %dma_start3A_355 : memref<1x100xi32, #tpu.memory_space<vmem>> -> memref<100xi32, #tpu.memory_space<vmem>>
        %dma_start3A_357 = arith.constant 0 : i32
        %dma_start3A_358 = arith.constant 0 : i32
        %dma_start3A_359 = tpu.memref_slice %arg3[%dma_start3A_357, %dma_start3A_358] : memref<100000x64xf32, #tpu.memory_space<hbm>> -> memref<100000x64xf32, #tpu.memory_space<hbm>>
        %dma_start3A_360 = tpu.memref_slice %arg18[%dma_start3A_353] : memref<4x!tpu.dma_semaphore, #tpu.memory_space<semaphore_mem>> -> memref<1x!tpu.dma_semaphore, #tpu.memory_space<semaphore_mem>>
        %dma_start3A_361 = tpu.memref_squeeze %dma_start3A_360 : memref<1x!tpu.dma_semaphore, #tpu.memory_space<semaphore_mem>> -> memref<!tpu.dma_semaphore, #tpu.memory_space<semaphore_mem>>
        tpu.enqueue_indirect_dma source(%dma_start3A_359 : memref<100000x64xf32, #tpu.memory_space<hbm>>) target(%arg10 : memref<100x64xf32, #tpu.memory_space<vmem>>) offsets(%dma_start3A_356 : memref<100xi32, #tpu.memory_space<vmem>>) semaphore(%dma_start3A_361 : memref<!tpu.dma_semaphore, #tpu.memory_space<semaphore_mem>>)
        %mul3A_362 = arith.constant 2 : i32
        %mul3A_363 = arith.muli %mul3A_362, %add3A_223 : i32
        %add3A_364 = arith.constant 1 : i32
        %add3A_365 = arith.addi %mul3A_363, %add3A_364 : i32
        %dma_start3A_366 = arith.constant 1 : i32
        %dma_start3A_367 = arith.constant 0 : i32
        %dma_start3A_368 = tpu.memref_slice %arg6[%add3A_365, %dma_start3A_367] : memref<256x100xi32, #tpu.memory_space<vmem>> -> memref<1x100xi32, #tpu.memory_space<vmem>>
        %dma_start3A_369 = tpu.memref_squeeze %dma_start3A_368 : memref<1x100xi32, #tpu.memory_space<vmem>> -> memref<100xi32, #tpu.memory_space<vmem>>
        %dma_start3A_370 = arith.constant 0 : i32
        %dma_start3A_371 = arith.constant 0 : i32
        %dma_start3A_372 = tpu.memref_slice %arg3[%dma_start3A_370, %dma_start3A_371] : memref<100000x64xf32, #tpu.memory_space<hbm>> -> memref<100000x64xf32, #tpu.memory_space<hbm>>
        %dma_start3A_373 = tpu.memref_slice %arg18[%dma_start3A_366] : memref<4x!tpu.dma_semaphore, #tpu.memory_space<semaphore_mem>> -> memref<1x!tpu.dma_semaphore, #tpu.memory_space<semaphore_mem>>
        %dma_start3A_374 = tpu.memref_squeeze %dma_start3A_373 : memref<1x!tpu.dma_semaphore, #tpu.memory_space<semaphore_mem>> -> memref<!tpu.dma_semaphore, #tpu.memory_space<semaphore_mem>>
        tpu.enqueue_indirect_dma source(%dma_start3A_372 : memref<100000x64xf32, #tpu.memory_space<hbm>>) target(%arg11 : memref<100x64xf32, #tpu.memory_space<vmem>>) offsets(%dma_start3A_369 : memref<100xi32, #tpu.memory_space<vmem>>) semaphore(%dma_start3A_374 : memref<!tpu.dma_semaphore, #tpu.memory_space<semaphore_mem>>)
      } else {
      }
      %mul3A_229 = arith.constant 4 : i32
      %mul3A_230 = arith.muli %add3A_113, %mul3A_229 : i32
      %add3A_231 = arith.constant 2 : i32
      %add3A_232 = arith.addi %mul3A_230, %add3A_231 : i32
      %mul3A_233 = arith.constant 2 : i32
      %mul3A_234 = arith.muli %mul3A_233, %add3A_232 : i32
      %add3A_235 = arith.constant 0 : i32
      %add3A_236 = arith.addi %mul3A_234, %add3A_235 : i32
      %dma_wait3A_237 = arith.constant 2 : i32
      %dma_wait3A_238 = arith.constant 0 : i32
      %dma_wait3A_239 = tpu.memref_slice %arg6[%add3A_236, %dma_wait3A_238] : memref<256x100xi32, #tpu.memory_space<vmem>> -> memref<1x100xi32, #tpu.memory_space<vmem>>
      %dma_wait3A_240 = tpu.memref_squeeze %dma_wait3A_239 : memref<1x100xi32, #tpu.memory_space<vmem>> -> memref<100xi32, #tpu.memory_space<vmem>>
      %dma_wait3A_241 = arith.constant 0 : i32
      %dma_wait3A_242 = arith.constant 0 : i32
      %dma_wait3A_243 = tpu.memref_slice %arg3[%dma_wait3A_241, %dma_wait3A_242] : memref<100000x64xf32, #tpu.memory_space<hbm>> -> memref<100000x64xf32, #tpu.memory_space<hbm>>
      %dma_wait3A_244 = tpu.memref_slice %arg18[%dma_wait3A_237] : memref<4x!tpu.dma_semaphore, #tpu.memory_space<semaphore_mem>> -> memref<1x!tpu.dma_semaphore, #tpu.memory_space<semaphore_mem>>
      %dma_wait3A_245 = tpu.memref_squeeze %dma_wait3A_244 : memref<1x!tpu.dma_semaphore, #tpu.memory_space<semaphore_mem>> -> memref<!tpu.dma_semaphore, #tpu.memory_space<semaphore_mem>>
      tpu.wait_indirect_dma semaphore(%dma_wait3A_245 : memref<!tpu.dma_semaphore, #tpu.memory_space<semaphore_mem>>) src(%dma_wait3A_243 : memref<100000x64xf32, #tpu.memory_space<hbm>>) dst(%arg12 : memref<100x64xf32, #tpu.memory_space<vmem>>)
      %mul3A_246 = arith.constant 2 : i32
      %mul3A_247 = arith.muli %mul3A_246, %add3A_232 : i32
      %add3A_248 = arith.constant 1 : i32
      %add3A_249 = arith.addi %mul3A_247, %add3A_248 : i32
      %dma_wait3A_250 = arith.constant 2 : i32
      %dma_wait3A_251 = arith.constant 0 : i32
      %dma_wait3A_252 = tpu.memref_slice %arg6[%add3A_249, %dma_wait3A_251] : memref<256x100xi32, #tpu.memory_space<vmem>> -> memref<1x100xi32, #tpu.memory_space<vmem>>
      %dma_wait3A_253 = tpu.memref_squeeze %dma_wait3A_252 : memref<1x100xi32, #tpu.memory_space<vmem>> -> memref<100xi32, #tpu.memory_space<vmem>>
      %dma_wait3A_254 = arith.constant 0 : i32
      %dma_wait3A_255 = arith.constant 0 : i32
      %dma_wait3A_256 = tpu.memref_slice %arg3[%dma_wait3A_254, %dma_wait3A_255] : memref<100000x64xf32, #tpu.memory_space<hbm>> -> memref<100000x64xf32, #tpu.memory_space<hbm>>
      %dma_wait3A_257 = tpu.memref_slice %arg18[%dma_wait3A_250] : memref<4x!tpu.dma_semaphore, #tpu.memory_space<semaphore_mem>> -> memref<1x!tpu.dma_semaphore, #tpu.memory_space<semaphore_mem>>
      %dma_wait3A_258 = tpu.memref_squeeze %dma_wait3A_257 : memref<1x!tpu.dma_semaphore, #tpu.memory_space<semaphore_mem>> -> memref<!tpu.dma_semaphore, #tpu.memory_space<semaphore_mem>>
      tpu.wait_indirect_dma semaphore(%dma_wait3A_258 : memref<!tpu.dma_semaphore, #tpu.memory_space<semaphore_mem>>) src(%dma_wait3A_256 : memref<100000x64xf32, #tpu.memory_space<hbm>>) dst(%arg13 : memref<100x64xf32, #tpu.memory_space<vmem>>)
      %ge3A_259 = arith.constant 2 : i32
      %ge3A_260 = arith.cmpi sge, %add3A_232, %ge3A_259 : i32
      %convert_element_type3A_261 = arith.extui %ge3A_260 : i1 to i32
      %cond3A_262 = arith.constant 0 : i32
      %cond3A_263 = arith.cmpi ne, %convert_element_type3A_261, %cond3A_262 : i32
      scf.if %cond3A_263 {
        %sub3A = arith.constant 2 : i32
        %sub3A_349 = arith.subi %add3A_232, %sub3A : i32
        %mul3A_350 = arith.constant 128 : i32
        %mul3A_351 = arith.muli %add3A, %mul3A_350 : i32
        %add3A_352 = arith.addi %mul3A_351, %sub3A_349 : i32
        %mul3A_353 = arith.constant 200 : i32
        %mul3A_354 = arith.muli %add3A_352, %mul3A_353 : i32
        %dma_wait3A_355 = arith.constant 0 : i32
        %dma_wait3A_356 = arith.constant 0 : i32
        %dma_wait3A_357 = tpu.memref_slice %arg5[%mul3A_354, %dma_wait3A_356] : memref<819200x64xf32, #tpu.memory_space<hbm>> -> memref<200x64xf32, #tpu.memory_space<hbm>>
        %dma_wait3A_358 = tpu.memref_slice %arg19[%dma_wait3A_355] : memref<2x!tpu.dma_semaphore, #tpu.memory_space<semaphore_mem>> -> memref<1x!tpu.dma_semaphore, #tpu.memory_space<semaphore_mem>>
        %dma_wait3A_359 = tpu.memref_squeeze %dma_wait3A_358 : memref<1x!tpu.dma_semaphore, #tpu.memory_space<semaphore_mem>> -> memref<!tpu.dma_semaphore, #tpu.memory_space<semaphore_mem>>
        %dma_wait3A_360 = arith.constant 0 : i32
        %dma_wait3A_361 = tpu.memref_slice %arg5[%mul3A_354, %dma_wait3A_360] : memref<819200x64xf32, #tpu.memory_space<hbm>> -> memref<200x64xf32, #tpu.memory_space<hbm>>
        tpu.wait_dma2 semaphore(%dma_wait3A_359 : memref<!tpu.dma_semaphore, #tpu.memory_space<semaphore_mem>>) src(%arg16 : memref<200x64xf32, #tpu.memory_space<vmem>>) dst(%dma_wait3A_361 : memref<200x64xf32, #tpu.memory_space<hbm>>)
      } else {
      }
      %parallel_loop3A_264 = arith.constant 0 : i32
      %parallel_loop3A_265 = arith.constant 100 : i32
      %parallel_loop3A_266 = arith.constant 1 : i32
      scf.for %parallel_loop3A_349 = %parallel_loop3A_264 to %parallel_loop3A_265 step %parallel_loop3A_266  : i32 {
        %parallel_loop3A_350 = arith.index_cast %parallel_loop3A_349 : i32 to index
        %parallel_loop3A_351 = arith.constant 0 : index
        %parallel_loop3A_352 = tpu.vector_load %arg12[%parallel_loop3A_350, %parallel_loop3A_351] {strides = array<i32>} : memref<100x64xf32, #tpu.memory_space<vmem>>, vector<1x16xf32>,
        %parallel_loop3A_353 = vector.shape_cast %parallel_loop3A_352 : vector<1x16xf32> to vector<16xf32>
        %parallel_loop3A_354 = arith.constant 0 : i32
        %parallel_loop3A_355 = arith.addi %parallel_loop3A_354, %parallel_loop3A_349 : i32
        %parallel_loop3A_356 = arith.index_cast %parallel_loop3A_355 : i32 to index
        %parallel_loop3A_357 = arith.constant 0 : index
        %parallel_loop3A_358 = tpu.vector_load %arg7[%parallel_loop3A_356, %parallel_loop3A_357] {strides = array<i32>} : memref<200x64xf32, #tpu.memory_space<vmem>>, vector<1x16xf32>,
        %parallel_loop3A_359 = vector.shape_cast %parallel_loop3A_358 : vector<1x16xf32> to vector<16xf32>
        %parallel_loop3A_360 = arith.addf %parallel_loop3A_353, %parallel_loop3A_359 : vector<16xf32>
        %parallel_loop3A_361 = arith.constant 0 : i32
        %parallel_loop3A_362 = arith.addi %parallel_loop3A_361, %parallel_loop3A_349 : i32
        %parallel_loop3A_363 = arith.index_cast %parallel_loop3A_362 : i32 to index
        %parallel_loop3A_364 = arith.constant 0 : index
        %parallel_loop3A_365 = tpu.vector_load %arg16[%parallel_loop3A_363, %parallel_loop3A_364] {strides = array<i32>} : memref<200x64xf32, #tpu.memory_space<vmem>>, vector<1x16xf32>,
        %parallel_loop3A_366 = vector.shape_cast %parallel_loop3A_365 : vector<1x16xf32> to vector<16xf32>
        %parallel_loop3A_367 = vector.shape_cast %parallel_loop3A_360 : vector<16xf32> to vector<1x16xf32>
        tpu.vector_store %arg16[%parallel_loop3A_363, %parallel_loop3A_364], %parallel_loop3A_367 {strides = array<i32>} : memref<200x64xf32, #tpu.memory_space<vmem>>, vector<1x16xf32>,
        %parallel_loop3A_368 = arith.index_cast %parallel_loop3A_349 : i32 to index
        %parallel_loop3A_369 = arith.constant 16 : index
        %parallel_loop3A_370 = tpu.vector_load %arg12[%parallel_loop3A_368, %parallel_loop3A_369] {strides = array<i32>} : memref<100x64xf32, #tpu.memory_space<vmem>>, vector<1x16xf32>,
        %parallel_loop3A_371 = vector.shape_cast %parallel_loop3A_370 : vector<1x16xf32> to vector<16xf32>
        %parallel_loop3A_372 = arith.constant 0 : i32
        %parallel_loop3A_373 = arith.addi %parallel_loop3A_372, %parallel_loop3A_349 : i32
        %parallel_loop3A_374 = arith.index_cast %parallel_loop3A_373 : i32 to index
        %parallel_loop3A_375 = arith.constant 16 : index
        %parallel_loop3A_376 = tpu.vector_load %arg7[%parallel_loop3A_374, %parallel_loop3A_375] {strides = array<i32>} : memref<200x64xf32, #tpu.memory_space<vmem>>, vector<1x16xf32>,
        %parallel_loop3A_377 = vector.shape_cast %parallel_loop3A_376 : vector<1x16xf32> to vector<16xf32>
        %parallel_loop3A_378 = arith.addf %parallel_loop3A_371, %parallel_loop3A_377 : vector<16xf32>
        %parallel_loop3A_379 = arith.constant 0 : i32
        %parallel_loop3A_380 = arith.addi %parallel_loop3A_379, %parallel_loop3A_349 : i32
        %parallel_loop3A_381 = arith.index_cast %parallel_loop3A_380 : i32 to index
        %parallel_loop3A_382 = arith.constant 16 : index
        %parallel_loop3A_383 = tpu.vector_load %arg16[%parallel_loop3A_381, %parallel_loop3A_382] {strides = array<i32>} : memref<200x64xf32, #tpu.memory_space<vmem>>, vector<1x16xf32>,
        %parallel_loop3A_384 = vector.shape_cast %parallel_loop3A_383 : vector<1x16xf32> to vector<16xf32>
        %parallel_loop3A_385 = vector.shape_cast %parallel_loop3A_378 : vector<16xf32> to vector<1x16xf32>
        tpu.vector_store %arg16[%parallel_loop3A_381, %parallel_loop3A_382], %parallel_loop3A_385 {strides = array<i32>} : memref<200x64xf32, #tpu.memory_space<vmem>>, vector<1x16xf32>,
        %parallel_loop3A_386 = arith.index_cast %parallel_loop3A_349 : i32 to index
        %parallel_loop3A_387 = arith.constant 32 : index
        %parallel_loop3A_388 = tpu.vector_load %arg12[%parallel_loop3A_386, %parallel_loop3A_387] {strides = array<i32>} : memref<100x64xf32, #tpu.memory_space<vmem>>, vector<1x16xf32>,
        %parallel_loop3A_389 = vector.shape_cast %parallel_loop3A_388 : vector<1x16xf32> to vector<16xf32>
        %parallel_loop3A_390 = arith.constant 0 : i32
        %parallel_loop3A_391 = arith.addi %parallel_loop3A_390, %parallel_loop3A_349 : i32
        %parallel_loop3A_392 = arith.index_cast %parallel_loop3A_391 : i32 to index
        %parallel_loop3A_393 = arith.constant 32 : index
        %parallel_loop3A_394 = tpu.vector_load %arg7[%parallel_loop3A_392, %parallel_loop3A_393] {strides = array<i32>} : memref<200x64xf32, #tpu.memory_space<vmem>>, vector<1x16xf32>,
        %parallel_loop3A_395 = vector.shape_cast %parallel_loop3A_394 : vector<1x16xf32> to vector<16xf32>
        %parallel_loop3A_396 = arith.addf %parallel_loop3A_389, %parallel_loop3A_395 : vector<16xf32>
        %parallel_loop3A_397 = arith.constant 0 : i32
        %parallel_loop3A_398 = arith.addi %parallel_loop3A_397, %parallel_loop3A_349 : i32
        %parallel_loop3A_399 = arith.index_cast %parallel_loop3A_398 : i32 to index
        %parallel_loop3A_400 = arith.constant 32 : index
        %parallel_loop3A_401 = tpu.vector_load %arg16[%parallel_loop3A_399, %parallel_loop3A_400] {strides = array<i32>} : memref<200x64xf32, #tpu.memory_space<vmem>>, vector<1x16xf32>,
        %parallel_loop3A_402 = vector.shape_cast %parallel_loop3A_401 : vector<1x16xf32> to vector<16xf32>
        %parallel_loop3A_403 = vector.shape_cast %parallel_loop3A_396 : vector<16xf32> to vector<1x16xf32>
        tpu.vector_store %arg16[%parallel_loop3A_399, %parallel_loop3A_400], %parallel_loop3A_403 {strides = array<i32>} : memref<200x64xf32, #tpu.memory_space<vmem>>, vector<1x16xf32>,
        %parallel_loop3A_404 = arith.index_cast %parallel_loop3A_349 : i32 to index
        %parallel_loop3A_405 = arith.constant 48 : index
        %parallel_loop3A_406 = tpu.vector_load %arg12[%parallel_loop3A_404, %parallel_loop3A_405] {strides = array<i32>} : memref<100x64xf32, #tpu.memory_space<vmem>>, vector<1x16xf32>,
        %parallel_loop3A_407 = vector.shape_cast %parallel_loop3A_406 : vector<1x16xf32> to vector<16xf32>
        %parallel_loop3A_408 = arith.constant 0 : i32
        %parallel_loop3A_409 = arith.addi %parallel_loop3A_408, %parallel_loop3A_349 : i32
        %parallel_loop3A_410 = arith.index_cast %parallel_loop3A_409 : i32 to index
        %parallel_loop3A_411 = arith.constant 48 : index
        %parallel_loop3A_412 = tpu.vector_load %arg7[%parallel_loop3A_410, %parallel_loop3A_411] {strides = array<i32>} : memref<200x64xf32, #tpu.memory_space<vmem>>, vector<1x16xf32>,
        %parallel_loop3A_413 = vector.shape_cast %parallel_loop3A_412 : vector<1x16xf32> to vector<16xf32>
        %parallel_loop3A_414 = arith.addf %parallel_loop3A_407, %parallel_loop3A_413 : vector<16xf32>
        %parallel_loop3A_415 = arith.constant 0 : i32
        %parallel_loop3A_416 = arith.addi %parallel_loop3A_415, %parallel_loop3A_349 : i32
        %parallel_loop3A_417 = arith.index_cast %parallel_loop3A_416 : i32 to index
        %parallel_loop3A_418 = arith.constant 48 : index
        %parallel_loop3A_419 = tpu.vector_load %arg16[%parallel_loop3A_417, %parallel_loop3A_418] {strides = array<i32>} : memref<200x64xf32, #tpu.memory_space<vmem>>, vector<1x16xf32>,
        %parallel_loop3A_420 = vector.shape_cast %parallel_loop3A_419 : vector<1x16xf32> to vector<16xf32>
        %parallel_loop3A_421 = vector.shape_cast %parallel_loop3A_414 : vector<16xf32> to vector<1x16xf32>
        tpu.vector_store %arg16[%parallel_loop3A_417, %parallel_loop3A_418], %parallel_loop3A_421 {strides = array<i32>} : memref<200x64xf32, #tpu.memory_space<vmem>>, vector<1x16xf32>,
      } {sc.loop_unroll_factor = 4 : i64, sc.parallel_access}
      %parallel_loop3A_267 = arith.constant 0 : i32
      %parallel_loop3A_268 = arith.constant 100 : i32
      %parallel_loop3A_269 = arith.constant 1 : i32
      scf.for %parallel_loop3A_349 = %parallel_loop3A_267 to %parallel_loop3A_268 step %parallel_loop3A_269  : i32 {
        %parallel_loop3A_350 = arith.index_cast %parallel_loop3A_349 : i32 to index
        %parallel_loop3A_351 = arith.constant 0 : index
        %parallel_loop3A_352 = tpu.vector_load %arg13[%parallel_loop3A_350, %parallel_loop3A_351] {strides = array<i32>} : memref<100x64xf32, #tpu.memory_space<vmem>>, vector<1x16xf32>,
        %parallel_loop3A_353 = vector.shape_cast %parallel_loop3A_352 : vector<1x16xf32> to vector<16xf32>
        %parallel_loop3A_354 = arith.constant 100 : i32
        %parallel_loop3A_355 = arith.addi %parallel_loop3A_354, %parallel_loop3A_349 : i32
        %parallel_loop3A_356 = arith.index_cast %parallel_loop3A_355 : i32 to index
        %parallel_loop3A_357 = arith.constant 0 : index
        %parallel_loop3A_358 = tpu.vector_load %arg7[%parallel_loop3A_356, %parallel_loop3A_357] {strides = array<i32>} : memref<200x64xf32, #tpu.memory_space<vmem>>, vector<1x16xf32>,
        %parallel_loop3A_359 = vector.shape_cast %parallel_loop3A_358 : vector<1x16xf32> to vector<16xf32>
        %parallel_loop3A_360 = arith.addf %parallel_loop3A_353, %parallel_loop3A_359 : vector<16xf32>
        %parallel_loop3A_361 = arith.constant 100 : i32
        %parallel_loop3A_362 = arith.addi %parallel_loop3A_361, %parallel_loop3A_349 : i32
        %parallel_loop3A_363 = arith.index_cast %parallel_loop3A_362 : i32 to index
        %parallel_loop3A_364 = arith.constant 0 : index
        %parallel_loop3A_365 = tpu.vector_load %arg16[%parallel_loop3A_363, %parallel_loop3A_364] {strides = array<i32>} : memref<200x64xf32, #tpu.memory_space<vmem>>, vector<1x16xf32>,
        %parallel_loop3A_366 = vector.shape_cast %parallel_loop3A_365 : vector<1x16xf32> to vector<16xf32>
        %parallel_loop3A_367 = vector.shape_cast %parallel_loop3A_360 : vector<16xf32> to vector<1x16xf32>
        tpu.vector_store %arg16[%parallel_loop3A_363, %parallel_loop3A_364], %parallel_loop3A_367 {strides = array<i32>} : memref<200x64xf32, #tpu.memory_space<vmem>>, vector<1x16xf32>,
        %parallel_loop3A_368 = arith.index_cast %parallel_loop3A_349 : i32 to index
        %parallel_loop3A_369 = arith.constant 16 : index
        %parallel_loop3A_370 = tpu.vector_load %arg13[%parallel_loop3A_368, %parallel_loop3A_369] {strides = array<i32>} : memref<100x64xf32, #tpu.memory_space<vmem>>, vector<1x16xf32>,
        %parallel_loop3A_371 = vector.shape_cast %parallel_loop3A_370 : vector<1x16xf32> to vector<16xf32>
        %parallel_loop3A_372 = arith.constant 100 : i32
        %parallel_loop3A_373 = arith.addi %parallel_loop3A_372, %parallel_loop3A_349 : i32
        %parallel_loop3A_374 = arith.index_cast %parallel_loop3A_373 : i32 to index
        %parallel_loop3A_375 = arith.constant 16 : index
        %parallel_loop3A_376 = tpu.vector_load %arg7[%parallel_loop3A_374, %parallel_loop3A_375] {strides = array<i32>} : memref<200x64xf32, #tpu.memory_space<vmem>>, vector<1x16xf32>,
        %parallel_loop3A_377 = vector.shape_cast %parallel_loop3A_376 : vector<1x16xf32> to vector<16xf32>
        %parallel_loop3A_378 = arith.addf %parallel_loop3A_371, %parallel_loop3A_377 : vector<16xf32>
        %parallel_loop3A_379 = arith.constant 100 : i32
        %parallel_loop3A_380 = arith.addi %parallel_loop3A_379, %parallel_loop3A_349 : i32
        %parallel_loop3A_381 = arith.index_cast %parallel_loop3A_380 : i32 to index
        %parallel_loop3A_382 = arith.constant 16 : index
        %parallel_loop3A_383 = tpu.vector_load %arg16[%parallel_loop3A_381, %parallel_loop3A_382] {strides = array<i32>} : memref<200x64xf32, #tpu.memory_space<vmem>>, vector<1x16xf32>,
        %parallel_loop3A_384 = vector.shape_cast %parallel_loop3A_383 : vector<1x16xf32> to vector<16xf32>
        %parallel_loop3A_385 = vector.shape_cast %parallel_loop3A_378 : vector<16xf32> to vector<1x16xf32>
        tpu.vector_store %arg16[%parallel_loop3A_381, %parallel_loop3A_382], %parallel_loop3A_385 {strides = array<i32>} : memref<200x64xf32, #tpu.memory_space<vmem>>, vector<1x16xf32>,
        %parallel_loop3A_386 = arith.index_cast %parallel_loop3A_349 : i32 to index
        %parallel_loop3A_387 = arith.constant 32 : index
        %parallel_loop3A_388 = tpu.vector_load %arg13[%parallel_loop3A_386, %parallel_loop3A_387] {strides = array<i32>} : memref<100x64xf32, #tpu.memory_space<vmem>>, vector<1x16xf32>,
        %parallel_loop3A_389 = vector.shape_cast %parallel_loop3A_388 : vector<1x16xf32> to vector<16xf32>
        %parallel_loop3A_390 = arith.constant 100 : i32
        %parallel_loop3A_391 = arith.addi %parallel_loop3A_390, %parallel_loop3A_349 : i32
        %parallel_loop3A_392 = arith.index_cast %parallel_loop3A_391 : i32 to index
        %parallel_loop3A_393 = arith.constant 32 : index
        %parallel_loop3A_394 = tpu.vector_load %arg7[%parallel_loop3A_392, %parallel_loop3A_393] {strides = array<i32>} : memref<200x64xf32, #tpu.memory_space<vmem>>, vector<1x16xf32>,
        %parallel_loop3A_395 = vector.shape_cast %parallel_loop3A_394 : vector<1x16xf32> to vector<16xf32>
        %parallel_loop3A_396 = arith.addf %parallel_loop3A_389, %parallel_loop3A_395 : vector<16xf32>
        %parallel_loop3A_397 = arith.constant 100 : i32
        %parallel_loop3A_398 = arith.addi %parallel_loop3A_397, %parallel_loop3A_349 : i32
        %parallel_loop3A_399 = arith.index_cast %parallel_loop3A_398 : i32 to index
        %parallel_loop3A_400 = arith.constant 32 : index
        %parallel_loop3A_401 = tpu.vector_load %arg16[%parallel_loop3A_399, %parallel_loop3A_400] {strides = array<i32>} : memref<200x64xf32, #tpu.memory_space<vmem>>, vector<1x16xf32>,
        %parallel_loop3A_402 = vector.shape_cast %parallel_loop3A_401 : vector<1x16xf32> to vector<16xf32>
        %parallel_loop3A_403 = vector.shape_cast %parallel_loop3A_396 : vector<16xf32> to vector<1x16xf32>
        tpu.vector_store %arg16[%parallel_loop3A_399, %parallel_loop3A_400], %parallel_loop3A_403 {strides = array<i32>} : memref<200x64xf32, #tpu.memory_space<vmem>>, vector<1x16xf32>,
        %parallel_loop3A_404 = arith.index_cast %parallel_loop3A_349 : i32 to index
        %parallel_loop3A_405 = arith.constant 48 : index
        %parallel_loop3A_406 = tpu.vector_load %arg13[%parallel_loop3A_404, %parallel_loop3A_405] {strides = array<i32>} : memref<100x64xf32, #tpu.memory_space<vmem>>, vector<1x16xf32>,
        %parallel_loop3A_407 = vector.shape_cast %parallel_loop3A_406 : vector<1x16xf32> to vector<16xf32>
        %parallel_loop3A_408 = arith.constant 100 : i32
        %parallel_loop3A_409 = arith.addi %parallel_loop3A_408, %parallel_loop3A_349 : i32
        %parallel_loop3A_410 = arith.index_cast %parallel_loop3A_409 : i32 to index
        %parallel_loop3A_411 = arith.constant 48 : index
        %parallel_loop3A_412 = tpu.vector_load %arg7[%parallel_loop3A_410, %parallel_loop3A_411] {strides = array<i32>} : memref<200x64xf32, #tpu.memory_space<vmem>>, vector<1x16xf32>,
        %parallel_loop3A_413 = vector.shape_cast %parallel_loop3A_412 : vector<1x16xf32> to vector<16xf32>
        %parallel_loop3A_414 = arith.addf %parallel_loop3A_407, %parallel_loop3A_413 : vector<16xf32>
        %parallel_loop3A_415 = arith.constant 100 : i32
        %parallel_loop3A_416 = arith.addi %parallel_loop3A_415, %parallel_loop3A_349 : i32
        %parallel_loop3A_417 = arith.index_cast %parallel_loop3A_416 : i32 to index
        %parallel_loop3A_418 = arith.constant 48 : index
        %parallel_loop3A_419 = tpu.vector_load %arg16[%parallel_loop3A_417, %parallel_loop3A_418] {strides = array<i32>} : memref<200x64xf32, #tpu.memory_space<vmem>>, vector<1x16xf32>,
        %parallel_loop3A_420 = vector.shape_cast %parallel_loop3A_419 : vector<1x16xf32> to vector<16xf32>
        %parallel_loop3A_421 = vector.shape_cast %parallel_loop3A_414 : vector<16xf32> to vector<1x16xf32>
        tpu.vector_store %arg16[%parallel_loop3A_417, %parallel_loop3A_418], %parallel_loop3A_421 {strides = array<i32>} : memref<200x64xf32, #tpu.memory_space<vmem>>, vector<1x16xf32>,
      } {sc.loop_unroll_factor = 4 : i64, sc.parallel_access}
      %mul3A_270 = arith.constant 128 : i32
      %mul3A_271 = arith.muli %add3A, %mul3A_270 : i32
      %add3A_272 = arith.addi %mul3A_271, %add3A_232 : i32
      %mul3A_273 = arith.constant 200 : i32
      %mul3A_274 = arith.muli %add3A_272, %mul3A_273 : i32
      %dma_start3A_275 = arith.constant 0 : i32
      %dma_start3A_276 = arith.constant 0 : i32
      %dma_start3A_277 = tpu.memref_slice %arg5[%mul3A_274, %dma_start3A_276] : memref<819200x64xf32, #tpu.memory_space<hbm>> -> memref<200x64xf32, #tpu.memory_space<hbm>>
      %dma_start3A_278 = tpu.memref_slice %arg19[%dma_start3A_275] : memref<2x!tpu.dma_semaphore, #tpu.memory_space<semaphore_mem>> -> memref<1x!tpu.dma_semaphore, #tpu.memory_space<semaphore_mem>>
      %dma_start3A_279 = tpu.memref_squeeze %dma_start3A_278 : memref<1x!tpu.dma_semaphore, #tpu.memory_space<semaphore_mem>> -> memref<!tpu.dma_semaphore, #tpu.memory_space<semaphore_mem>>
      %dma_start3A_280 = arith.constant 0 : i32
      %dma_start3A_281 = tpu.memref_slice %arg5[%mul3A_274, %dma_start3A_280] : memref<819200x64xf32, #tpu.memory_space<hbm>> -> memref<200x64xf32, #tpu.memory_space<hbm>>
      tpu.enqueue_dma source(%arg16 : memref<200x64xf32, #tpu.memory_space<vmem>>) target(%dma_start3A_281 : memref<200x64xf32, #tpu.memory_space<hbm>>) target_semaphore(%dma_start3A_279 : memref<!tpu.dma_semaphore, #tpu.memory_space<semaphore_mem>>)
      %add3A_282 = arith.constant 4 : i32
      %add3A_283 = arith.addi %add3A_232, %add3A_282 : i32
      %lt3A_284 = arith.constant 128 : i32
      %lt3A_285 = arith.cmpi slt, %add3A_283, %lt3A_284 : i32
      %convert_element_type3A_286 = arith.extui %lt3A_285 : i1 to i32
      %cond3A_287 = arith.constant 0 : i32
      %cond3A_288 = arith.cmpi ne, %convert_element_type3A_286, %cond3A_287 : i32
      scf.if %cond3A_288 {
        %mul3A_349 = arith.constant 2 : i32
        %mul3A_350 = arith.muli %mul3A_349, %add3A_283 : i32
        %add3A_351 = arith.constant 0 : i32
        %add3A_352 = arith.addi %mul3A_350, %add3A_351 : i32
        %dma_start3A_353 = arith.constant 2 : i32
        %dma_start3A_354 = arith.constant 0 : i32
        %dma_start3A_355 = tpu.memref_slice %arg6[%add3A_352, %dma_start3A_354] : memref<256x100xi32, #tpu.memory_space<vmem>> -> memref<1x100xi32, #tpu.memory_space<vmem>>
        %dma_start3A_356 = tpu.memref_squeeze %dma_start3A_355 : memref<1x100xi32, #tpu.memory_space<vmem>> -> memref<100xi32, #tpu.memory_space<vmem>>
        %dma_start3A_357 = arith.constant 0 : i32
        %dma_start3A_358 = arith.constant 0 : i32
        %dma_start3A_359 = tpu.memref_slice %arg3[%dma_start3A_357, %dma_start3A_358] : memref<100000x64xf32, #tpu.memory_space<hbm>> -> memref<100000x64xf32, #tpu.memory_space<hbm>>
        %dma_start3A_360 = tpu.memref_slice %arg18[%dma_start3A_353] : memref<4x!tpu.dma_semaphore, #tpu.memory_space<semaphore_mem>> -> memref<1x!tpu.dma_semaphore, #tpu.memory_space<semaphore_mem>>
        %dma_start3A_361 = tpu.memref_squeeze %dma_start3A_360 : memref<1x!tpu.dma_semaphore, #tpu.memory_space<semaphore_mem>> -> memref<!tpu.dma_semaphore, #tpu.memory_space<semaphore_mem>>
        tpu.enqueue_indirect_dma source(%dma_start3A_359 : memref<100000x64xf32, #tpu.memory_space<hbm>>) target(%arg12 : memref<100x64xf32, #tpu.memory_space<vmem>>) offsets(%dma_start3A_356 : memref<100xi32, #tpu.memory_space<vmem>>) semaphore(%dma_start3A_361 : memref<!tpu.dma_semaphore, #tpu.memory_space<semaphore_mem>>)
        %mul3A_362 = arith.constant 2 : i32
        %mul3A_363 = arith.muli %mul3A_362, %add3A_283 : i32
        %add3A_364 = arith.constant 1 : i32
        %add3A_365 = arith.addi %mul3A_363, %add3A_364 : i32
        %dma_start3A_366 = arith.constant 2 : i32
        %dma_start3A_367 = arith.constant 0 : i32
        %dma_start3A_368 = tpu.memref_slice %arg6[%add3A_365, %dma_start3A_367] : memref<256x100xi32, #tpu.memory_space<vmem>> -> memref<1x100xi32, #tpu.memory_space<vmem>>
        %dma_start3A_369 = tpu.memref_squeeze %dma_start3A_368 : memref<1x100xi32, #tpu.memory_space<vmem>> -> memref<100xi32, #tpu.memory_space<vmem>>
        %dma_start3A_370 = arith.constant 0 : i32
        %dma_start3A_371 = arith.constant 0 : i32
        %dma_start3A_372 = tpu.memref_slice %arg3[%dma_start3A_370, %dma_start3A_371] : memref<100000x64xf32, #tpu.memory_space<hbm>> -> memref<100000x64xf32, #tpu.memory_space<hbm>>
        %dma_start3A_373 = tpu.memref_slice %arg18[%dma_start3A_366] : memref<4x!tpu.dma_semaphore, #tpu.memory_space<semaphore_mem>> -> memref<1x!tpu.dma_semaphore, #tpu.memory_space<semaphore_mem>>
        %dma_start3A_374 = tpu.memref_squeeze %dma_start3A_373 : memref<1x!tpu.dma_semaphore, #tpu.memory_space<semaphore_mem>> -> memref<!tpu.dma_semaphore, #tpu.memory_space<semaphore_mem>>
        tpu.enqueue_indirect_dma source(%dma_start3A_372 : memref<100000x64xf32, #tpu.memory_space<hbm>>) target(%arg13 : memref<100x64xf32, #tpu.memory_space<vmem>>) offsets(%dma_start3A_369 : memref<100xi32, #tpu.memory_space<vmem>>) semaphore(%dma_start3A_374 : memref<!tpu.dma_semaphore, #tpu.memory_space<semaphore_mem>>)
      } else {
      }
      %mul3A_289 = arith.constant 4 : i32
      %mul3A_290 = arith.muli %add3A_113, %mul3A_289 : i32
      %add3A_291 = arith.constant 3 : i32
      %add3A_292 = arith.addi %mul3A_290, %add3A_291 : i32
      %mul3A_293 = arith.constant 2 : i32
      %mul3A_294 = arith.muli %mul3A_293, %add3A_292 : i32
      %add3A_295 = arith.constant 0 : i32
      %add3A_296 = arith.addi %mul3A_294, %add3A_295 : i32
      %dma_wait3A_297 = arith.constant 3 : i32
      %dma_wait3A_298 = arith.constant 0 : i32
      %dma_wait3A_299 = tpu.memref_slice %arg6[%add3A_296, %dma_wait3A_298] : memref<256x100xi32, #tpu.memory_space<vmem>> -> memref<1x100xi32, #tpu.memory_space<vmem>>
      %dma_wait3A_300 = tpu.memref_squeeze %dma_wait3A_299 : memref<1x100xi32, #tpu.memory_space<vmem>> -> memref<100xi32, #tpu.memory_space<vmem>>
      %dma_wait3A_301 = arith.constant 0 : i32
      %dma_wait3A_302 = arith.constant 0 : i32
      %dma_wait3A_303 = tpu.memref_slice %arg3[%dma_wait3A_301, %dma_wait3A_302] : memref<100000x64xf32, #tpu.memory_space<hbm>> -> memref<100000x64xf32, #tpu.memory_space<hbm>>
      %dma_wait3A_304 = tpu.memref_slice %arg18[%dma_wait3A_297] : memref<4x!tpu.dma_semaphore, #tpu.memory_space<semaphore_mem>> -> memref<1x!tpu.dma_semaphore, #tpu.memory_space<semaphore_mem>>
      %dma_wait3A_305 = tpu.memref_squeeze %dma_wait3A_304 : memref<1x!tpu.dma_semaphore, #tpu.memory_space<semaphore_mem>> -> memref<!tpu.dma_semaphore, #tpu.memory_space<semaphore_mem>>
      tpu.wait_indirect_dma semaphore(%dma_wait3A_305 : memref<!tpu.dma_semaphore, #tpu.memory_space<semaphore_mem>>) src(%dma_wait3A_303 : memref<100000x64xf32, #tpu.memory_space<hbm>>) dst(%arg14 : memref<100x64xf32, #tpu.memory_space<vmem>>)
      %mul3A_306 = arith.constant 2 : i32
      %mul3A_307 = arith.muli %mul3A_306, %add3A_292 : i32
      %add3A_308 = arith.constant 1 : i32
      %add3A_309 = arith.addi %mul3A_307, %add3A_308 : i32
      %dma_wait3A_310 = arith.constant 3 : i32
      %dma_wait3A_311 = arith.constant 0 : i32
      %dma_wait3A_312 = tpu.memref_slice %arg6[%add3A_309, %dma_wait3A_311] : memref<256x100xi32, #tpu.memory_space<vmem>> -> memref<1x100xi32, #tpu.memory_space<vmem>>
      %dma_wait3A_313 = tpu.memref_squeeze %dma_wait3A_312 : memref<1x100xi32, #tpu.memory_space<vmem>> -> memref<100xi32, #tpu.memory_space<vmem>>
      %dma_wait3A_314 = arith.constant 0 : i32
      %dma_wait3A_315 = arith.constant 0 : i32
      %dma_wait3A_316 = tpu.memref_slice %arg3[%dma_wait3A_314, %dma_wait3A_315] : memref<100000x64xf32, #tpu.memory_space<hbm>> -> memref<100000x64xf32, #tpu.memory_space<hbm>>
      %dma_wait3A_317 = tpu.memref_slice %arg18[%dma_wait3A_310] : memref<4x!tpu.dma_semaphore, #tpu.memory_space<semaphore_mem>> -> memref<1x!tpu.dma_semaphore, #tpu.memory_space<semaphore_mem>>
      %dma_wait3A_318 = tpu.memref_squeeze %dma_wait3A_317 : memref<1x!tpu.dma_semaphore, #tpu.memory_space<semaphore_mem>> -> memref<!tpu.dma_semaphore, #tpu.memory_space<semaphore_mem>>
      tpu.wait_indirect_dma semaphore(%dma_wait3A_318 : memref<!tpu.dma_semaphore, #tpu.memory_space<semaphore_mem>>) src(%dma_wait3A_316 : memref<100000x64xf32, #tpu.memory_space<hbm>>) dst(%arg15 : memref<100x64xf32, #tpu.memory_space<vmem>>)
      %ge3A_319 = arith.constant 2 : i32
      %ge3A_320 = arith.cmpi sge, %add3A_292, %ge3A_319 : i32
      %convert_element_type3A_321 = arith.extui %ge3A_320 : i1 to i32
      %cond3A_322 = arith.constant 0 : i32
      %cond3A_323 = arith.cmpi ne, %convert_element_type3A_321, %cond3A_322 : i32
      scf.if %cond3A_323 {
        %sub3A = arith.constant 2 : i32
        %sub3A_349 = arith.subi %add3A_292, %sub3A : i32
        %mul3A_350 = arith.constant 128 : i32
        %mul3A_351 = arith.muli %add3A, %mul3A_350 : i32
        %add3A_352 = arith.addi %mul3A_351, %sub3A_349 : i32
        %mul3A_353 = arith.constant 200 : i32
        %mul3A_354 = arith.muli %add3A_352, %mul3A_353 : i32
        %dma_wait3A_355 = arith.constant 1 : i32
        %dma_wait3A_356 = arith.constant 0 : i32
        %dma_wait3A_357 = tpu.memref_slice %arg5[%mul3A_354, %dma_wait3A_356] : memref<819200x64xf32, #tpu.memory_space<hbm>> -> memref<200x64xf32, #tpu.memory_space<hbm>>
        %dma_wait3A_358 = tpu.memref_slice %arg19[%dma_wait3A_355] : memref<2x!tpu.dma_semaphore, #tpu.memory_space<semaphore_mem>> -> memref<1x!tpu.dma_semaphore, #tpu.memory_space<semaphore_mem>>
        %dma_wait3A_359 = tpu.memref_squeeze %dma_wait3A_358 : memref<1x!tpu.dma_semaphore, #tpu.memory_space<semaphore_mem>> -> memref<!tpu.dma_semaphore, #tpu.memory_space<semaphore_mem>>
        %dma_wait3A_360 = arith.constant 0 : i32
        %dma_wait3A_361 = tpu.memref_slice %arg5[%mul3A_354, %dma_wait3A_360] : memref<819200x64xf32, #tpu.memory_space<hbm>> -> memref<200x64xf32, #tpu.memory_space<hbm>>
        tpu.wait_dma2 semaphore(%dma_wait3A_359 : memref<!tpu.dma_semaphore, #tpu.memory_space<semaphore_mem>>) src(%arg17 : memref<200x64xf32, #tpu.memory_space<vmem>>) dst(%dma_wait3A_361 : memref<200x64xf32, #tpu.memory_space<hbm>>)
      } else {
      }
      %parallel_loop3A_324 = arith.constant 0 : i32
      %parallel_loop3A_325 = arith.constant 100 : i32
      %parallel_loop3A_326 = arith.constant 1 : i32
      scf.for %parallel_loop3A_349 = %parallel_loop3A_324 to %parallel_loop3A_325 step %parallel_loop3A_326  : i32 {
        %parallel_loop3A_350 = arith.index_cast %parallel_loop3A_349 : i32 to index
        %parallel_loop3A_351 = arith.constant 0 : index
        %parallel_loop3A_352 = tpu.vector_load %arg14[%parallel_loop3A_350, %parallel_loop3A_351] {strides = array<i32>} : memref<100x64xf32, #tpu.memory_space<vmem>>, vector<1x16xf32>,
        %parallel_loop3A_353 = vector.shape_cast %parallel_loop3A_352 : vector<1x16xf32> to vector<16xf32>
        %parallel_loop3A_354 = arith.constant 0 : i32
        %parallel_loop3A_355 = arith.addi %parallel_loop3A_354, %parallel_loop3A_349 : i32
        %parallel_loop3A_356 = arith.index_cast %parallel_loop3A_355 : i32 to index
        %parallel_loop3A_357 = arith.constant 0 : index
        %parallel_loop3A_358 = tpu.vector_load %arg7[%parallel_loop3A_356, %parallel_loop3A_357] {strides = array<i32>} : memref<200x64xf32, #tpu.memory_space<vmem>>, vector<1x16xf32>,
        %parallel_loop3A_359 = vector.shape_cast %parallel_loop3A_358 : vector<1x16xf32> to vector<16xf32>
        %parallel_loop3A_360 = arith.addf %parallel_loop3A_353, %parallel_loop3A_359 : vector<16xf32>
        %parallel_loop3A_361 = arith.constant 0 : i32
        %parallel_loop3A_362 = arith.addi %parallel_loop3A_361, %parallel_loop3A_349 : i32
        %parallel_loop3A_363 = arith.index_cast %parallel_loop3A_362 : i32 to index
        %parallel_loop3A_364 = arith.constant 0 : index
        %parallel_loop3A_365 = tpu.vector_load %arg17[%parallel_loop3A_363, %parallel_loop3A_364] {strides = array<i32>} : memref<200x64xf32, #tpu.memory_space<vmem>>, vector<1x16xf32>,
        %parallel_loop3A_366 = vector.shape_cast %parallel_loop3A_365 : vector<1x16xf32> to vector<16xf32>
        %parallel_loop3A_367 = vector.shape_cast %parallel_loop3A_360 : vector<16xf32> to vector<1x16xf32>
        tpu.vector_store %arg17[%parallel_loop3A_363, %parallel_loop3A_364], %parallel_loop3A_367 {strides = array<i32>} : memref<200x64xf32, #tpu.memory_space<vmem>>, vector<1x16xf32>,
        %parallel_loop3A_368 = arith.index_cast %parallel_loop3A_349 : i32 to index
        %parallel_loop3A_369 = arith.constant 16 : index
        %parallel_loop3A_370 = tpu.vector_load %arg14[%parallel_loop3A_368, %parallel_loop3A_369] {strides = array<i32>} : memref<100x64xf32, #tpu.memory_space<vmem>>, vector<1x16xf32>,
        %parallel_loop3A_371 = vector.shape_cast %parallel_loop3A_370 : vector<1x16xf32> to vector<16xf32>
        %parallel_loop3A_372 = arith.constant 0 : i32
        %parallel_loop3A_373 = arith.addi %parallel_loop3A_372, %parallel_loop3A_349 : i32
        %parallel_loop3A_374 = arith.index_cast %parallel_loop3A_373 : i32 to index
        %parallel_loop3A_375 = arith.constant 16 : index
        %parallel_loop3A_376 = tpu.vector_load %arg7[%parallel_loop3A_374, %parallel_loop3A_375] {strides = array<i32>} : memref<200x64xf32, #tpu.memory_space<vmem>>, vector<1x16xf32>,
        %parallel_loop3A_377 = vector.shape_cast %parallel_loop3A_376 : vector<1x16xf32> to vector<16xf32>
        %parallel_loop3A_378 = arith.addf %parallel_loop3A_371, %parallel_loop3A_377 : vector<16xf32>
        %parallel_loop3A_379 = arith.constant 0 : i32
        %parallel_loop3A_380 = arith.addi %parallel_loop3A_379, %parallel_loop3A_349 : i32
        %parallel_loop3A_381 = arith.index_cast %parallel_loop3A_380 : i32 to index
        %parallel_loop3A_382 = arith.constant 16 : index
        %parallel_loop3A_383 = tpu.vector_load %arg17[%parallel_loop3A_381, %parallel_loop3A_382] {strides = array<i32>} : memref<200x64xf32, #tpu.memory_space<vmem>>, vector<1x16xf32>,
        %parallel_loop3A_384 = vector.shape_cast %parallel_loop3A_383 : vector<1x16xf32> to vector<16xf32>
        %parallel_loop3A_385 = vector.shape_cast %parallel_loop3A_378 : vector<16xf32> to vector<1x16xf32>
        tpu.vector_store %arg17[%parallel_loop3A_381, %parallel_loop3A_382], %parallel_loop3A_385 {strides = array<i32>} : memref<200x64xf32, #tpu.memory_space<vmem>>, vector<1x16xf32>,
        %parallel_loop3A_386 = arith.index_cast %parallel_loop3A_349 : i32 to index
        %parallel_loop3A_387 = arith.constant 32 : index
        %parallel_loop3A_388 = tpu.vector_load %arg14[%parallel_loop3A_386, %parallel_loop3A_387] {strides = array<i32>} : memref<100x64xf32, #tpu.memory_space<vmem>>, vector<1x16xf32>,
        %parallel_loop3A_389 = vector.shape_cast %parallel_loop3A_388 : vector<1x16xf32> to vector<16xf32>
        %parallel_loop3A_390 = arith.constant 0 : i32
        %parallel_loop3A_391 = arith.addi %parallel_loop3A_390, %parallel_loop3A_349 : i32
        %parallel_loop3A_392 = arith.index_cast %parallel_loop3A_391 : i32 to index
        %parallel_loop3A_393 = arith.constant 32 : index
        %parallel_loop3A_394 = tpu.vector_load %arg7[%parallel_loop3A_392, %parallel_loop3A_393] {strides = array<i32>} : memref<200x64xf32, #tpu.memory_space<vmem>>, vector<1x16xf32>,
        %parallel_loop3A_395 = vector.shape_cast %parallel_loop3A_394 : vector<1x16xf32> to vector<16xf32>
        %parallel_loop3A_396 = arith.addf %parallel_loop3A_389, %parallel_loop3A_395 : vector<16xf32>
        %parallel_loop3A_397 = arith.constant 0 : i32
        %parallel_loop3A_398 = arith.addi %parallel_loop3A_397, %parallel_loop3A_349 : i32
        %parallel_loop3A_399 = arith.index_cast %parallel_loop3A_398 : i32 to index
        %parallel_loop3A_400 = arith.constant 32 : index
        %parallel_loop3A_401 = tpu.vector_load %arg17[%parallel_loop3A_399, %parallel_loop3A_400] {strides = array<i32>} : memref<200x64xf32, #tpu.memory_space<vmem>>, vector<1x16xf32>,
        %parallel_loop3A_402 = vector.shape_cast %parallel_loop3A_401 : vector<1x16xf32> to vector<16xf32>
        %parallel_loop3A_403 = vector.shape_cast %parallel_loop3A_396 : vector<16xf32> to vector<1x16xf32>
        tpu.vector_store %arg17[%parallel_loop3A_399, %parallel_loop3A_400], %parallel_loop3A_403 {strides = array<i32>} : memref<200x64xf32, #tpu.memory_space<vmem>>, vector<1x16xf32>,
        %parallel_loop3A_404 = arith.index_cast %parallel_loop3A_349 : i32 to index
        %parallel_loop3A_405 = arith.constant 48 : index
        %parallel_loop3A_406 = tpu.vector_load %arg14[%parallel_loop3A_404, %parallel_loop3A_405] {strides = array<i32>} : memref<100x64xf32, #tpu.memory_space<vmem>>, vector<1x16xf32>,
        %parallel_loop3A_407 = vector.shape_cast %parallel_loop3A_406 : vector<1x16xf32> to vector<16xf32>
        %parallel_loop3A_408 = arith.constant 0 : i32
        %parallel_loop3A_409 = arith.addi %parallel_loop3A_408, %parallel_loop3A_349 : i32
        %parallel_loop3A_410 = arith.index_cast %parallel_loop3A_409 : i32 to index
        %parallel_loop3A_411 = arith.constant 48 : index
        %parallel_loop3A_412 = tpu.vector_load %arg7[%parallel_loop3A_410, %parallel_loop3A_411] {strides = array<i32>} : memref<200x64xf32, #tpu.memory_space<vmem>>, vector<1x16xf32>,
        %parallel_loop3A_413 = vector.shape_cast %parallel_loop3A_412 : vector<1x16xf32> to vector<16xf32>
        %parallel_loop3A_414 = arith.addf %parallel_loop3A_407, %parallel_loop3A_413 : vector<16xf32>
        %parallel_loop3A_415 = arith.constant 0 : i32
        %parallel_loop3A_416 = arith.addi %parallel_loop3A_415, %parallel_loop3A_349 : i32
        %parallel_loop3A_417 = arith.index_cast %parallel_loop3A_416 : i32 to index
        %parallel_loop3A_418 = arith.constant 48 : index
        %parallel_loop3A_419 = tpu.vector_load %arg17[%parallel_loop3A_417, %parallel_loop3A_418] {strides = array<i32>} : memref<200x64xf32, #tpu.memory_space<vmem>>, vector<1x16xf32>,
        %parallel_loop3A_420 = vector.shape_cast %parallel_loop3A_419 : vector<1x16xf32> to vector<16xf32>
        %parallel_loop3A_421 = vector.shape_cast %parallel_loop3A_414 : vector<16xf32> to vector<1x16xf32>
        tpu.vector_store %arg17[%parallel_loop3A_417, %parallel_loop3A_418], %parallel_loop3A_421 {strides = array<i32>} : memref<200x64xf32, #tpu.memory_space<vmem>>, vector<1x16xf32>,
      } {sc.loop_unroll_factor = 4 : i64, sc.parallel_access}
      %parallel_loop3A_327 = arith.constant 0 : i32
      %parallel_loop3A_328 = arith.constant 100 : i32
      %parallel_loop3A_329 = arith.constant 1 : i32
      scf.for %parallel_loop3A_349 = %parallel_loop3A_327 to %parallel_loop3A_328 step %parallel_loop3A_329  : i32 {
        %parallel_loop3A_350 = arith.index_cast %parallel_loop3A_349 : i32 to index
        %parallel_loop3A_351 = arith.constant 0 : index
        %parallel_loop3A_352 = tpu.vector_load %arg15[%parallel_loop3A_350, %parallel_loop3A_351] {strides = array<i32>} : memref<100x64xf32, #tpu.memory_space<vmem>>, vector<1x16xf32>,
        %parallel_loop3A_353 = vector.shape_cast %parallel_loop3A_352 : vector<1x16xf32> to vector<16xf32>
        %parallel_loop3A_354 = arith.constant 100 : i32
        %parallel_loop3A_355 = arith.addi %parallel_loop3A_354, %parallel_loop3A_349 : i32
        %parallel_loop3A_356 = arith.index_cast %parallel_loop3A_355 : i32 to index
        %parallel_loop3A_357 = arith.constant 0 : index
        %parallel_loop3A_358 = tpu.vector_load %arg7[%parallel_loop3A_356, %parallel_loop3A_357] {strides = array<i32>} : memref<200x64xf32, #tpu.memory_space<vmem>>, vector<1x16xf32>,
        %parallel_loop3A_359 = vector.shape_cast %parallel_loop3A_358 : vector<1x16xf32> to vector<16xf32>
        %parallel_loop3A_360 = arith.addf %parallel_loop3A_353, %parallel_loop3A_359 : vector<16xf32>
        %parallel_loop3A_361 = arith.constant 100 : i32
        %parallel_loop3A_362 = arith.addi %parallel_loop3A_361, %parallel_loop3A_349 : i32
        %parallel_loop3A_363 = arith.index_cast %parallel_loop3A_362 : i32 to index
        %parallel_loop3A_364 = arith.constant 0 : index
        %parallel_loop3A_365 = tpu.vector_load %arg17[%parallel_loop3A_363, %parallel_loop3A_364] {strides = array<i32>} : memref<200x64xf32, #tpu.memory_space<vmem>>, vector<1x16xf32>,
        %parallel_loop3A_366 = vector.shape_cast %parallel_loop3A_365 : vector<1x16xf32> to vector<16xf32>
        %parallel_loop3A_367 = vector.shape_cast %parallel_loop3A_360 : vector<16xf32> to vector<1x16xf32>
        tpu.vector_store %arg17[%parallel_loop3A_363, %parallel_loop3A_364], %parallel_loop3A_367 {strides = array<i32>} : memref<200x64xf32, #tpu.memory_space<vmem>>, vector<1x16xf32>,
        %parallel_loop3A_368 = arith.index_cast %parallel_loop3A_349 : i32 to index
        %parallel_loop3A_369 = arith.constant 16 : index
        %parallel_loop3A_370 = tpu.vector_load %arg15[%parallel_loop3A_368, %parallel_loop3A_369] {strides = array<i32>} : memref<100x64xf32, #tpu.memory_space<vmem>>, vector<1x16xf32>,
        %parallel_loop3A_371 = vector.shape_cast %parallel_loop3A_370 : vector<1x16xf32> to vector<16xf32>
        %parallel_loop3A_372 = arith.constant 100 : i32
        %parallel_loop3A_373 = arith.addi %parallel_loop3A_372, %parallel_loop3A_349 : i32
        %parallel_loop3A_374 = arith.index_cast %parallel_loop3A_373 : i32 to index
        %parallel_loop3A_375 = arith.constant 16 : index
        %parallel_loop3A_376 = tpu.vector_load %arg7[%parallel_loop3A_374, %parallel_loop3A_375] {strides = array<i32>} : memref<200x64xf32, #tpu.memory_space<vmem>>, vector<1x16xf32>,
        %parallel_loop3A_377 = vector.shape_cast %parallel_loop3A_376 : vector<1x16xf32> to vector<16xf32>
        %parallel_loop3A_378 = arith.addf %parallel_loop3A_371, %parallel_loop3A_377 : vector<16xf32>
        %parallel_loop3A_379 = arith.constant 100 : i32
        %parallel_loop3A_380 = arith.addi %parallel_loop3A_379, %parallel_loop3A_349 : i32
        %parallel_loop3A_381 = arith.index_cast %parallel_loop3A_380 : i32 to index
        %parallel_loop3A_382 = arith.constant 16 : index
        %parallel_loop3A_383 = tpu.vector_load %arg17[%parallel_loop3A_381, %parallel_loop3A_382] {strides = array<i32>} : memref<200x64xf32, #tpu.memory_space<vmem>>, vector<1x16xf32>,
        %parallel_loop3A_384 = vector.shape_cast %parallel_loop3A_383 : vector<1x16xf32> to vector<16xf32>
        %parallel_loop3A_385 = vector.shape_cast %parallel_loop3A_378 : vector<16xf32> to vector<1x16xf32>
        tpu.vector_store %arg17[%parallel_loop3A_381, %parallel_loop3A_382], %parallel_loop3A_385 {strides = array<i32>} : memref<200x64xf32, #tpu.memory_space<vmem>>, vector<1x16xf32>,
        %parallel_loop3A_386 = arith.index_cast %parallel_loop3A_349 : i32 to index
        %parallel_loop3A_387 = arith.constant 32 : index
        %parallel_loop3A_388 = tpu.vector_load %arg15[%parallel_loop3A_386, %parallel_loop3A_387] {strides = array<i32>} : memref<100x64xf32, #tpu.memory_space<vmem>>, vector<1x16xf32>,
        %parallel_loop3A_389 = vector.shape_cast %parallel_loop3A_388 : vector<1x16xf32> to vector<16xf32>
        %parallel_loop3A_390 = arith.constant 100 : i32
        %parallel_loop3A_391 = arith.addi %parallel_loop3A_390, %parallel_loop3A_349 : i32
        %parallel_loop3A_392 = arith.index_cast %parallel_loop3A_391 : i32 to index
        %parallel_loop3A_393 = arith.constant 32 : index
        %parallel_loop3A_394 = tpu.vector_load %arg7[%parallel_loop3A_392, %parallel_loop3A_393] {strides = array<i32>} : memref<200x64xf32, #tpu.memory_space<vmem>>, vector<1x16xf32>,
        %parallel_loop3A_395 = vector.shape_cast %parallel_loop3A_394 : vector<1x16xf32> to vector<16xf32>
        %parallel_loop3A_396 = arith.addf %parallel_loop3A_389, %parallel_loop3A_395 : vector<16xf32>
        %parallel_loop3A_397 = arith.constant 100 : i32
        %parallel_loop3A_398 = arith.addi %parallel_loop3A_397, %parallel_loop3A_349 : i32
        %parallel_loop3A_399 = arith.index_cast %parallel_loop3A_398 : i32 to index
        %parallel_loop3A_400 = arith.constant 32 : index
        %parallel_loop3A_401 = tpu.vector_load %arg17[%parallel_loop3A_399, %parallel_loop3A_400] {strides = array<i32>} : memref<200x64xf32, #tpu.memory_space<vmem>>, vector<1x16xf32>,
        %parallel_loop3A_402 = vector.shape_cast %parallel_loop3A_401 : vector<1x16xf32> to vector<16xf32>
        %parallel_loop3A_403 = vector.shape_cast %parallel_loop3A_396 : vector<16xf32> to vector<1x16xf32>
        tpu.vector_store %arg17[%parallel_loop3A_399, %parallel_loop3A_400], %parallel_loop3A_403 {strides = array<i32>} : memref<200x64xf32, #tpu.memory_space<vmem>>, vector<1x16xf32>,
        %parallel_loop3A_404 = arith.index_cast %parallel_loop3A_349 : i32 to index
        %parallel_loop3A_405 = arith.constant 48 : index
        %parallel_loop3A_406 = tpu.vector_load %arg15[%parallel_loop3A_404, %parallel_loop3A_405] {strides = array<i32>} : memref<100x64xf32, #tpu.memory_space<vmem>>, vector<1x16xf32>,
        %parallel_loop3A_407 = vector.shape_cast %parallel_loop3A_406 : vector<1x16xf32> to vector<16xf32>
        %parallel_loop3A_408 = arith.constant 100 : i32
        %parallel_loop3A_409 = arith.addi %parallel_loop3A_408, %parallel_loop3A_349 : i32
        %parallel_loop3A_410 = arith.index_cast %parallel_loop3A_409 : i32 to index
        %parallel_loop3A_411 = arith.constant 48 : index
        %parallel_loop3A_412 = tpu.vector_load %arg7[%parallel_loop3A_410, %parallel_loop3A_411] {strides = array<i32>} : memref<200x64xf32, #tpu.memory_space<vmem>>, vector<1x16xf32>,
        %parallel_loop3A_413 = vector.shape_cast %parallel_loop3A_412 : vector<1x16xf32> to vector<16xf32>
        %parallel_loop3A_414 = arith.addf %parallel_loop3A_407, %parallel_loop3A_413 : vector<16xf32>
        %parallel_loop3A_415 = arith.constant 100 : i32
        %parallel_loop3A_416 = arith.addi %parallel_loop3A_415, %parallel_loop3A_349 : i32
        %parallel_loop3A_417 = arith.index_cast %parallel_loop3A_416 : i32 to index
        %parallel_loop3A_418 = arith.constant 48 : index
        %parallel_loop3A_419 = tpu.vector_load %arg17[%parallel_loop3A_417, %parallel_loop3A_418] {strides = array<i32>} : memref<200x64xf32, #tpu.memory_space<vmem>>, vector<1x16xf32>,
        %parallel_loop3A_420 = vector.shape_cast %parallel_loop3A_419 : vector<1x16xf32> to vector<16xf32>
        %parallel_loop3A_421 = vector.shape_cast %parallel_loop3A_414 : vector<16xf32> to vector<1x16xf32>
        tpu.vector_store %arg17[%parallel_loop3A_417, %parallel_loop3A_418], %parallel_loop3A_421 {strides = array<i32>} : memref<200x64xf32, #tpu.memory_space<vmem>>, vector<1x16xf32>,
      } {sc.loop_unroll_factor = 4 : i64, sc.parallel_access}
      %mul3A_330 = arith.constant 128 : i32
      %mul3A_331 = arith.muli %add3A, %mul3A_330 : i32
      %add3A_332 = arith.addi %mul3A_331, %add3A_292 : i32
      %mul3A_333 = arith.constant 200 : i32
      %mul3A_334 = arith.muli %add3A_332, %mul3A_333 : i32
      %dma_start3A_335 = arith.constant 1 : i32
      %dma_start3A_336 = arith.constant 0 : i32
      %dma_start3A_337 = tpu.memref_slice %arg5[%mul3A_334, %dma_start3A_336] : memref<819200x64xf32, #tpu.memory_space<hbm>> -> memref<200x64xf32, #tpu.memory_space<hbm>>
      %dma_start3A_338 = tpu.memref_slice %arg19[%dma_start3A_335] : memref<2x!tpu.dma_semaphore, #tpu.memory_space<semaphore_mem>> -> memref<1x!tpu.dma_semaphore, #tpu.memory_space<semaphore_mem>>
      %dma_start3A_339 = tpu.memref_squeeze %dma_start3A_338 : memref<1x!tpu.dma_semaphore, #tpu.memory_space<semaphore_mem>> -> memref<!tpu.dma_semaphore, #tpu.memory_space<semaphore_mem>>
      %dma_start3A_340 = arith.constant 0 : i32
      %dma_start3A_341 = tpu.memref_slice %arg5[%mul3A_334, %dma_start3A_340] : memref<819200x64xf32, #tpu.memory_space<hbm>> -> memref<200x64xf32, #tpu.memory_space<hbm>>
      tpu.enqueue_dma source(%arg17 : memref<200x64xf32, #tpu.memory_space<vmem>>) target(%dma_start3A_341 : memref<200x64xf32, #tpu.memory_space<hbm>>) target_semaphore(%dma_start3A_339 : memref<!tpu.dma_semaphore, #tpu.memory_space<semaphore_mem>>)
      %add3A_342 = arith.constant 4 : i32
      %add3A_343 = arith.addi %add3A_292, %add3A_342 : i32
      %lt3A_344 = arith.constant 128 : i32
      %lt3A_345 = arith.cmpi slt, %add3A_343, %lt3A_344 : i32
      %convert_element_type3A_346 = arith.extui %lt3A_345 : i1 to i32
      %cond3A_347 = arith.constant 0 : i32
      %cond3A_348 = arith.cmpi ne, %convert_element_type3A_346, %cond3A_347 : i32
      scf.if %cond3A_348 {
        %mul3A_349 = arith.constant 2 : i32
        %mul3A_350 = arith.muli %mul3A_349, %add3A_343 : i32
        %add3A_351 = arith.constant 0 : i32
        %add3A_352 = arith.addi %mul3A_350, %add3A_351 : i32
        %dma_start3A_353 = arith.constant 3 : i32
        %dma_start3A_354 = arith.constant 0 : i32
        %dma_start3A_355 = tpu.memref_slice %arg6[%add3A_352, %dma_start3A_354] : memref<256x100xi32, #tpu.memory_space<vmem>> -> memref<1x100xi32, #tpu.memory_space<vmem>>
        %dma_start3A_356 = tpu.memref_squeeze %dma_start3A_355 : memref<1x100xi32, #tpu.memory_space<vmem>> -> memref<100xi32, #tpu.memory_space<vmem>>
        %dma_start3A_357 = arith.constant 0 : i32
        %dma_start3A_358 = arith.constant 0 : i32
        %dma_start3A_359 = tpu.memref_slice %arg3[%dma_start3A_357, %dma_start3A_358] : memref<100000x64xf32, #tpu.memory_space<hbm>> -> memref<100000x64xf32, #tpu.memory_space<hbm>>
        %dma_start3A_360 = tpu.memref_slice %arg18[%dma_start3A_353] : memref<4x!tpu.dma_semaphore, #tpu.memory_space<semaphore_mem>> -> memref<1x!tpu.dma_semaphore, #tpu.memory_space<semaphore_mem>>
        %dma_start3A_361 = tpu.memref_squeeze %dma_start3A_360 : memref<1x!tpu.dma_semaphore, #tpu.memory_space<semaphore_mem>> -> memref<!tpu.dma_semaphore, #tpu.memory_space<semaphore_mem>>
        tpu.enqueue_indirect_dma source(%dma_start3A_359 : memref<100000x64xf32, #tpu.memory_space<hbm>>) target(%arg14 : memref<100x64xf32, #tpu.memory_space<vmem>>) offsets(%dma_start3A_356 : memref<100xi32, #tpu.memory_space<vmem>>) semaphore(%dma_start3A_361 : memref<!tpu.dma_semaphore, #tpu.memory_space<semaphore_mem>>)
        %mul3A_362 = arith.constant 2 : i32
        %mul3A_363 = arith.muli %mul3A_362, %add3A_343 : i32
        %add3A_364 = arith.constant 1 : i32
        %add3A_365 = arith.addi %mul3A_363, %add3A_364 : i32
        %dma_start3A_366 = arith.constant 3 : i32
        %dma_start3A_367 = arith.constant 0 : i32
        %dma_start3A_368 = tpu.memref_slice %arg6[%add3A_365, %dma_start3A_367] : memref<256x100xi32, #tpu.memory_space<vmem>> -> memref<1x100xi32, #tpu.memory_space<vmem>>
        %dma_start3A_369 = tpu.memref_squeeze %dma_start3A_368 : memref<1x100xi32, #tpu.memory_space<vmem>> -> memref<100xi32, #tpu.memory_space<vmem>>
        %dma_start3A_370 = arith.constant 0 : i32
        %dma_start3A_371 = arith.constant 0 : i32
        %dma_start3A_372 = tpu.memref_slice %arg3[%dma_start3A_370, %dma_start3A_371] : memref<100000x64xf32, #tpu.memory_space<hbm>> -> memref<100000x64xf32, #tpu.memory_space<hbm>>
        %dma_start3A_373 = tpu.memref_slice %arg18[%dma_start3A_366] : memref<4x!tpu.dma_semaphore, #tpu.memory_space<semaphore_mem>> -> memref<1x!tpu.dma_semaphore, #tpu.memory_space<semaphore_mem>>
        %dma_start3A_374 = tpu.memref_squeeze %dma_start3A_373 : memref<1x!tpu.dma_semaphore, #tpu.memory_space<semaphore_mem>> -> memref<!tpu.dma_semaphore, #tpu.memory_space<semaphore_mem>>
        tpu.enqueue_indirect_dma source(%dma_start3A_372 : memref<100000x64xf32, #tpu.memory_space<hbm>>) target(%arg15 : memref<100x64xf32, #tpu.memory_space<vmem>>) offsets(%dma_start3A_369 : memref<100xi32, #tpu.memory_space<vmem>>) semaphore(%dma_start3A_374 : memref<!tpu.dma_semaphore, #tpu.memory_space<semaphore_mem>>)
      } else {
      }
    }
    %scan3A_83 = arith.constant 32 : i32
    %mul3A_84 = arith.constant 128 : i32
    %mul3A_85 = arith.muli %add3A, %mul3A_84 : i32
    %add3A_86 = arith.constant 126 : i32
    %add3A_87 = arith.addi %mul3A_85, %add3A_86 : i32
    %mul3A_88 = arith.constant 200 : i32
    %mul3A_89 = arith.muli %add3A_87, %mul3A_88 : i32
    %dma_wait3A = arith.constant 0 : i32
    %dma_wait3A_90 = arith.constant 0 : i32
    %dma_wait3A_91 = tpu.memref_slice %arg5[%mul3A_89, %dma_wait3A_90] : memref<819200x64xf32, #tpu.memory_space<hbm>> -> memref<200x64xf32, #tpu.memory_space<hbm>>
    %dma_wait3A_92 = tpu.memref_slice %arg19[%dma_wait3A] : memref<2x!tpu.dma_semaphore, #tpu.memory_space<semaphore_mem>> -> memref<1x!tpu.dma_semaphore, #tpu.memory_space<semaphore_mem>>
    %dma_wait3A_93 = tpu.memref_squeeze %dma_wait3A_92 : memref<1x!tpu.dma_semaphore, #tpu.memory_space<semaphore_mem>> -> memref<!tpu.dma_semaphore, #tpu.memory_space<semaphore_mem>>
    %dma_wait3A_94 = arith.constant 0 : i32
    %dma_wait3A_95 = tpu.memref_slice %arg5[%mul3A_89, %dma_wait3A_94] : memref<819200x64xf32, #tpu.memory_space<hbm>> -> memref<200x64xf32, #tpu.memory_space<hbm>>
    tpu.wait_dma2 semaphore(%dma_wait3A_93 : memref<!tpu.dma_semaphore, #tpu.memory_space<semaphore_mem>>) src(%arg16 : memref<200x64xf32, #tpu.memory_space<vmem>>) dst(%dma_wait3A_95 : memref<200x64xf32, #tpu.memory_space<hbm>>)
    %mul3A_96 = arith.constant 128 : i32
    %mul3A_97 = arith.muli %add3A, %mul3A_96 : i32
    %add3A_98 = arith.constant 127 : i32
    %add3A_99 = arith.addi %mul3A_97, %add3A_98 : i32
    %mul3A_100 = arith.constant 200 : i32
    %mul3A_101 = arith.muli %add3A_99, %mul3A_100 : i32
    %dma_wait3A_102 = arith.constant 1 : i32
    %dma_wait3A_103 = arith.constant 0 : i32
    %dma_wait3A_104 = tpu.memref_slice %arg5[%mul3A_101, %dma_wait3A_103] : memref<819200x64xf32, #tpu.memory_space<hbm>> -> memref<200x64xf32, #tpu.memory_space<hbm>>
    %dma_wait3A_105 = tpu.memref_slice %arg19[%dma_wait3A_102] : memref<2x!tpu.dma_semaphore, #tpu.memory_space<semaphore_mem>> -> memref<1x!tpu.dma_semaphore, #tpu.memory_space<semaphore_mem>>
    %dma_wait3A_106 = tpu.memref_squeeze %dma_wait3A_105 : memref<1x!tpu.dma_semaphore, #tpu.memory_space<semaphore_mem>> -> memref<!tpu.dma_semaphore, #tpu.memory_space<semaphore_mem>>
    %dma_wait3A_107 = arith.constant 0 : i32
    %dma_wait3A_108 = tpu.memref_slice %arg5[%mul3A_101, %dma_wait3A_107] : memref<819200x64xf32, #tpu.memory_space<hbm>> -> memref<200x64xf32, #tpu.memory_space<hbm>>
    tpu.wait_dma2 semaphore(%dma_wait3A_106 : memref<!tpu.dma_semaphore, #tpu.memory_space<semaphore_mem>>) src(%arg17 : memref<200x64xf32, #tpu.memory_space<vmem>>) dst(%dma_wait3A_108 : memref<200x64xf32, #tpu.memory_space<hbm>>)
    return
  }
}

</mosaic_0001>

<sc_bundles>
// kernel: kernel.3.cloned.1.call-start
scs
__scs_entry_jumppad:
0x0: {  	(pc) =	sbr.rel $0x88, $3  }
0x1: {  	(tag) =	ssettag $0x0;
	lr =	simm.s32 $0x1  }
0x2: {  	[smem:$0x3F9F] =	sst lr;
	_ =	strace $0xD0000000  }
0x3: {  	_ = 	snop  }
0x4: {  	_ = 	snop  }
0x5: {  	_ = 	snop  }
0x6: {  	_ = 	snop  }
0x7: {  	_ = 	snop  }
__scs_overlays_trampoline_lowered:
0x8: {  	[smem:$0x3FAE] =	sst s0  }
0x9: {  	[smem:$0x3FAF] =	sst s1  }
0xa: {  	[smem:$0x3FB0] =	sst s2  }
0xb: {  	[smem:$0x3FB1] =	sst s3  }
0xc: {  	[smem:$0x3FB2] =	sst s4  }
0xd: {  	[smem:$0x3FB3] =	sst s5  }
0xe: {  	[smem:$0x3FB4] =	sst s6  }
0xf: {  	[smem:$0x3FB5] =	sst s7  }
0x10: {  	[smem:$0x3FB6] =	sst s8  }
0x11: {  	[smem:$0x3FB7] =	sst s9;
	s0 =	simm.s32 @!p0 $0x0  }
0x12: {  	s1 =	sld [smem:$0x3F9D];
	s0 =	simm.s32 @p0 $0x1  }
0x13: {  	[smem:$0x3FB8] =	sst s0;
	s0 =	simm.s32 @!p1 $0x0  }
0x14: {  	s2 =	sld [smem:$0x3F9C];
	s0 =	simm.s32 @p1 $0x1  }
0x15: {  	[smem:$0x3FB9] =	sst s0;
	s0 =	simm.s32 @!p2 $0x0  }
0x16: {  	s3 =	sld [smem:$0x3FDB];
	s0 =	simm.s32 @p2 $0x1  }
0x17: {  	s4 =	simm.s32 $0x1BF5;
	[smem:$0x3FBB] =	sst s0  }
0x18: {  	s0 =	sld [smem:$0x3F9E];
	_ =	swait.ge [sflag:s4], $0x0  }
0x19: {  	s7 =	sld [smem:$0x3F9F]  }
0x1a: {  	s8 =	sadd.s32 $0xFFFFE003, lr  }
0x1b: {  	s9 =	sadd.s32 $0xFFFFFEF7, lr;
	s5 =	simm.s32 $0xFFFFFFFF;
	p2 =	slt.u32 s8, $0xFFFFF086  }
0x1c: {  	p1 =	slt.u32 s9, $0xF7A;
	s5 =	simm.s32 @!p2 $0x0  }
0x1d: {  	s5 =	simm.s32 @p1 $0x1;
	p0 =	seq.s32 s7, s2  }
0x1e: {  	s7 =	smul.u32 @!p0 $0xF7A, s2;
	p2 =	seq.s32 @!p0 s5, $0x0  }
0x1f: {  	s9 =	smul.u32 $0xF7A, s1;
	s8 =	simm.s32 @!p0 $0x1BF5;
	p2 =	por !p2, p0  }
0x20: {  	[sflag:s8] =	ssyncset.s32 @!p0 $0xFFFFF086;
	s6 =	sadd.s32 @!p0 s3, s7;
	s7 =	simm.s32 @!p0 $0x108  }
0x21: {  	s3 =	sadd.s32 s3, s9;
	s6 =	sadd.s32 @!p0 $0x88, s6;
	s7 =	simm.s32 @p2 $0x1082  }
0x22: {  	[simem:s7], [sflag:s8] =	dma.local @!p0 [hbm:s6], $0xF7A  }
0x23: {  	s9 =	sor.u32 $0xD0000000, s2;
	s6 =	simm.s32 $0x108;
	_ =	swait.ge @!p0 [sflag:s8], $0x0  }
0x24: {  	s3 =	sadd.s32 $0x88, s3;
	s6 =	simm.s32 @!p1 $0x1082;
	[sflag:s4] =	ssyncset.s32 $0xFFFFF086  }
0x25: {  	[simem:s6], [sflag:s4] =	dma.local [hbm:s3], $0xF7A  }
0x26: {  	[smem:$0x3F9F] =	sst s1;
	(tag) =	ssettag s2;
	_ =	strace s9  }
0x27: {  	s1 =	sld [smem:$0x3FAF]  }
0x28: {  	s2 =	sld [smem:$0x3FB0]  }
0x29: {  	s4 =	sld [smem:$0x3FB2]  }
0x2a: {  	p0 =	seq.s32 s5, $0x0;
	s5 =	sld [smem:$0x3FB3]  }
0x2b: {  	s6 =	sld [smem:$0x3FB4]  }
0x2c: {  	s7 =	sld [smem:$0x3FB5]  }
0x2d: {  	s3 =	simm.s32 $0x108;
	s8 =	sld [smem:$0x3FB6]  }
0x2e: {  	s3 =	simm.s32 @!p0 $0x1082;
	s9 =	sld [smem:$0x3FB7]  }
0x2f: {  	lr =	sadd.s32 s0, s3;
	s0 =	sld [smem:$0x3FAE]  }
0x30: {  	s3 =	sld [smem:$0x3FB1]  }
0x31: {  	[smem:$0x3FBA] =	sst s10  }
0x32: {  	s10 =	sld [smem:$0x3FB8];
	_ =	sdelay $0x3  }
0x33: {  	p0 =	seq.s32 s10, $0x1;
	s10 =	sld [smem:$0x3FBA];
	_ =	sdelay $0x3  }
0x34: {  	[smem:$0x3FBA] =	sst s10  }
0x35: {  	s10 =	sld [smem:$0x3FB9];
	_ =	sdelay $0x3  }
0x36: {  	p1 =	seq.s32 s10, $0x1;
	s10 =	sld [smem:$0x3FBA];
	_ =	sdelay $0x3  }
0x37: {  	[smem:$0x3FBA] =	sst s10  }
0x38: {  	s10 =	sld [smem:$0x3FBB]  }
0x39: {  	_ = 	snop;
	(pc) =	sbr.ind lr, $3  }
0x3a: {  	_ = 	snop  }
0x3b: {  	_ = 	snop  }
0x3c: {  	p2 =	seq.s32 s10, $0x1;
	s10 =	sld [smem:$0x3FBA]  }
0x3d: {  	_ =	shalt  }
0x3e: {  	_ =	shalt  }
0x3f: {  	_ =	shalt  }
0x40: {  	_ =	shalt  }
0x41: {  	_ =	shalt  }
0x42: {  	_ =	shalt  }
0x43: {  	_ =	shalt  }
0x44: {  	_ =	shalt  }
0x45: {  	_ =	shalt  }
0x46: {  	_ =	shalt  }
0x47: {  	_ =	shalt  }
0x48: {  	_ =	shalt  }
0x49: {  	_ =	shalt  }
0x4a: {  	_ =	shalt  }
0x4b: {  	_ =	shalt  }
0x4c: {  	_ =	shalt  }
0x4d: {  	_ =	shalt  }
0x4e: {  	_ =	shalt  }
0x4f: {  	_ =	shalt  }
0x50: {  	_ =	shalt  }
0x51: {  	_ =	shalt  }
0x52: {  	_ =	shalt  }
0x53: {  	_ =	shalt  }
0x54: {  	_ =	shalt  }
0x55: {  	_ =	shalt  }
0x56: {  	_ =	shalt  }
0x57: {  	_ =	shalt  }
0x58: {  	_ =	shalt  }
0x59: {  	_ =	shalt  }
0x5a: {  	_ =	shalt  }
0x5b: {  	_ =	shalt  }
0x5c: {  	_ =	shalt  }
0x5d: {  	_ =	shalt  }
0x5e: {  	_ =	shalt  }
0x5f: {  	_ =	shalt  }
0x60: {  	_ =	shalt  }
0x61: {  	_ =	shalt  }
0x62: {  	_ =	shalt  }
0x63: {  	_ =	shalt  }
0x64: {  	_ =	shalt  }
0x65: {  	_ =	shalt  }
0x66: {  	_ =	shalt  }
0x67: {  	_ =	shalt  }
0x68: {  	_ =	shalt  }
0x69: {  	_ =	shalt  }
0x6a: {  	_ =	shalt  }
0x6b: {  	_ =	shalt  }
0x6c: {  	_ =	shalt  }
0x6d: {  	_ =	shalt  }
0x6e: {  	_ =	shalt  }
0x6f: {  	_ =	shalt  }
0x70: {  	_ =	shalt  }
0x71: {  	_ =	shalt  }
0x72: {  	_ =	shalt  }
0x73: {  	_ =	shalt  }
0x74: {  	_ =	shalt  }
0x75: {  	_ =	shalt  }
0x76: {  	_ =	shalt  }
0x77: {  	_ =	shalt  }
0x78: {  	_ =	shalt  }
0x79: {  	_ =	shalt  }
0x7a: {  	_ =	shalt  }
0x7b: {  	_ =	shalt  }
0x7c: {  	_ =	shalt  }
0x7d: {  	_ =	shalt  }
0x7e: {  	_ =	shalt  }
0x7f: {  	_ =	shalt  }
0x80: {  	_ =	shalt  }
0x81: {  	_ =	shalt  }
0x82: {  	_ =	shalt  }
0x83: {  	_ =	shalt  }
0x84: {  	_ =	shalt  }
0x85: {  	_ =	shalt  }
0x86: {  	_ =	shalt  }
0x87: {  	_ =	shalt  }
.Lfunc_end0:
.L_simem_size_0:
called_computation.1_lowered:
.L_overlay_start_0:
0x88: {  	s2 =	sld [smem:$0x3FD9]  }
0x89: {  	s3 =	sld [smem:$0x3FFE];
	_ =	sdelay $0x1  }
0x8a: {  	s1 =	srdreg.scid  }
0x8b: {  	s0 =	sand.u32 $0x1, s1  }
0x8c: {  	s17 =	sshll.u32 s0, $0xA;
	s2 =	sadd.s32 s3, s2  }
0x8d: {  	s2 =	sadd.s32 s2, s17  }
0x8e: {  	[smem:$0x3FC6] =	sst s2  }
0x8f: {  	_ = 	snop  }
0x90: {  	s2 =	sld [smem:$0x3FD0];
	(tm) =	ssettm $0x1  }
0x91: {  	s18 =	sld [smem:$0x3FFB];
	_ =	sdelay $0x3  }
0x92: {  	_ =	strace s18  }
0x93: {  	s3 =	sld [smem:$0x3FFC];
	_ =	sdelay $0x3  }
0x94: {  	_ =	strace s3  }
0x95: {  	s3 =	sld [smem:$0x3FFD];
	_ =	sdelay $0x3  }
0x96: {  	_ =	strace s3  }
0x97: {  	_ =	strace $0x8FFFFFFF  }
0x98: {  	s19 =	sld [smem:$0x3FDB];
	_ =	sdelay $0x1  }
0x99: {  	s4 =	simm.s32 $_scs_section_size  }
0x9a: {  	s5 =	simm.s32 $_size__tile_overlayer_lowered;
	s6 =	simm.s32 $_tile_overlayer_lowered  }
0x9b: {  	s22 =	simm.s32 $0x1BFF;
	s21 =	sshll.u32 s6, $0x1;
	s3 =	sadd.s32 s4, s19  }
0x9c: {  	s7 =	simm.s32 $0x0;
	s20 =	sshll.u32 s5, $0x1;
	s5 =	sadd.s32 s21, s3  }
0x9d: {  	[timem:s7], [sflag:s22] =	dma.local [hbm:s5], s20  }
0x9e: {  	_ =	swait.ge [sflag:s22], s20  }
0x9f: {  	s4 =	ssub.s32 $0x0, s20;
	[sflag:s22] =	ssyncset.done $0x0  }
0xa0: {  	[sflag:s22] =	ssyncadd.s32 s4;
	_ =	sdelay $0x1  }
0xa1: {  	s23 =	simm.s32 $0x1B8B  }
0xa2: {  	_ =	swait.ge [sflag:s23], $0x1  }
0xa3: {  	[sflag:s23] =	ssyncset.done $0x0  }
0xa4: {  	s25 =	simm.s32 $0x1B8E;
	s24 =	sld [smem:$0x3FFE];
	[sflag:s23] =	ssyncadd.s32 $0xFFFFFFFF  }
0xa5: {  	s26 =	simm.s32 $execute0_lowered;
	[smem:$0x3FD2] =	sst s25  }
0xa6: {  	s5 =	sshll.u32 s26, $0x1;
	_ =	strace $0x80000046;
	[dreg:$0x1] =	wrdreg $0xFFFFFFFF  }
0xa7: {  	s28 =	simm.s32 $_size_execute0_lowered;
	s3 =	sadd.s32 s3, s5;
	[dreg:$0x0] =	wrdreg $0x0  }
0xa8: {  	s5 =	sshll.u32 s28, $0x1;
	[dreg:$0x2] =	wrdreg s3  }
0xa9: {  	[dreg:$0x3] =	wrdreg s5  }
0xaa: {  	[dreg:$0x4] =	wrdreg $0xC0  }
0xab: {  	_ =	task [dreg:s7], $0x5FFFF  }
0xac: {  	[dreg:$0x1] =	wrdreg $0xFFFFFFFF  }
0xad: {  	[dreg:$0x0] =	wrdreg $0x60  }
0xae: {  	[dreg:$0x2] =	wrdreg s24  }
0xaf: {  	[dreg:$0x3] =	wrdreg s2  }
0xb0: {  	[dreg:$0x4] =	wrdreg $0x9  }
0xb1: {  	_ =	task.clear_ibuf [dreg:s7], $0x5FFFF;
	_ =	strace $0x90000046  }
0xb2: {  	s29 =	simm.s32 $0x9;
	_ =	strace $0x80000048  }
0xb3: {  	_ =	swait.ge [sflag:s29], $0x1  }
0xb4: {  	[sflag:s29] =	ssyncadd.s32 $0xFFFFFFFF  }
0xb5: {  	_ =	strace $0x90000048  }
0xb6: {  	_ =	sfence  }
0xb7: {  	s30 =	sld [smem:$0x0];
	_ =	sdelay $0x2  }
0xb8: {  	s31 =	sshll.u32 s1, $0xD;
	s1 =	sshrl.u32 s1, $0x2  }
0xb9: {  	s3 =	sand.u32 $0x4000, s31;
	s1 =	sadd.s32 s1, s30  }
0xba: {  	s0 =	sor.u32 s3, s0;
	s1 =	sshll.u32 s1, $0x11  }
0xbb: {  	s0 =	sor.u32 s1, s0  }
0xbc: {  	s0 =	sadd.s32 $0x8F2B, s0  }
0xbd: {  	[sflag:s0] =	ssyncadd.remote.s32 $0x1  }
0xbe: {  	_ =	sfence.sel $0xFFFF  }
0xbf: {  	[dreg:$0x0] =	wrdreg $0xFFFFFFFF;
	(pc) =	sbr.abs _section_cstart, $3  }
0xc0: {  	[dreg:$0x1] =	wrdreg $0xFFFFFFFF  }
0xc1: {  	_ =	task.clear_ibuf [dreg:s7], $0x2FFFF;
	_ =	strace $0x9FFFFFFF  }
0xc2: {  	(tm) =	ssettm $0x7FFFFFFF  }
0xc3: {  	_ =	shalt  }
tec
execute0_lowered:
.L_overlay_start_1:
0x0: {  	(tag) =	ssettag $0x1  }
0x1: {  	s0 =	srdreg.scid  }
0x2: {  	s2 =	stileid.u32;
	s1 =	rddreg [dreg:$0x0]  }
0x3: {  	s9 =	simm.s32 $0x7;
	s11 =	simm.s32 $0x64;
	s24 =	simm.s32 $0x13000  }
0x4: {  	s28 =	simm.s32 $0x1;
	s29 =	simm.s32 $0x16200;
	s30 =	simm.s32 $0x2  }
0x5: {  	s31 =	simm.s32 $0x19400;
	s10 =	simm.s32 $0x4;
	s12 =	simm.s32 $0x6  }
0x6: {  	s13 =	simm.s32 $0x0;
	s0 =	sand.u32 $0x1, s0;
	s3 =	sshll.u32 s2, $0x1  }
0x7: {  	s2 =	rddreg [dreg:$0x1];
	s5 =	sor.u32 s0, s3;
	s3 =	simm.s32 $0x0  }
0x8: {  	s0 =	ssub.s32 $0x2, s0;
	s4 =	smul.u32 $0xD00, s5;
	[smem:$0x7FF] =	sst s3  }
.Ltmp0:
0x9: {  	s7 =	sshrl.u32 s0, $0x1;
	_ =	strace $0x80000047;
	(pc) =	sbr.rel .LBB2_1-.Ltmp0, $4  }
0xa: {  	s0 =	ssub.s32 s0, s7;
	s7 =	sshll.u32 s5, $0x7;
	s6 =	sadd.s32 s4, s1  }
0xb: {  	s4 =	sadd.s32 $0x1AC00, s1;
	s1 =	sadd.s32 $0x400, s1;
	s8 =	smax.u32 s0, $0x1  }
0xc: {  	s0 =	simm.s32 $0x5;
	[dreg:$0x3] =	wrdreg s1;
	s26 =	sadd.s32 $0xC00, s6  }
0xd: {  	s1 =	simm.s32 $0x3;
	[dreg:$0x4] =	wrdreg s26;
	s26 =	simm.s32 $0x14900  }
.LBB2_20:
0xe: {  	s13 =	sadd.s32 $0x1, s13  }
0xf: {  	_ =	swait.ge [sflag:s0], $0x3200;
	p0 =	sne.s32 s13, s8  }
.Ltmp1:
0x10: {  	[sflag:s0] =	ssyncset.done $0x0;
	(pc) =	sbr.rel @!p0 .LBB2_21-.Ltmp1, $4  }
0x11: {  	[sflag:s0] =	ssyncadd.s32 $0xFFFFCE00  }
0x12: {  	_ =	swait.ge [sflag:s12], $0x3200  }
0x13: {  	[sflag:s12] =	ssyncset.done $0x0  }
0x14: {  	[sflag:s12] =	ssyncadd.s32 $0xFFFFCE00  }
.LBB2_1:
0x15: {  	s5 =	rddreg [dreg:$0x4]  }
0x16: {  	[tilespmem:s3], [sflag:$0x7] =	stream.linear.gather [hbm4b:s5+s3], $0x6800, $0x38;
	[tilespmem:$0x1C600] =	vst v63  }
0x17: {  	_ =	swait.ge [sflag:s9], $0x6800  }
0x18: {  	[sflag:s9] =	ssyncset.done $0x0  }
0x19: {  	s6 =	simm.s32 $0x6800;
	s23 =	rddreg [dreg:$0x3];
	[sflag:s9] =	ssyncadd.s32 $0xFFFF9800  }
0x1a: {  	[tilespmem:s6], [sflag:$0x7] =	stream.linear.gather [hbm4b:s23+s3], $0x3200, $0x38;
	[tilespmem:$0x1C600] =	vst v63  }
0x1b: {  	_ =	swait.ge [sflag:s9], $0x3200  }
0x1c: {  	[sflag:s9] =	ssyncset.done $0x0  }
0x1d: {  	s25 =	simm.s32 $0x9A00;
	[sflag:s9] =	ssyncadd.s32 $0xFFFFCE00  }
0x1e: {  	[tilespmem:s25], [sflag:$0x1] =	stream.indirect.gather [hbm4b:s4+s11], $0x40, s3, s11, $0xb8;
	[tilespmem:$0x1C600] =	vst v63  }
0x1f: {  	s14 =	simm.s32 $0xB300;
	s6 =	simm.s32 $0x68  }
0x20: {  	[tilespmem:s14], [sflag:$0x1] =	stream.indirect.gather [hbm4b:s4+s11], $0x40, s6, s11, $0xb8;
	[tilespmem:$0x1C600] =	vst v63  }
0x21: {  	s15 =	simm.s32 $0xD0;
	s16 =	simm.s32 $0xCC00  }
0x22: {  	[tilespmem:s16], [sflag:$0x2] =	stream.indirect.gather [hbm4b:s4+s11], $0x40, s15, s11, $0xb8;
	[tilespmem:$0x1C600] =	vst v63  }
0x23: {  	s17 =	simm.s32 $0x138;
	s18 =	simm.s32 $0xE500  }
0x24: {  	[tilespmem:s18], [sflag:$0x2] =	stream.indirect.gather [hbm4b:s4+s11], $0x40, s17, s11, $0xb8;
	[tilespmem:$0x1C600] =	vst v63  }
0x25: {  	s19 =	simm.s32 $0x1A0;
	s20 =	simm.s32 $0xFE00  }
0x26: {  	[tilespmem:s20], [sflag:$0x3] =	stream.indirect.gather [hbm4b:s4+s11], $0x40, s19, s11, $0xb8;
	[tilespmem:$0x1C600] =	vst v63  }
0x27: {  	s21 =	simm.s32 $0x208;
	s22 =	simm.s32 $0x11700  }
0x28: {  	[tilespmem:s22], [sflag:$0x3] =	stream.indirect.gather [hbm4b:s4+s11], $0x40, s21, s11, $0xb8;
	[tilespmem:$0x1C600] =	vst v63  }
0x29: {  	s23 =	simm.s32 $0x270  }
0x2a: {  	[tilespmem:s24], [sflag:$0x4] =	stream.indirect.gather [hbm4b:s4+s11], $0x40, s23, s11, $0xb8;
	[tilespmem:$0x1C600] =	vst v63  }
0x2b: {  	s25 =	simm.s32 $0x2D8;
	s14 =	simm.s32 $0x0  }
0x2c: {  	[tilespmem:s26], [sflag:$0x4] =	stream.indirect.gather [hbm4b:s4+s11], $0x40, s25, s11, $0xb8;
	[tilespmem:$0x1C600] =	vst v63  }
.LBB2_2:
0x2d: {  	_ =	swait.ge [sflag:s28], $0x1900  }
0x2e: {  	[sflag:s28] =	ssyncset.done $0x0  }
0x2f: {  	[sflag:s28] =	ssyncadd.s32 $0xFFFFE700  }
0x30: {  	_ =	swait.ge [sflag:s28], $0x1900  }
0x31: {  	p1 =	seq.s32 s14, $0x0;
	[sflag:s28] =	ssyncset.done $0x0  }
0x32: {  	s5 =	simm.s32 @!p1 $0x5;
	[sflag:s28] =	ssyncadd.s32 $0xFFFFE700  }
0x33: {  	_ =	swait.ge @!p1 [sflag:s5], $0x3200  }
0x34: {  	[sflag:s5] =	ssyncset.done @!p1 $0x0  }
0x35: {  	s19 =	simm.s32 $0x9A80;
	[sflag:s5] =	ssyncadd.s32 @!p1 $0xFFFFCE00  }
0x36: {  	s21 =	simm.s32 $0x6880;
	v0 =	vld [tilespmem:s19+$0x40]  }
0x37: {  	v1 =	vld [tilespmem:s21+$0x40]  }
0x38: {  	v2 =	vld [tilespmem:s21+$0xFFFFFF80]  }
0x39: {  	v3 =	vld [tilespmem:s19+$0xFFFFFFC0]  }
0x3a: {  	v4 =	vld [tilespmem:s21+$0xFFFFFFC0]  }
0x3b: {  	v5 =	vld [tilespmem:s19+$0x0]  }
0x3c: {  	v6 =	vld [tilespmem:s21+$0x0];
	v0 =	vadd.f32 v1, v0  }
0x3d: {  	s20 =	simm.s32 $0x16280;
	v1 =	vld [tilespmem:s19+$0xFFFFFF80]  }
0x3e: {  	[tilespmem:s20+$0x40] =	vst v0  }
0x3f: {  	v0 =	vadd.f32 v4, v3;
	v3 =	vld [tilespmem:s19+$0x50]  }
0x40: {  	v4 =	vld [tilespmem:s21+$0x50]  }
0x41: {  	[tilespmem:s20+$0xFFFFFFC0] =	vst v0;
	v0 =	vadd.f32 v6, v5  }
0x42: {  	v1 =	vadd.f32 v2, v1;
	v2 =	vld [tilespmem:s19+$0xFFFFFFD0]  }
0x43: {  	v5 =	vld [tilespmem:s21+$0xFFFFFFD0];
	[tilespmem:s20+$0x0] =	vst v0  }
0x44: {  	[tilespmem:s20+$0xFFFFFF80] =	vst v1;
	v0 =	vld [tilespmem:s19+$0x10]  }
0x45: {  	v1 =	vld [tilespmem:s19+$0xFFFFFF90];
	v3 =	vadd.f32 v4, v3  }
0x46: {  	v4 =	vld [tilespmem:s21+$0xFFFFFF90]  }
0x47: {  	v6 =	vld [tilespmem:s21+$0x10];
	[tilespmem:s20+$0x50] =	vst v3  }
0x48: {  	v2 =	vadd.f32 v5, v2;
	v3 =	vld [tilespmem:s19+$0x60]  }
0x49: {  	v5 =	vld [tilespmem:s21+$0x60]  }
0x4a: {  	[tilespmem:s20+$0xFFFFFFD0] =	vst v2  }
0x4b: {  	v1 =	vadd.f32 v4, v1;
	v2 =	vld [tilespmem:s19+$0xFFFFFFE0]  }
0x4c: {  	v4 =	vld [tilespmem:s21+$0xFFFFFFE0]  }
0x4d: {  	v0 =	vadd.f32 v6, v0;
	[tilespmem:s20+$0xFFFFFF90] =	vst v1  }
0x4e: {  	v6 =	vld [tilespmem:s19+$0xFFFFFFA0];
	v1 =	vadd.f32 v5, v3  }
0x4f: {  	[tilespmem:s20+$0x10] =	vst v0;
	v7 =	vld [tilespmem:s21+$0xFFFFFFA0]  }
0x50: {  	v0 =	vld [tilespmem:s19+$0x20];
	[tilespmem:s20+$0x60] =	vst v1  }
0x51: {  	v2 =	vadd.f32 v4, v2;
	v1 =	vld [tilespmem:s19+$0x70]  }
0x52: {  	v3 =	vld [tilespmem:s21+$0x70]  }
0x53: {  	v5 =	vld [tilespmem:s21+$0x20];
	[tilespmem:s20+$0xFFFFFFE0] =	vst v2  }
0x54: {  	s15 =	sshll.u32 s14, $0x2;
	s25 =	simm.s32 $0x0;
	v2 =	vld [tilespmem:s19+$0xFFFFFFF0];
	v6 =	vadd.f32 v7, v6  }
0x55: {  	s23 =	simm.s32 $0x6880;
	s22 =	simm.s32 $0x16280;
	s5 =	simm.s32 $0x9B80;
	v4 =	vld [tilespmem:s21+$0xFFFFFFF0]  }
.LBB2_3:
0x56: {  	v7 =	vld [tilespmem:s5+$0x40];
	[tilespmem:s20+$0xFFFFFFA0] =	vst v6;
	s21 =	sadd.s32 $0x100, s21  }
0x57: {  	v6 =	vld [tilespmem:s21+$0x40];
	v1 =	vadd.f32 v3, v1  }
0x58: {  	v3 =	vld [tilespmem:s21+$0xFFFFFF80];
	v0 =	vadd.f32 v5, v0  }
0x59: {  	s17 =	simm.s32 $0xB380;
	s18 =	simm.s32 $0x81F0;
	s16 =	simm.s32 $0x17BF0;
	v5 =	vld [tilespmem:s5+$0xFFFFFFC0];
	[tilespmem:s20+$0x70] =	vst v1  }
0x5a: {  	s25 =	sadd.s32 $0x4, s25;
	v1 =	vld [tilespmem:s21+$0xFFFFFFC0];
	v2 =	vadd.f32 v4, v2;
	[tilespmem:s20+$0x20] =	vst v0  }
0x5b: {  	p0 =	slt.u32 s25, $0x60;
	v0 =	vld [tilespmem:s5+$0x0]  }
0x5c: {  	v4 =	vld [tilespmem:s21+$0x0];
	v6 =	vadd.f32 v6, v7;
	[tilespmem:s20+$0xFFFFFFF0] =	vst v2  }
0x5d: {  	s20 =	sadd.s32 $0x100, s20;
	v2 =	vld [tilespmem:s5+$0xFFFFFF80]  }
0x5e: {  	[tilespmem:s20+$0x40] =	vst v6;
	v6 =	vld [tilespmem:s19+$0xFFFFFFB0]  }
0x5f: {  	v1 =	vadd.f32 v1, v5;
	v5 =	vld [tilespmem:s5+$0x50]  }
0x60: {  	v7 =	vld [tilespmem:s21+$0x50]  }
0x61: {  	[tilespmem:s20+$0xFFFFFFC0] =	vst v1;
	v0 =	vadd.f32 v4, v0;
	v1 =	vld [tilespmem:s23+$0xFFFFFFB0]  }
0x62: {  	v2 =	vadd.f32 v3, v2;
	v3 =	vld [tilespmem:s5+$0xFFFFFFD0]  }
0x63: {  	v4 =	vld [tilespmem:s21+$0xFFFFFFD0];
	[tilespmem:s20+$0x0] =	vst v0  }
0x64: {  	[tilespmem:s20+$0xFFFFFF80] =	vst v2;
	v0 =	vld [tilespmem:s5+$0x10]  }
0x65: {  	v2 =	vld [tilespmem:s5+$0xFFFFFF90];
	v5 =	vadd.f32 v7, v5  }
0x66: {  	v7 =	vld [tilespmem:s21+$0xFFFFFF90];
	v1 =	vadd.f32 v1, v6  }
0x67: {  	v6 =	vld [tilespmem:s21+$0x10];
	[tilespmem:s20+$0x50] =	vst v5  }
0x68: {  	v3 =	vadd.f32 v4, v3;
	v4 =	vld [tilespmem:s5+$0x60];
	[tilespmem:s22+$0xFFFFFFB0] =	vst v1  }
0x69: {  	v1 =	vld [tilespmem:s21+$0x60]  }
0x6a: {  	[tilespmem:s20+$0xFFFFFFD0] =	vst v3;
	v5 =	vld [tilespmem:s19+$0x30];
	s19 =	smov.u32 s5  }
0x6b: {  	v2 =	vadd.f32 v7, v2;
	v3 =	vld [tilespmem:s5+$0xFFFFFFE0]  }
0x6c: {  	v7 =	vld [tilespmem:s21+$0xFFFFFFE0];
	v0 =	vadd.f32 v6, v0  }
0x6d: {  	[tilespmem:s20+$0xFFFFFF90] =	vst v2;
	v2 =	vld [tilespmem:s23+$0x30];
	s23 =	smov.u32 s21  }
0x6e: {  	v6 =	vld [tilespmem:s5+$0xFFFFFFA0];
	[tilespmem:s20+$0x10] =	vst v0;
	v1 =	vadd.f32 v1, v4  }
0x6f: {  	v4 =	vld [tilespmem:s21+$0xFFFFFFA0]  }
0x70: {  	v0 =	vld [tilespmem:s5+$0x20];
	[tilespmem:s20+$0x60] =	vst v1  }
.Ltmp2:
0x71: {  	v7 =	vadd.f32 v7, v3;
	v1 =	vld [tilespmem:s5+$0x70];
	(pc) =	sbr.rel @p0 .LBB2_3-.Ltmp2, $4  }
0x72: {  	v3 =	vld [tilespmem:s21+$0x70];
	v8 =	vadd.f32 v2, v5  }
0x73: {  	[tilespmem:s20+$0xFFFFFFE0] =	vst v7;
	v5 =	vld [tilespmem:s21+$0x20]  }
0x74: {  	v6 =	vadd.f32 v4, v6;
	v2 =	vld [tilespmem:s5+$0xFFFFFFF0];
	[tilespmem:s22+$0x30] =	vst v8;
	s22 =	smov.u32 s20  }
0x75: {  	s5 =	sadd.s32 $0x100, s5;
	v4 =	vld [tilespmem:s21+$0xFFFFFFF0]  }
0x76: {  	_ =	sdelay $0x1  }
0x77: {  	[tilespmem:s20+$0xFFFFFFA0] =	vst v6;
	v0 =	vadd.f32 v5, v0  }
0x78: {  	v5 =	vld [tilespmem:s19+$0xFFFFFFB0]  }
0x79: {  	[tilespmem:s20+$0x20] =	vst v0;
	v0 =	vld [tilespmem:s23+$0xFFFFFFB0]  }
0x7a: {  	v6 =	vld [tilespmem:s19+$0x30]  }
0x7b: {  	v7 =	vld [tilespmem:s23+$0x30];
	_ =	sdelay $0x1  }
0x7c: {  	v1 =	vadd.f32 v3, v1  }
0x7d: {  	v2 =	vadd.f32 v4, v2  }
0x7e: {  	[tilespmem:s20+$0x70] =	vst v1;
	v0 =	vadd.f32 v0, v5  }
0x7f: {  	[tilespmem:s20+$0xFFFFFFF0] =	vst v2;
	v1 =	vadd.f32 v7, v6  }
0x80: {  	[tilespmem:s22+$0xFFFFFFB0] =	vst v0  }
0x81: {  	[tilespmem:s22+$0x30] =	vst v1  }
0x82: {  	v0 =	vld [tilespmem:s17+$0x40]  }
0x83: {  	v1 =	vld [tilespmem:s18+$0xFFFFFFD0]  }
0x84: {  	v2 =	vld [tilespmem:s18+$0xFFFFFF10]  }
0x85: {  	v3 =	vld [tilespmem:s17+$0xFFFFFFC0]  }
0x86: {  	v4 =	vld [tilespmem:s18+$0xFFFFFF50]  }
0x87: {  	v5 =	vld [tilespmem:s17+$0x0]  }
0x88: {  	v6 =	vld [tilespmem:s18+$0xFFFFFF90];
	v0 =	vadd.f32 v1, v0  }
0x89: {  	v1 =	vld [tilespmem:s17+$0xFFFFFF80]  }
0x8a: {  	[tilespmem:s16+$0xFFFFFFD0] =	vst v0  }
0x8b: {  	v0 =	vadd.f32 v4, v3;
	v3 =	vld [tilespmem:s17+$0x50]  }
0x8c: {  	v4 =	vld [tilespmem:s18+$0xFFFFFFE0]  }
0x8d: {  	[tilespmem:s16+$0xFFFFFF50] =	vst v0;
	v0 =	vadd.f32 v6, v5  }
0x8e: {  	v1 =	vadd.f32 v2, v1;
	v2 =	vld [tilespmem:s17+$0xFFFFFFD0]  }
0x8f: {  	v5 =	vld [tilespmem:s18+$0xFFFFFF60];
	[tilespmem:s16+$0xFFFFFF90] =	vst v0  }
0x90: {  	[tilespmem:s16+$0xFFFFFF10] =	vst v1;
	v0 =	vld [tilespmem:s17+$0x10]  }
0x91: {  	v1 =	vld [tilespmem:s17+$0xFFFFFF90];
	v3 =	vadd.f32 v4, v3  }
0x92: {  	v4 =	vld [tilespmem:s18+$0xFFFFFF20]  }
0x93: {  	v6 =	vld [tilespmem:s18+$0xFFFFFFA0];
	[tilespmem:s16+$0xFFFFFFE0] =	vst v3  }
0x94: {  	v2 =	vadd.f32 v5, v2;
	v3 =	vld [tilespmem:s17+$0x60]  }
0x95: {  	v5 =	vld [tilespmem:s18+$0xFFFFFFF0]  }
0x96: {  	[tilespmem:s16+$0xFFFFFF60] =	vst v2  }
0x97: {  	v1 =	vadd.f32 v4, v1;
	v2 =	vld [tilespmem:s17+$0xFFFFFFE0]  }
0x98: {  	v4 =	vld [tilespmem:s18+$0xFFFFFF70]  }
0x99: {  	v0 =	vadd.f32 v6, v0;
	[tilespmem:s16+$0xFFFFFF20] =	vst v1  }
0x9a: {  	v6 =	vld [tilespmem:s17+$0xFFFFFFA0];
	v1 =	vadd.f32 v5, v3  }
0x9b: {  	[tilespmem:s16+$0xFFFFFFA0] =	vst v0;
	v7 =	vld [tilespmem:s18+$0xFFFFFF30]  }
0x9c: {  	v0 =	vld [tilespmem:s17+$0x20];
	[tilespmem:s16+$0xFFFFFFF0] =	vst v1  }
0x9d: {  	v3 =	vadd.f32 v4, v2;
	v1 =	vld [tilespmem:s17+$0x70]  }
0x9e: {  	v2 =	vld [tilespmem:s18+$0x0]  }
0x9f: {  	v5 =	vld [tilespmem:s18+$0xFFFFFFB0];
	[tilespmem:s16+$0xFFFFFF70] =	vst v3  }
0xa0: {  	s6 =	simm.s32 $0xB480;
	v3 =	vld [tilespmem:s17+$0xFFFFFFF0];
	v6 =	vadd.f32 v7, v6  }
0xa1: {  	s5 =	simm.s32 $0x81F0;
	s19 =	simm.s32 $0x17BF0;
	s20 =	simm.s32 $0x0;
	v4 =	vld [tilespmem:s18+$0xFFFFFF80]  }
.LBB2_5:
0xa2: {  	v7 =	vld [tilespmem:s6+$0x40];
	[tilespmem:s16+$0xFFFFFF30] =	vst v6;
	s18 =	sadd.s32 $0x100, s18  }
0xa3: {  	v6 =	vld [tilespmem:s18+$0xFFFFFFD0];
	v1 =	vadd.f32 v2, v1  }
0xa4: {  	v2 =	vld [tilespmem:s18+$0xFFFFFF10];
	v0 =	vadd.f32 v5, v0  }
0xa5: {  	v5 =	vld [tilespmem:s6+$0xFFFFFFC0];
	[tilespmem:s16+$0x0] =	vst v1  }
0xa6: {  	s20 =	sadd.s32 $0x4, s20;
	v1 =	vld [tilespmem:s18+$0xFFFFFF50];
	v3 =	vadd.f32 v4, v3;
	[tilespmem:s16+$0xFFFFFFB0] =	vst v0  }
0xa7: {  	p0 =	slt.u32 s20, $0x60;
	v0 =	vld [tilespmem:s6+$0x0]  }
0xa8: {  	v4 =	vld [tilespmem:s18+$0xFFFFFF90];
	v6 =	vadd.f32 v6, v7;
	[tilespmem:s16+$0xFFFFFF80] =	vst v3  }
0xa9: {  	s16 =	sadd.s32 $0x100, s16;
	v3 =	vld [tilespmem:s6+$0xFFFFFF80]  }
0xaa: {  	[tilespmem:s16+$0xFFFFFFD0] =	vst v6;
	v6 =	vld [tilespmem:s17+$0xFFFFFFB0]  }
0xab: {  	v1 =	vadd.f32 v1, v5;
	v5 =	vld [tilespmem:s6+$0x50]  }
0xac: {  	v7 =	vld [tilespmem:s18+$0xFFFFFFE0]  }
0xad: {  	[tilespmem:s16+$0xFFFFFF50] =	vst v1;
	v0 =	vadd.f32 v4, v0;
	v1 =	vld [tilespmem:s5+$0xFFFFFF40]  }
0xae: {  	v2 =	vadd.f32 v2, v3;
	v3 =	vld [tilespmem:s6+$0xFFFFFFD0]  }
0xaf: {  	v4 =	vld [tilespmem:s18+$0xFFFFFF60];
	[tilespmem:s16+$0xFFFFFF90] =	vst v0  }
0xb0: {  	[tilespmem:s16+$0xFFFFFF10] =	vst v2;
	v0 =	vld [tilespmem:s6+$0x10]  }
0xb1: {  	v2 =	vld [tilespmem:s6+$0xFFFFFF90];
	v5 =	vadd.f32 v7, v5  }
0xb2: {  	v7 =	vld [tilespmem:s18+$0xFFFFFF20];
	v1 =	vadd.f32 v1, v6  }
0xb3: {  	v6 =	vld [tilespmem:s18+$0xFFFFFFA0];
	[tilespmem:s16+$0xFFFFFFE0] =	vst v5  }
0xb4: {  	v3 =	vadd.f32 v4, v3;
	v4 =	vld [tilespmem:s6+$0x60];
	[tilespmem:s19+$0xFFFFFF40] =	vst v1  }
0xb5: {  	v1 =	vld [tilespmem:s18+$0xFFFFFFF0]  }
0xb6: {  	[tilespmem:s16+$0xFFFFFF60] =	vst v3;
	v3 =	vld [tilespmem:s17+$0x30];
	s17 =	smov.u32 s6  }
0xb7: {  	v2 =	vadd.f32 v7, v2;
	v5 =	vld [tilespmem:s6+$0xFFFFFFE0]  }
0xb8: {  	v7 =	vld [tilespmem:s18+$0xFFFFFF70];
	v0 =	vadd.f32 v6, v0  }
0xb9: {  	[tilespmem:s16+$0xFFFFFF20] =	vst v2;
	v6 =	vld [tilespmem:s5+$0xFFFFFFC0];
	s5 =	smov.u32 s18  }
0xba: {  	v8 =	vld [tilespmem:s6+$0xFFFFFFA0];
	[tilespmem:s16+$0xFFFFFFA0] =	vst v0;
	v1 =	vadd.f32 v1, v4  }
0xbb: {  	v4 =	vld [tilespmem:s18+$0xFFFFFF30]  }
0xbc: {  	v0 =	vld [tilespmem:s6+$0x20];
	[tilespmem:s16+$0xFFFFFFF0] =	vst v1  }
.Ltmp3:
0xbd: {  	v5 =	vadd.f32 v7, v5;
	v1 =	vld [tilespmem:s6+$0x70];
	(pc) =	sbr.rel @p0 .LBB2_5-.Ltmp3, $4  }
0xbe: {  	v2 =	vld [tilespmem:s18+$0x0];
	v7 =	vadd.f32 v6, v3  }
0xbf: {  	[tilespmem:s16+$0xFFFFFF70] =	vst v5;
	v5 =	vld [tilespmem:s18+$0xFFFFFFB0]  }
0xc0: {  	v6 =	vadd.f32 v4, v8;
	v3 =	vld [tilespmem:s6+$0xFFFFFFF0];
	[tilespmem:s19+$0xFFFFFFC0] =	vst v7;
	s19 =	smov.u32 s16  }
0xc1: {  	s6 =	sadd.s32 $0x100, s6;
	v4 =	vld [tilespmem:s18+$0xFFFFFF80]  }
0xc2: {  	_ =	sdelay $0x1  }
0xc3: {  	[tilespmem:s16+$0xFFFFFF30] =	vst v6;
	v0 =	vadd.f32 v5, v0  }
0xc4: {  	v5 =	vld [tilespmem:s17+$0xFFFFFFB0]  }
0xc5: {  	[tilespmem:s16+$0xFFFFFFB0] =	vst v0;
	v0 =	vld [tilespmem:s5+$0xFFFFFF40]  }
0xc6: {  	v6 =	vld [tilespmem:s17+$0x30]  }
0xc7: {  	v7 =	vld [tilespmem:s5+$0xFFFFFFC0];
	_ =	sdelay $0x1  }
0xc8: {  	v1 =	vadd.f32 v2, v1  }
0xc9: {  	p0 =	seq.s32 s14, $0x1F;
	v2 =	vadd.f32 v4, v3  }
0xca: {  	s25 =	sadd.s32 s7, s15;
	s6 =	smul.u32 @!p0 $0xD00, s14;
	[tilespmem:s16+$0x0] =	vst v1;
	v0 =	vadd.f32 v0, v5  }
0xcb: {  	s5 =	smul.u32 $0x640, s25;
	[tilespmem:s16+$0xFFFFFF80] =	vst v2;
	v1 =	vadd.f32 v7, v6  }
0xcc: {  	[tilespmem:s19+$0xFFFFFF40] =	vst v0  }
0xcd: {  	s16 =	sshra.s32 @!p0 s6, $0x2;
	s5 =	sadd.s32 s2, s5;
	[tilespmem:s19+$0xFFFFFFC0] =	vst v1  }
0xce: {  	[hbm4b:s5+s3] =	stream.linear.scatter [tilespmem:s29], [sflag:$0x5], $0x3200, $0x38;
	[tilespmem:$0x1C600] =	vst v63  }
0xcf: {  	s17 =	simm.s32 @!p0 $0x9A00;
	s6 =	simm.s32 @!p0 $0x64;
	s5 =	sadd.s32 @!p0 $0x340, s16  }
0xd0: {  	[tilespmem:s17], [sflag:$0x1] =	stream.indirect.gather @!p0 [hbm4b:s4+s6], $0x40, s5, s6, $0xb8;
	[tilespmem:$0x1C600] =	vst v63  }
0xd1: {  	s5 =	sadd.s32 @!p0 $0x3A8, s16;
	s17 =	simm.s32 @!p0 $0xB300  }
0xd2: {  	[tilespmem:s17], [sflag:$0x1] =	stream.indirect.gather @!p0 [hbm4b:s4+s6], $0x40, s5, s6, $0xb8;
	[tilespmem:$0x1C600] =	vst v63  }
0xd3: {  	_ =	swait.ge [sflag:s30], $0x1900  }
0xd4: {  	[sflag:s30] =	ssyncset.done $0x0  }
0xd5: {  	[sflag:s30] =	ssyncadd.s32 $0xFFFFE700  }
0xd6: {  	_ =	swait.ge [sflag:s30], $0x1900  }
0xd7: {  	[sflag:s30] =	ssyncset.done $0x0  }
0xd8: {  	s5 =	simm.s32 @!p1 $0x6;
	[sflag:s30] =	ssyncadd.s32 $0xFFFFE700  }
0xd9: {  	_ =	swait.ge @!p1 [sflag:s5], $0x3200  }
0xda: {  	[sflag:s5] =	ssyncset.done @!p1 $0x0  }
0xdb: {  	s20 =	simm.s32 $0xCC80;
	[sflag:s5] =	ssyncadd.s32 @!p1 $0xFFFFCE00  }
0xdc: {  	s22 =	simm.s32 $0x6880;
	v0 =	vld [tilespmem:s20+$0x40]  }
0xdd: {  	v1 =	vld [tilespmem:s22+$0x40]  }
0xde: {  	v2 =	vld [tilespmem:s22+$0xFFFFFF80]  }
0xdf: {  	v3 =	vld [tilespmem:s20+$0xFFFFFFC0]  }
0xe0: {  	v4 =	vld [tilespmem:s22+$0xFFFFFFC0]  }
0xe1: {  	v5 =	vld [tilespmem:s20+$0x0]  }
0xe2: {  	v6 =	vld [tilespmem:s22+$0x0];
	v0 =	vadd.f32 v1, v0  }
0xe3: {  	s21 =	simm.s32 $0x19480;
	v1 =	vld [tilespmem:s20+$0xFFFFFF80]  }
0xe4: {  	[tilespmem:s21+$0x40] =	vst v0  }
0xe5: {  	v0 =	vadd.f32 v4, v3;
	v3 =	vld [tilespmem:s20+$0x50]  }
0xe6: {  	v4 =	vld [tilespmem:s22+$0x50]  }
0xe7: {  	[tilespmem:s21+$0xFFFFFFC0] =	vst v0;
	v0 =	vadd.f32 v6, v5  }
0xe8: {  	v1 =	vadd.f32 v2, v1;
	v2 =	vld [tilespmem:s20+$0xFFFFFFD0]  }
0xe9: {  	v5 =	vld [tilespmem:s22+$0xFFFFFFD0];
	[tilespmem:s21+$0x0] =	vst v0  }
0xea: {  	[tilespmem:s21+$0xFFFFFF80] =	vst v1;
	v0 =	vld [tilespmem:s20+$0x10]  }
0xeb: {  	v1 =	vld [tilespmem:s20+$0xFFFFFF90];
	v3 =	vadd.f32 v4, v3  }
0xec: {  	v4 =	vld [tilespmem:s22+$0xFFFFFF90]  }
0xed: {  	v6 =	vld [tilespmem:s22+$0x10];
	[tilespmem:s21+$0x50] =	vst v3  }
0xee: {  	v2 =	vadd.f32 v5, v2;
	v3 =	vld [tilespmem:s20+$0x60]  }
0xef: {  	v5 =	vld [tilespmem:s22+$0x60]  }
0xf0: {  	[tilespmem:s21+$0xFFFFFFD0] =	vst v2  }
0xf1: {  	v1 =	vadd.f32 v4, v1;
	v2 =	vld [tilespmem:s20+$0xFFFFFFE0]  }
0xf2: {  	v4 =	vld [tilespmem:s22+$0xFFFFFFE0]  }
0xf3: {  	v0 =	vadd.f32 v6, v0;
	[tilespmem:s21+$0xFFFFFF90] =	vst v1  }
0xf4: {  	v6 =	vld [tilespmem:s20+$0xFFFFFFA0];
	v1 =	vadd.f32 v5, v3  }
0xf5: {  	[tilespmem:s21+$0x10] =	vst v0;
	v7 =	vld [tilespmem:s22+$0xFFFFFFA0]  }
0xf6: {  	v0 =	vld [tilespmem:s20+$0x20];
	[tilespmem:s21+$0x60] =	vst v1  }
0xf7: {  	v2 =	vadd.f32 v4, v2;
	v1 =	vld [tilespmem:s20+$0x70]  }
0xf8: {  	v3 =	vld [tilespmem:s22+$0x70]  }
0xf9: {  	v5 =	vld [tilespmem:s22+$0x20];
	[tilespmem:s21+$0xFFFFFFE0] =	vst v2  }
0xfa: {  	s23 =	simm.s32 $0x19480;
	s25 =	simm.s32 $0x6880;
	v2 =	vld [tilespmem:s20+$0xFFFFFFF0];
	v6 =	vadd.f32 v7, v6  }
0xfb: {  	s17 =	sor.u32 $0x1, s15;
	s6 =	simm.s32 $0xCD80;
	s5 =	simm.s32 $0x0;
	v4 =	vld [tilespmem:s22+$0xFFFFFFF0]  }
.LBB2_7:
0xfc: {  	v7 =	vld [tilespmem:s6+$0x40];
	[tilespmem:s21+$0xFFFFFFA0] =	vst v6;
	s22 =	sadd.s32 $0x100, s22  }
0xfd: {  	v6 =	vld [tilespmem:s22+$0x40];
	v1 =	vadd.f32 v3, v1  }
0xfe: {  	v3 =	vld [tilespmem:s22+$0xFFFFFF80];
	v0 =	vadd.f32 v5, v0  }
0xff: {  	s19 =	simm.s32 $0xE580;
	s18 =	simm.s32 $0x1ADF0;
	v5 =	vld [tilespmem:s6+$0xFFFFFFC0];
	[tilespmem:s21+$0x70] =	vst v1  }
0x100: {  	s5 =	sadd.s32 $0x4, s5;
	v1 =	vld [tilespmem:s22+$0xFFFFFFC0];
	v2 =	vadd.f32 v4, v2;
	[tilespmem:s21+$0x20] =	vst v0  }
0x101: {  	p1 =	slt.u32 s5, $0x60;
	v0 =	vld [tilespmem:s6+$0x0]  }
0x102: {  	v4 =	vld [tilespmem:s22+$0x0];
	v6 =	vadd.f32 v6, v7;
	[tilespmem:s21+$0xFFFFFFF0] =	vst v2  }
0x103: {  	s21 =	sadd.s32 $0x100, s21;
	v2 =	vld [tilespmem:s6+$0xFFFFFF80]  }
0x104: {  	[tilespmem:s21+$0x40] =	vst v6;
	v6 =	vld [tilespmem:s20+$0xFFFFFFB0]  }
0x105: {  	v1 =	vadd.f32 v1, v5;
	v5 =	vld [tilespmem:s6+$0x50]  }
0x106: {  	v7 =	vld [tilespmem:s22+$0x50]  }
0x107: {  	[tilespmem:s21+$0xFFFFFFC0] =	vst v1;
	v0 =	vadd.f32 v4, v0;
	v1 =	vld [tilespmem:s25+$0xFFFFFFB0]  }
0x108: {  	v2 =	vadd.f32 v3, v2;
	v3 =	vld [tilespmem:s6+$0xFFFFFFD0]  }
0x109: {  	v4 =	vld [tilespmem:s22+$0xFFFFFFD0];
	[tilespmem:s21+$0x0] =	vst v0  }
0x10a: {  	[tilespmem:s21+$0xFFFFFF80] =	vst v2;
	v0 =	vld [tilespmem:s6+$0x10]  }
0x10b: {  	v2 =	vld [tilespmem:s6+$0xFFFFFF90];
	v5 =	vadd.f32 v7, v5  }
0x10c: {  	v7 =	vld [tilespmem:s22+$0xFFFFFF90];
	v1 =	vadd.f32 v1, v6  }
0x10d: {  	v6 =	vld [tilespmem:s22+$0x10];
	[tilespmem:s21+$0x50] =	vst v5  }
0x10e: {  	v3 =	vadd.f32 v4, v3;
	v4 =	vld [tilespmem:s6+$0x60];
	[tilespmem:s23+$0xFFFFFFB0] =	vst v1  }
0x10f: {  	v1 =	vld [tilespmem:s22+$0x60]  }
0x110: {  	[tilespmem:s21+$0xFFFFFFD0] =	vst v3;
	v5 =	vld [tilespmem:s20+$0x30];
	s20 =	smov.u32 s6  }
0x111: {  	v2 =	vadd.f32 v7, v2;
	v3 =	vld [tilespmem:s6+$0xFFFFFFE0]  }
0x112: {  	v7 =	vld [tilespmem:s22+$0xFFFFFFE0];
	v0 =	vadd.f32 v6, v0  }
0x113: {  	[tilespmem:s21+$0xFFFFFF90] =	vst v2;
	v2 =	vld [tilespmem:s25+$0x30];
	s25 =	smov.u32 s22  }
0x114: {  	v6 =	vld [tilespmem:s6+$0xFFFFFFA0];
	[tilespmem:s21+$0x10] =	vst v0;
	v1 =	vadd.f32 v1, v4  }
0x115: {  	v4 =	vld [tilespmem:s22+$0xFFFFFFA0]  }
0x116: {  	v0 =	vld [tilespmem:s6+$0x20];
	[tilespmem:s21+$0x60] =	vst v1  }
.Ltmp4:
0x117: {  	v7 =	vadd.f32 v7, v3;
	v1 =	vld [tilespmem:s6+$0x70];
	(pc) =	sbr.rel @p1 .LBB2_7-.Ltmp4, $4  }
0x118: {  	v3 =	vld [tilespmem:s22+$0x70];
	v8 =	vadd.f32 v2, v5  }
0x119: {  	[tilespmem:s21+$0xFFFFFFE0] =	vst v7;
	v5 =	vld [tilespmem:s22+$0x20]  }
0x11a: {  	v6 =	vadd.f32 v4, v6;
	v2 =	vld [tilespmem:s6+$0xFFFFFFF0];
	[tilespmem:s23+$0x30] =	vst v8;
	s23 =	smov.u32 s21  }
0x11b: {  	s6 =	sadd.s32 $0x100, s6;
	v4 =	vld [tilespmem:s22+$0xFFFFFFF0]  }
0x11c: {  	_ =	sdelay $0x1  }
0x11d: {  	[tilespmem:s21+$0xFFFFFFA0] =	vst v6;
	v0 =	vadd.f32 v5, v0  }
0x11e: {  	v5 =	vld [tilespmem:s20+$0xFFFFFFB0]  }
0x11f: {  	[tilespmem:s21+$0x20] =	vst v0;
	v0 =	vld [tilespmem:s25+$0xFFFFFFB0]  }
0x120: {  	v6 =	vld [tilespmem:s20+$0x30]  }
0x121: {  	v7 =	vld [tilespmem:s25+$0x30];
	_ =	sdelay $0x1  }
0x122: {  	v1 =	vadd.f32 v3, v1  }
0x123: {  	v2 =	vadd.f32 v4, v2  }
0x124: {  	[tilespmem:s21+$0x70] =	vst v1;
	v0 =	vadd.f32 v0, v5  }
0x125: {  	[tilespmem:s21+$0xFFFFFFF0] =	vst v2;
	v1 =	vadd.f32 v7, v6  }
0x126: {  	[tilespmem:s23+$0xFFFFFFB0] =	vst v0  }
0x127: {  	[tilespmem:s23+$0x30] =	vst v1  }
0x128: {  	s20 =	simm.s32 $0x81F0;
	v0 =	vld [tilespmem:s19+$0x40]  }
0x129: {  	v1 =	vld [tilespmem:s20+$0xFFFFFFD0]  }
0x12a: {  	v2 =	vld [tilespmem:s20+$0xFFFFFF10]  }
0x12b: {  	v3 =	vld [tilespmem:s19+$0xFFFFFFC0]  }
0x12c: {  	v4 =	vld [tilespmem:s20+$0xFFFFFF50]  }
0x12d: {  	v5 =	vld [tilespmem:s19+$0x0]  }
0x12e: {  	v6 =	vld [tilespmem:s20+$0xFFFFFF90];
	v0 =	vadd.f32 v1, v0  }
0x12f: {  	v1 =	vld [tilespmem:s19+$0xFFFFFF80]  }
0x130: {  	[tilespmem:s18+$0xFFFFFFD0] =	vst v0  }
0x131: {  	v0 =	vadd.f32 v4, v3;
	v3 =	vld [tilespmem:s19+$0x50]  }
0x132: {  	v4 =	vld [tilespmem:s20+$0xFFFFFFE0]  }
0x133: {  	[tilespmem:s18+$0xFFFFFF50] =	vst v0;
	v0 =	vadd.f32 v6, v5  }
0x134: {  	v1 =	vadd.f32 v2, v1;
	v2 =	vld [tilespmem:s19+$0xFFFFFFD0]  }
0x135: {  	v5 =	vld [tilespmem:s20+$0xFFFFFF60];
	[tilespmem:s18+$0xFFFFFF90] =	vst v0  }
0x136: {  	[tilespmem:s18+$0xFFFFFF10] =	vst v1;
	v0 =	vld [tilespmem:s19+$0x10]  }
0x137: {  	v1 =	vld [tilespmem:s19+$0xFFFFFF90];
	v3 =	vadd.f32 v4, v3  }
0x138: {  	v4 =	vld [tilespmem:s20+$0xFFFFFF20]  }
0x139: {  	v6 =	vld [tilespmem:s20+$0xFFFFFFA0];
	[tilespmem:s18+$0xFFFFFFE0] =	vst v3  }
0x13a: {  	v2 =	vadd.f32 v5, v2;
	v3 =	vld [tilespmem:s19+$0x60]  }
0x13b: {  	v5 =	vld [tilespmem:s20+$0xFFFFFFF0]  }
0x13c: {  	[tilespmem:s18+$0xFFFFFF60] =	vst v2  }
0x13d: {  	v1 =	vadd.f32 v4, v1;
	v2 =	vld [tilespmem:s19+$0xFFFFFFE0]  }
0x13e: {  	v4 =	vld [tilespmem:s20+$0xFFFFFF70]  }
0x13f: {  	v0 =	vadd.f32 v6, v0;
	[tilespmem:s18+$0xFFFFFF20] =	vst v1  }
0x140: {  	v6 =	vld [tilespmem:s19+$0xFFFFFFA0];
	v1 =	vadd.f32 v5, v3  }
0x141: {  	[tilespmem:s18+$0xFFFFFFA0] =	vst v0;
	v7 =	vld [tilespmem:s20+$0xFFFFFF30]  }
0x142: {  	v0 =	vld [tilespmem:s19+$0x20];
	[tilespmem:s18+$0xFFFFFFF0] =	vst v1  }
0x143: {  	v3 =	vadd.f32 v4, v2;
	v1 =	vld [tilespmem:s19+$0x70]  }
0x144: {  	v2 =	vld [tilespmem:s20+$0x0]  }
0x145: {  	v5 =	vld [tilespmem:s20+$0xFFFFFFB0];
	[tilespmem:s18+$0xFFFFFF70] =	vst v3  }
0x146: {  	s22 =	simm.s32 $0x0;
	v3 =	vld [tilespmem:s19+$0xFFFFFFF0];
	v6 =	vadd.f32 v7, v6  }
0x147: {  	s6 =	simm.s32 $0xE680;
	s5 =	simm.s32 $0x81F0;
	s21 =	simm.s32 $0x1ADF0;
	v4 =	vld [tilespmem:s20+$0xFFFFFF80]  }
.LBB2_9:
0x148: {  	v7 =	vld [tilespmem:s6+$0x40];
	[tilespmem:s18+$0xFFFFFF30] =	vst v6;
	s20 =	sadd.s32 $0x100, s20  }
0x149: {  	v6 =	vld [tilespmem:s20+$0xFFFFFFD0];
	v1 =	vadd.f32 v2, v1  }
0x14a: {  	v2 =	vld [tilespmem:s20+$0xFFFFFF10];
	v0 =	vadd.f32 v5, v0  }
0x14b: {  	v5 =	vld [tilespmem:s6+$0xFFFFFFC0];
	[tilespmem:s18+$0x0] =	vst v1  }
0x14c: {  	s22 =	sadd.s32 $0x4, s22;
	v1 =	vld [tilespmem:s20+$0xFFFFFF50];
	v3 =	vadd.f32 v4, v3;
	[tilespmem:s18+$0xFFFFFFB0] =	vst v0  }
0x14d: {  	p1 =	slt.u32 s22, $0x60;
	v0 =	vld [tilespmem:s6+$0x0]  }
0x14e: {  	v4 =	vld [tilespmem:s20+$0xFFFFFF90];
	v6 =	vadd.f32 v6, v7;
	[tilespmem:s18+$0xFFFFFF80] =	vst v3  }
0x14f: {  	s18 =	sadd.s32 $0x100, s18;
	v3 =	vld [tilespmem:s6+$0xFFFFFF80]  }
0x150: {  	[tilespmem:s18+$0xFFFFFFD0] =	vst v6;
	v6 =	vld [tilespmem:s19+$0xFFFFFFB0]  }
0x151: {  	v1 =	vadd.f32 v1, v5;
	v5 =	vld [tilespmem:s6+$0x50]  }
0x152: {  	v7 =	vld [tilespmem:s20+$0xFFFFFFE0]  }
0x153: {  	[tilespmem:s18+$0xFFFFFF50] =	vst v1;
	v0 =	vadd.f32 v4, v0;
	v1 =	vld [tilespmem:s5+$0xFFFFFF40]  }
0x154: {  	v2 =	vadd.f32 v2, v3;
	v3 =	vld [tilespmem:s6+$0xFFFFFFD0]  }
0x155: {  	v4 =	vld [tilespmem:s20+$0xFFFFFF60];
	[tilespmem:s18+$0xFFFFFF90] =	vst v0  }
0x156: {  	[tilespmem:s18+$0xFFFFFF10] =	vst v2;
	v0 =	vld [tilespmem:s6+$0x10]  }
0x157: {  	v2 =	vld [tilespmem:s6+$0xFFFFFF90];
	v5 =	vadd.f32 v7, v5  }
0x158: {  	v7 =	vld [tilespmem:s20+$0xFFFFFF20];
	v1 =	vadd.f32 v1, v6  }
0x159: {  	v6 =	vld [tilespmem:s20+$0xFFFFFFA0];
	[tilespmem:s18+$0xFFFFFFE0] =	vst v5  }
0x15a: {  	v3 =	vadd.f32 v4, v3;
	v4 =	vld [tilespmem:s6+$0x60];
	[tilespmem:s21+$0xFFFFFF40] =	vst v1  }
0x15b: {  	v1 =	vld [tilespmem:s20+$0xFFFFFFF0]  }
0x15c: {  	[tilespmem:s18+$0xFFFFFF60] =	vst v3;
	v3 =	vld [tilespmem:s19+$0x30];
	s19 =	smov.u32 s6  }
0x15d: {  	v2 =	vadd.f32 v7, v2;
	v5 =	vld [tilespmem:s6+$0xFFFFFFE0]  }
0x15e: {  	v7 =	vld [tilespmem:s20+$0xFFFFFF70];
	v0 =	vadd.f32 v6, v0  }
0x15f: {  	[tilespmem:s18+$0xFFFFFF20] =	vst v2;
	v6 =	vld [tilespmem:s5+$0xFFFFFFC0];
	s5 =	smov.u32 s20  }
0x160: {  	v8 =	vld [tilespmem:s6+$0xFFFFFFA0];
	[tilespmem:s18+$0xFFFFFFA0] =	vst v0;
	v1 =	vadd.f32 v1, v4  }
0x161: {  	v4 =	vld [tilespmem:s20+$0xFFFFFF30]  }
0x162: {  	v0 =	vld [tilespmem:s6+$0x20];
	[tilespmem:s18+$0xFFFFFFF0] =	vst v1  }
.Ltmp5:
0x163: {  	v5 =	vadd.f32 v7, v5;
	v1 =	vld [tilespmem:s6+$0x70];
	(pc) =	sbr.rel @p1 .LBB2_9-.Ltmp5, $4  }
0x164: {  	v2 =	vld [tilespmem:s20+$0x0];
	v7 =	vadd.f32 v6, v3  }
0x165: {  	[tilespmem:s18+$0xFFFFFF70] =	vst v5;
	v5 =	vld [tilespmem:s20+$0xFFFFFFB0]  }
0x166: {  	v6 =	vadd.f32 v4, v8;
	v3 =	vld [tilespmem:s6+$0xFFFFFFF0];
	[tilespmem:s21+$0xFFFFFFC0] =	vst v7;
	s21 =	smov.u32 s18  }
0x167: {  	s6 =	sadd.s32 $0x100, s6;
	v4 =	vld [tilespmem:s20+$0xFFFFFF80]  }
0x168: {  	_ =	sdelay $0x1  }
0x169: {  	[tilespmem:s18+$0xFFFFFF30] =	vst v6;
	v0 =	vadd.f32 v5, v0  }
0x16a: {  	v5 =	vld [tilespmem:s19+$0xFFFFFFB0]  }
0x16b: {  	[tilespmem:s18+$0xFFFFFFB0] =	vst v0;
	v0 =	vld [tilespmem:s5+$0xFFFFFF40]  }
0x16c: {  	v6 =	vld [tilespmem:s19+$0x30]  }
0x16d: {  	v7 =	vld [tilespmem:s5+$0xFFFFFFC0];
	_ =	sdelay $0x1  }
0x16e: {  	v1 =	vadd.f32 v2, v1  }
0x16f: {  	v2 =	vadd.f32 v4, v3  }
0x170: {  	s25 =	sadd.s32 s7, s17;
	[tilespmem:s18+$0x0] =	vst v1;
	v0 =	vadd.f32 v0, v5  }
0x171: {  	s5 =	smul.u32 $0x640, s25;
	[tilespmem:s18+$0xFFFFFF80] =	vst v2;
	v1 =	vadd.f32 v7, v6  }
0x172: {  	[tilespmem:s21+$0xFFFFFF40] =	vst v0  }
0x173: {  	s5 =	sadd.s32 s2, s5;
	[tilespmem:s21+$0xFFFFFFC0] =	vst v1  }
0x174: {  	[hbm4b:s5+s3] =	stream.linear.scatter [tilespmem:s31], [sflag:$0x6], $0x3200, $0x38;
	[tilespmem:$0x1C600] =	vst v63  }
0x175: {  	s6 =	simm.s32 @!p0 $0x64;
	s17 =	simm.s32 @!p0 $0xCC00;
	s5 =	sadd.s32 @!p0 $0x410, s16  }
0x176: {  	[tilespmem:s17], [sflag:$0x2] =	stream.indirect.gather @!p0 [hbm4b:s4+s6], $0x40, s5, s6, $0xb8;
	[tilespmem:$0x1C600] =	vst v63  }
0x177: {  	s5 =	sadd.s32 @!p0 $0x478, s16;
	s17 =	simm.s32 @!p0 $0xE500  }
0x178: {  	[tilespmem:s17], [sflag:$0x2] =	stream.indirect.gather @!p0 [hbm4b:s4+s6], $0x40, s5, s6, $0xb8;
	[tilespmem:$0x1C600] =	vst v63  }
0x179: {  	_ =	swait.ge [sflag:s1], $0x1900  }
0x17a: {  	[sflag:s1] =	ssyncset.done $0x0  }
0x17b: {  	[sflag:s1] =	ssyncadd.s32 $0xFFFFE700  }
0x17c: {  	_ =	swait.ge [sflag:s1], $0x1900  }
0x17d: {  	[sflag:s1] =	ssyncset.done $0x0  }
0x17e: {  	[sflag:s1] =	ssyncadd.s32 $0xFFFFE700  }
0x17f: {  	_ =	swait.ge [sflag:s0], $0x3200  }
0x180: {  	[sflag:s0] =	ssyncset.done $0x0  }
0x181: {  	s18 =	simm.s32 $0xFE80;
	[sflag:s0] =	ssyncadd.s32 $0xFFFFCE00  }
0x182: {  	s20 =	simm.s32 $0x6880;
	v0 =	vld [tilespmem:s18+$0x40]  }
0x183: {  	v1 =	vld [tilespmem:s20+$0x40]  }
0x184: {  	v2 =	vld [tilespmem:s20+$0xFFFFFF80]  }
0x185: {  	v3 =	vld [tilespmem:s18+$0xFFFFFFC0]  }
0x186: {  	v4 =	vld [tilespmem:s20+$0xFFFFFFC0]  }
0x187: {  	v5 =	vld [tilespmem:s18+$0x0]  }
0x188: {  	v6 =	vld [tilespmem:s20+$0x0];
	v0 =	vadd.f32 v1, v0  }
0x189: {  	s19 =	simm.s32 $0x16280;
	v1 =	vld [tilespmem:s18+$0xFFFFFF80]  }
0x18a: {  	[tilespmem:s19+$0x40] =	vst v0  }
0x18b: {  	v0 =	vadd.f32 v4, v3;
	v3 =	vld [tilespmem:s18+$0x50]  }
0x18c: {  	v4 =	vld [tilespmem:s20+$0x50]  }
0x18d: {  	[tilespmem:s19+$0xFFFFFFC0] =	vst v0;
	v0 =	vadd.f32 v6, v5  }
0x18e: {  	v1 =	vadd.f32 v2, v1;
	v2 =	vld [tilespmem:s18+$0xFFFFFFD0]  }
0x18f: {  	v5 =	vld [tilespmem:s20+$0xFFFFFFD0];
	[tilespmem:s19+$0x0] =	vst v0  }
0x190: {  	[tilespmem:s19+$0xFFFFFF80] =	vst v1;
	v0 =	vld [tilespmem:s18+$0x10]  }
0x191: {  	v1 =	vld [tilespmem:s18+$0xFFFFFF90];
	v3 =	vadd.f32 v4, v3  }
0x192: {  	v4 =	vld [tilespmem:s20+$0xFFFFFF90]  }
0x193: {  	v6 =	vld [tilespmem:s20+$0x10];
	[tilespmem:s19+$0x50] =	vst v3  }
0x194: {  	v2 =	vadd.f32 v5, v2;
	v3 =	vld [tilespmem:s18+$0x60]  }
0x195: {  	v5 =	vld [tilespmem:s20+$0x60]  }
0x196: {  	[tilespmem:s19+$0xFFFFFFD0] =	vst v2  }
0x197: {  	v1 =	vadd.f32 v4, v1;
	v2 =	vld [tilespmem:s18+$0xFFFFFFE0]  }
0x198: {  	v4 =	vld [tilespmem:s20+$0xFFFFFFE0]  }
0x199: {  	v0 =	vadd.f32 v6, v0;
	[tilespmem:s19+$0xFFFFFF90] =	vst v1  }
0x19a: {  	v6 =	vld [tilespmem:s18+$0xFFFFFFA0];
	v1 =	vadd.f32 v5, v3  }
0x19b: {  	[tilespmem:s19+$0x10] =	vst v0;
	v7 =	vld [tilespmem:s20+$0xFFFFFFA0]  }
0x19c: {  	v0 =	vld [tilespmem:s18+$0x20];
	[tilespmem:s19+$0x60] =	vst v1  }
0x19d: {  	v2 =	vadd.f32 v4, v2;
	v1 =	vld [tilespmem:s18+$0x70]  }
0x19e: {  	v3 =	vld [tilespmem:s20+$0x70]  }
0x19f: {  	v5 =	vld [tilespmem:s20+$0x20];
	[tilespmem:s19+$0xFFFFFFE0] =	vst v2  }
0x1a0: {  	s22 =	simm.s32 $0x6880;
	v2 =	vld [tilespmem:s18+$0xFFFFFFF0];
	v6 =	vadd.f32 v7, v6  }
0x1a1: {  	s21 =	simm.s32 $0x16280;
	s5 =	simm.s32 $0x0;
	s6 =	simm.s32 $0xFF80;
	v4 =	vld [tilespmem:s20+$0xFFFFFFF0]  }
.LBB2_11:
0x1a2: {  	v7 =	vld [tilespmem:s6+$0x40];
	[tilespmem:s19+$0xFFFFFFA0] =	vst v6;
	s20 =	sadd.s32 $0x100, s20  }
0x1a3: {  	v6 =	vld [tilespmem:s20+$0x40];
	v1 =	vadd.f32 v3, v1  }
0x1a4: {  	v3 =	vld [tilespmem:s20+$0xFFFFFF80];
	v0 =	vadd.f32 v5, v0  }
0x1a5: {  	s17 =	simm.s32 $0x11780;
	v5 =	vld [tilespmem:s6+$0xFFFFFFC0];
	[tilespmem:s19+$0x70] =	vst v1  }
0x1a6: {  	s5 =	sadd.s32 $0x4, s5;
	v1 =	vld [tilespmem:s20+$0xFFFFFFC0];
	v2 =	vadd.f32 v4, v2;
	[tilespmem:s19+$0x20] =	vst v0  }
0x1a7: {  	p1 =	slt.u32 s5, $0x60;
	v0 =	vld [tilespmem:s6+$0x0]  }
0x1a8: {  	v4 =	vld [tilespmem:s20+$0x0];
	v6 =	vadd.f32 v6, v7;
	[tilespmem:s19+$0xFFFFFFF0] =	vst v2  }
0x1a9: {  	s19 =	sadd.s32 $0x100, s19;
	v2 =	vld [tilespmem:s6+$0xFFFFFF80]  }
0x1aa: {  	[tilespmem:s19+$0x40] =	vst v6;
	v6 =	vld [tilespmem:s18+$0xFFFFFFB0]  }
0x1ab: {  	v1 =	vadd.f32 v1, v5;
	v5 =	vld [tilespmem:s6+$0x50]  }
0x1ac: {  	v7 =	vld [tilespmem:s20+$0x50]  }
0x1ad: {  	[tilespmem:s19+$0xFFFFFFC0] =	vst v1;
	v0 =	vadd.f32 v4, v0;
	v1 =	vld [tilespmem:s22+$0xFFFFFFB0]  }
0x1ae: {  	v2 =	vadd.f32 v3, v2;
	v3 =	vld [tilespmem:s6+$0xFFFFFFD0]  }
0x1af: {  	v4 =	vld [tilespmem:s20+$0xFFFFFFD0];
	[tilespmem:s19+$0x0] =	vst v0  }
0x1b0: {  	[tilespmem:s19+$0xFFFFFF80] =	vst v2;
	v0 =	vld [tilespmem:s6+$0x10]  }
0x1b1: {  	v2 =	vld [tilespmem:s6+$0xFFFFFF90];
	v5 =	vadd.f32 v7, v5  }
0x1b2: {  	v7 =	vld [tilespmem:s20+$0xFFFFFF90];
	v1 =	vadd.f32 v1, v6  }
0x1b3: {  	v6 =	vld [tilespmem:s20+$0x10];
	[tilespmem:s19+$0x50] =	vst v5  }
0x1b4: {  	v3 =	vadd.f32 v4, v3;
	v4 =	vld [tilespmem:s6+$0x60];
	[tilespmem:s21+$0xFFFFFFB0] =	vst v1  }
0x1b5: {  	v1 =	vld [tilespmem:s20+$0x60]  }
0x1b6: {  	[tilespmem:s19+$0xFFFFFFD0] =	vst v3;
	v5 =	vld [tilespmem:s18+$0x30];
	s18 =	smov.u32 s6  }
0x1b7: {  	v2 =	vadd.f32 v7, v2;
	v3 =	vld [tilespmem:s6+$0xFFFFFFE0]  }
0x1b8: {  	v7 =	vld [tilespmem:s20+$0xFFFFFFE0];
	v0 =	vadd.f32 v6, v0  }
0x1b9: {  	[tilespmem:s19+$0xFFFFFF90] =	vst v2;
	v2 =	vld [tilespmem:s22+$0x30];
	s22 =	smov.u32 s20  }
0x1ba: {  	v6 =	vld [tilespmem:s6+$0xFFFFFFA0];
	[tilespmem:s19+$0x10] =	vst v0;
	v1 =	vadd.f32 v1, v4  }
0x1bb: {  	v4 =	vld [tilespmem:s20+$0xFFFFFFA0]  }
0x1bc: {  	v0 =	vld [tilespmem:s6+$0x20];
	[tilespmem:s19+$0x60] =	vst v1  }
.Ltmp6:
0x1bd: {  	v7 =	vadd.f32 v7, v3;
	v1 =	vld [tilespmem:s6+$0x70];
	(pc) =	sbr.rel @p1 .LBB2_11-.Ltmp6, $4  }
0x1be: {  	v3 =	vld [tilespmem:s20+$0x70];
	v8 =	vadd.f32 v2, v5  }
0x1bf: {  	[tilespmem:s19+$0xFFFFFFE0] =	vst v7;
	v5 =	vld [tilespmem:s20+$0x20]  }
0x1c0: {  	v6 =	vadd.f32 v4, v6;
	v2 =	vld [tilespmem:s6+$0xFFFFFFF0];
	[tilespmem:s21+$0x30] =	vst v8;
	s21 =	smov.u32 s19  }
0x1c1: {  	s6 =	sadd.s32 $0x100, s6;
	v4 =	vld [tilespmem:s20+$0xFFFFFFF0]  }
0x1c2: {  	_ =	sdelay $0x1  }
0x1c3: {  	[tilespmem:s19+$0xFFFFFFA0] =	vst v6;
	v0 =	vadd.f32 v5, v0  }
0x1c4: {  	v5 =	vld [tilespmem:s18+$0xFFFFFFB0]  }
0x1c5: {  	[tilespmem:s19+$0x20] =	vst v0;
	v0 =	vld [tilespmem:s22+$0xFFFFFFB0]  }
0x1c6: {  	v6 =	vld [tilespmem:s18+$0x30]  }
0x1c7: {  	v7 =	vld [tilespmem:s22+$0x30];
	_ =	sdelay $0x1  }
0x1c8: {  	v1 =	vadd.f32 v3, v1  }
0x1c9: {  	v2 =	vadd.f32 v4, v2  }
0x1ca: {  	[tilespmem:s19+$0x70] =	vst v1;
	v0 =	vadd.f32 v0, v5  }
0x1cb: {  	[tilespmem:s19+$0xFFFFFFF0] =	vst v2;
	v1 =	vadd.f32 v7, v6  }
0x1cc: {  	[tilespmem:s21+$0xFFFFFFB0] =	vst v0  }
0x1cd: {  	[tilespmem:s21+$0x30] =	vst v1  }
0x1ce: {  	s19 =	simm.s32 $0x81F0;
	v0 =	vld [tilespmem:s17+$0x40]  }
0x1cf: {  	v1 =	vld [tilespmem:s19+$0xFFFFFFD0]  }
0x1d0: {  	v2 =	vld [tilespmem:s19+$0xFFFFFF10]  }
0x1d1: {  	v3 =	vld [tilespmem:s17+$0xFFFFFFC0]  }
0x1d2: {  	v4 =	vld [tilespmem:s19+$0xFFFFFF50]  }
0x1d3: {  	v5 =	vld [tilespmem:s17+$0x0]  }
0x1d4: {  	v6 =	vld [tilespmem:s19+$0xFFFFFF90];
	v0 =	vadd.f32 v1, v0  }
0x1d5: {  	s18 =	simm.s32 $0x17BF0;
	v1 =	vld [tilespmem:s17+$0xFFFFFF80]  }
0x1d6: {  	[tilespmem:s18+$0xFFFFFFD0] =	vst v0  }
0x1d7: {  	v0 =	vadd.f32 v4, v3;
	v3 =	vld [tilespmem:s17+$0x50]  }
0x1d8: {  	v4 =	vld [tilespmem:s19+$0xFFFFFFE0]  }
0x1d9: {  	[tilespmem:s18+$0xFFFFFF50] =	vst v0;
	v0 =	vadd.f32 v6, v5  }
0x1da: {  	v1 =	vadd.f32 v2, v1;
	v2 =	vld [tilespmem:s17+$0xFFFFFFD0]  }
0x1db: {  	v5 =	vld [tilespmem:s19+$0xFFFFFF60];
	[tilespmem:s18+$0xFFFFFF90] =	vst v0  }
0x1dc: {  	[tilespmem:s18+$0xFFFFFF10] =	vst v1;
	v0 =	vld [tilespmem:s17+$0x10]  }
0x1dd: {  	v1 =	vld [tilespmem:s17+$0xFFFFFF90];
	v3 =	vadd.f32 v4, v3  }
0x1de: {  	v4 =	vld [tilespmem:s19+$0xFFFFFF20]  }
0x1df: {  	v6 =	vld [tilespmem:s19+$0xFFFFFFA0];
	[tilespmem:s18+$0xFFFFFFE0] =	vst v3  }
0x1e0: {  	v2 =	vadd.f32 v5, v2;
	v3 =	vld [tilespmem:s17+$0x60]  }
0x1e1: {  	v5 =	vld [tilespmem:s19+$0xFFFFFFF0]  }
0x1e2: {  	[tilespmem:s18+$0xFFFFFF60] =	vst v2  }
0x1e3: {  	v1 =	vadd.f32 v4, v1;
	v2 =	vld [tilespmem:s17+$0xFFFFFFE0]  }
0x1e4: {  	v4 =	vld [tilespmem:s19+$0xFFFFFF70]  }
0x1e5: {  	v0 =	vadd.f32 v6, v0;
	[tilespmem:s18+$0xFFFFFF20] =	vst v1  }
0x1e6: {  	v6 =	vld [tilespmem:s17+$0xFFFFFFA0];
	v1 =	vadd.f32 v5, v3  }
0x1e7: {  	[tilespmem:s18+$0xFFFFFFA0] =	vst v0;
	v7 =	vld [tilespmem:s19+$0xFFFFFF30]  }
0x1e8: {  	v0 =	vld [tilespmem:s17+$0x20];
	[tilespmem:s18+$0xFFFFFFF0] =	vst v1  }
0x1e9: {  	v3 =	vadd.f32 v4, v2;
	v1 =	vld [tilespmem:s17+$0x70]  }
0x1ea: {  	v2 =	vld [tilespmem:s19+$0x0]  }
0x1eb: {  	v5 =	vld [tilespmem:s19+$0xFFFFFFB0];
	[tilespmem:s18+$0xFFFFFF70] =	vst v3  }
0x1ec: {  	s6 =	simm.s32 $0x11880;
	v3 =	vld [tilespmem:s17+$0xFFFFFFF0];
	v6 =	vadd.f32 v7, v6  }
0x1ed: {  	s5 =	simm.s32 $0x81F0;
	s20 =	simm.s32 $0x17BF0;
	s21 =	simm.s32 $0x0;
	v4 =	vld [tilespmem:s19+$0xFFFFFF80]  }
.LBB2_13:
0x1ee: {  	v7 =	vld [tilespmem:s6+$0x40];
	[tilespmem:s18+$0xFFFFFF30] =	vst v6;
	s19 =	sadd.s32 $0x100, s19  }
0x1ef: {  	v6 =	vld [tilespmem:s19+$0xFFFFFFD0];
	v1 =	vadd.f32 v2, v1  }
0x1f0: {  	v2 =	vld [tilespmem:s19+$0xFFFFFF10];
	v0 =	vadd.f32 v5, v0  }
0x1f1: {  	v5 =	vld [tilespmem:s6+$0xFFFFFFC0];
	[tilespmem:s18+$0x0] =	vst v1  }
0x1f2: {  	s21 =	sadd.s32 $0x4, s21;
	v1 =	vld [tilespmem:s19+$0xFFFFFF50];
	v3 =	vadd.f32 v4, v3;
	[tilespmem:s18+$0xFFFFFFB0] =	vst v0  }
0x1f3: {  	p1 =	slt.u32 s21, $0x60;
	v0 =	vld [tilespmem:s6+$0x0]  }
0x1f4: {  	v4 =	vld [tilespmem:s19+$0xFFFFFF90];
	v6 =	vadd.f32 v6, v7;
	[tilespmem:s18+$0xFFFFFF80] =	vst v3  }
0x1f5: {  	s18 =	sadd.s32 $0x100, s18;
	v3 =	vld [tilespmem:s6+$0xFFFFFF80]  }
0x1f6: {  	[tilespmem:s18+$0xFFFFFFD0] =	vst v6;
	v6 =	vld [tilespmem:s17+$0xFFFFFFB0]  }
0x1f7: {  	v1 =	vadd.f32 v1, v5;
	v5 =	vld [tilespmem:s6+$0x50]  }
0x1f8: {  	v7 =	vld [tilespmem:s19+$0xFFFFFFE0]  }
0x1f9: {  	[tilespmem:s18+$0xFFFFFF50] =	vst v1;
	v0 =	vadd.f32 v4, v0;
	v1 =	vld [tilespmem:s5+$0xFFFFFF40]  }
0x1fa: {  	v2 =	vadd.f32 v2, v3;
	v3 =	vld [tilespmem:s6+$0xFFFFFFD0]  }
0x1fb: {  	v4 =	vld [tilespmem:s19+$0xFFFFFF60];
	[tilespmem:s18+$0xFFFFFF90] =	vst v0  }
0x1fc: {  	[tilespmem:s18+$0xFFFFFF10] =	vst v2;
	v0 =	vld [tilespmem:s6+$0x10]  }
0x1fd: {  	v2 =	vld [tilespmem:s6+$0xFFFFFF90];
	v5 =	vadd.f32 v7, v5  }
0x1fe: {  	v7 =	vld [tilespmem:s19+$0xFFFFFF20];
	v1 =	vadd.f32 v1, v6  }
0x1ff: {  	v6 =	vld [tilespmem:s19+$0xFFFFFFA0];
	[tilespmem:s18+$0xFFFFFFE0] =	vst v5  }
0x200: {  	v3 =	vadd.f32 v4, v3;
	v4 =	vld [tilespmem:s6+$0x60];
	[tilespmem:s20+$0xFFFFFF40] =	vst v1  }
0x201: {  	v1 =	vld [tilespmem:s19+$0xFFFFFFF0]  }
0x202: {  	[tilespmem:s18+$0xFFFFFF60] =	vst v3;
	v3 =	vld [tilespmem:s17+$0x30];
	s17 =	smov.u32 s6  }
0x203: {  	v2 =	vadd.f32 v7, v2;
	v5 =	vld [tilespmem:s6+$0xFFFFFFE0]  }
0x204: {  	v7 =	vld [tilespmem:s19+$0xFFFFFF70];
	v0 =	vadd.f32 v6, v0  }
0x205: {  	[tilespmem:s18+$0xFFFFFF20] =	vst v2;
	v6 =	vld [tilespmem:s5+$0xFFFFFFC0];
	s5 =	smov.u32 s19  }
0x206: {  	v8 =	vld [tilespmem:s6+$0xFFFFFFA0];
	[tilespmem:s18+$0xFFFFFFA0] =	vst v0;
	v1 =	vadd.f32 v1, v4  }
0x207: {  	v4 =	vld [tilespmem:s19+$0xFFFFFF30]  }
0x208: {  	v0 =	vld [tilespmem:s6+$0x20];
	[tilespmem:s18+$0xFFFFFFF0] =	vst v1  }
.Ltmp7:
0x209: {  	v5 =	vadd.f32 v7, v5;
	v1 =	vld [tilespmem:s6+$0x70];
	(pc) =	sbr.rel @p1 .LBB2_13-.Ltmp7, $4  }
0x20a: {  	v2 =	vld [tilespmem:s19+$0x0];
	v7 =	vadd.f32 v6, v3  }
0x20b: {  	[tilespmem:s18+$0xFFFFFF70] =	vst v5;
	v5 =	vld [tilespmem:s19+$0xFFFFFFB0]  }
0x20c: {  	v6 =	vadd.f32 v4, v8;
	v3 =	vld [tilespmem:s6+$0xFFFFFFF0];
	[tilespmem:s20+$0xFFFFFFC0] =	vst v7;
	s20 =	smov.u32 s18  }
0x20d: {  	s6 =	sadd.s32 $0x100, s6;
	v4 =	vld [tilespmem:s19+$0xFFFFFF80]  }
0x20e: {  	_ =	sdelay $0x1  }
0x20f: {  	[tilespmem:s18+$0xFFFFFF30] =	vst v6;
	v0 =	vadd.f32 v5, v0  }
0x210: {  	v5 =	vld [tilespmem:s17+$0xFFFFFFB0]  }
0x211: {  	[tilespmem:s18+$0xFFFFFFB0] =	vst v0;
	v0 =	vld [tilespmem:s5+$0xFFFFFF40]  }
0x212: {  	v6 =	vld [tilespmem:s17+$0x30]  }
0x213: {  	v7 =	vld [tilespmem:s5+$0xFFFFFFC0];
	_ =	sdelay $0x1  }
0x214: {  	v1 =	vadd.f32 v2, v1  }
0x215: {  	s25 =	sadd.s32 s15, s7;
	v2 =	vadd.f32 v4, v3  }
0x216: {  	[tilespmem:s18+$0x0] =	vst v1;
	s5 =	smul.u32 $0x640, s25;
	v0 =	vadd.f32 v0, v5  }
0x217: {  	[tilespmem:s18+$0xFFFFFF80] =	vst v2;
	v1 =	vadd.f32 v7, v6  }
0x218: {  	s15 =	sadd.s32 s2, s5;
	[tilespmem:s20+$0xFFFFFF40] =	vst v0  }
0x219: {  	s5 =	sadd.s32 $0xC80, s15;
	[tilespmem:s20+$0xFFFFFFC0] =	vst v1  }
0x21a: {  	[hbm4b:s5+s3] =	stream.linear.scatter [tilespmem:s29], [sflag:$0x5], $0x3200, $0x38;
	[tilespmem:$0x1C600] =	vst v63  }
0x21b: {  	s6 =	simm.s32 @!p0 $0x64;
	s17 =	simm.s32 @!p0 $0xFE00;
	s5 =	sadd.s32 @!p0 $0x4E0, s16  }
0x21c: {  	[tilespmem:s17], [sflag:$0x3] =	stream.indirect.gather @!p0 [hbm4b:s4+s6], $0x40, s5, s6, $0xb8;
	[tilespmem:$0x1C600] =	vst v63  }
0x21d: {  	s5 =	sadd.s32 @!p0 $0x548, s16;
	s16 =	simm.s32 @!p0 $0x11700  }
0x21e: {  	[tilespmem:s16], [sflag:$0x3] =	stream.indirect.gather @!p0 [hbm4b:s4+s6], $0x40, s5, s6, $0xb8;
	[tilespmem:$0x1C600] =	vst v63  }
0x21f: {  	_ =	swait.ge [sflag:s10], $0x1900  }
0x220: {  	[sflag:s10] =	ssyncset.done $0x0  }
0x221: {  	[sflag:s10] =	ssyncadd.s32 $0xFFFFE700  }
0x222: {  	_ =	swait.ge [sflag:s10], $0x1900  }
0x223: {  	[sflag:s10] =	ssyncset.done $0x0  }
0x224: {  	[sflag:s10] =	ssyncadd.s32 $0xFFFFE700  }
0x225: {  	_ =	swait.ge [sflag:s12], $0x3200  }
0x226: {  	[sflag:s12] =	ssyncset.done $0x0  }
0x227: {  	s17 =	simm.s32 $0x13080;
	[sflag:s12] =	ssyncadd.s32 $0xFFFFCE00  }
0x228: {  	s19 =	simm.s32 $0x6880;
	v0 =	vld [tilespmem:s17+$0x40]  }
0x229: {  	v1 =	vld [tilespmem:s19+$0x40]  }
0x22a: {  	v2 =	vld [tilespmem:s19+$0xFFFFFF80]  }
0x22b: {  	v3 =	vld [tilespmem:s17+$0xFFFFFFC0]  }
0x22c: {  	v4 =	vld [tilespmem:s19+$0xFFFFFFC0]  }
0x22d: {  	v5 =	vld [tilespmem:s17+$0x0]  }
0x22e: {  	v6 =	vld [tilespmem:s19+$0x0];
	v0 =	vadd.f32 v1, v0  }
0x22f: {  	s18 =	simm.s32 $0x19480;
	v1 =	vld [tilespmem:s17+$0xFFFFFF80]  }
0x230: {  	[tilespmem:s18+$0x40] =	vst v0  }
0x231: {  	v0 =	vadd.f32 v4, v3;
	v3 =	vld [tilespmem:s17+$0x50]  }
0x232: {  	v4 =	vld [tilespmem:s19+$0x50]  }
0x233: {  	[tilespmem:s18+$0xFFFFFFC0] =	vst v0;
	v0 =	vadd.f32 v6, v5  }
0x234: {  	v1 =	vadd.f32 v2, v1;
	v2 =	vld [tilespmem:s17+$0xFFFFFFD0]  }
0x235: {  	v5 =	vld [tilespmem:s19+$0xFFFFFFD0];
	[tilespmem:s18+$0x0] =	vst v0  }
0x236: {  	[tilespmem:s18+$0xFFFFFF80] =	vst v1;
	v0 =	vld [tilespmem:s17+$0x10]  }
0x237: {  	v1 =	vld [tilespmem:s17+$0xFFFFFF90];
	v3 =	vadd.f32 v4, v3  }
0x238: {  	v4 =	vld [tilespmem:s19+$0xFFFFFF90]  }
0x239: {  	v6 =	vld [tilespmem:s19+$0x10];
	[tilespmem:s18+$0x50] =	vst v3  }
0x23a: {  	v2 =	vadd.f32 v5, v2;
	v3 =	vld [tilespmem:s17+$0x60]  }
0x23b: {  	v5 =	vld [tilespmem:s19+$0x60]  }
0x23c: {  	[tilespmem:s18+$0xFFFFFFD0] =	vst v2  }
0x23d: {  	v1 =	vadd.f32 v4, v1;
	v2 =	vld [tilespmem:s17+$0xFFFFFFE0]  }
0x23e: {  	v4 =	vld [tilespmem:s19+$0xFFFFFFE0]  }
0x23f: {  	v0 =	vadd.f32 v6, v0;
	[tilespmem:s18+$0xFFFFFF90] =	vst v1  }
0x240: {  	v6 =	vld [tilespmem:s17+$0xFFFFFFA0];
	v1 =	vadd.f32 v5, v3  }
0x241: {  	[tilespmem:s18+$0x10] =	vst v0;
	v7 =	vld [tilespmem:s19+$0xFFFFFFA0]  }
0x242: {  	v0 =	vld [tilespmem:s17+$0x20];
	[tilespmem:s18+$0x60] =	vst v1  }
0x243: {  	v2 =	vadd.f32 v4, v2;
	v1 =	vld [tilespmem:s17+$0x70]  }
0x244: {  	v3 =	vld [tilespmem:s19+$0x70]  }
0x245: {  	v5 =	vld [tilespmem:s19+$0x20];
	[tilespmem:s18+$0xFFFFFFE0] =	vst v2  }
0x246: {  	s21 =	simm.s32 $0x6880;
	v2 =	vld [tilespmem:s17+$0xFFFFFFF0];
	v6 =	vadd.f32 v7, v6  }
0x247: {  	s20 =	simm.s32 $0x19480;
	s5 =	simm.s32 $0x0;
	s6 =	simm.s32 $0x13180;
	v4 =	vld [tilespmem:s19+$0xFFFFFFF0]  }
.LBB2_15:
0x248: {  	v7 =	vld [tilespmem:s6+$0x40];
	[tilespmem:s18+$0xFFFFFFA0] =	vst v6;
	s19 =	sadd.s32 $0x100, s19  }
0x249: {  	v6 =	vld [tilespmem:s19+$0x40];
	v1 =	vadd.f32 v3, v1  }
0x24a: {  	v3 =	vld [tilespmem:s19+$0xFFFFFF80];
	v0 =	vadd.f32 v5, v0  }
0x24b: {  	s16 =	simm.s32 $0x14980;
	v5 =	vld [tilespmem:s6+$0xFFFFFFC0];
	[tilespmem:s18+$0x70] =	vst v1  }
0x24c: {  	s5 =	sadd.s32 $0x4, s5;
	v1 =	vld [tilespmem:s19+$0xFFFFFFC0];
	v2 =	vadd.f32 v4, v2;
	[tilespmem:s18+$0x20] =	vst v0  }
0x24d: {  	p1 =	slt.u32 s5, $0x60;
	v0 =	vld [tilespmem:s6+$0x0]  }
0x24e: {  	v4 =	vld [tilespmem:s19+$0x0];
	v6 =	vadd.f32 v6, v7;
	[tilespmem:s18+$0xFFFFFFF0] =	vst v2  }
0x24f: {  	s18 =	sadd.s32 $0x100, s18;
	v2 =	vld [tilespmem:s6+$0xFFFFFF80]  }
0x250: {  	[tilespmem:s18+$0x40] =	vst v6;
	v6 =	vld [tilespmem:s17+$0xFFFFFFB0]  }
0x251: {  	v1 =	vadd.f32 v1, v5;
	v5 =	vld [tilespmem:s6+$0x50]  }
0x252: {  	v7 =	vld [tilespmem:s19+$0x50]  }
0x253: {  	[tilespmem:s18+$0xFFFFFFC0] =	vst v1;
	v0 =	vadd.f32 v4, v0;
	v1 =	vld [tilespmem:s21+$0xFFFFFFB0]  }
0x254: {  	v2 =	vadd.f32 v3, v2;
	v3 =	vld [tilespmem:s6+$0xFFFFFFD0]  }
0x255: {  	v4 =	vld [tilespmem:s19+$0xFFFFFFD0];
	[tilespmem:s18+$0x0] =	vst v0  }
0x256: {  	[tilespmem:s18+$0xFFFFFF80] =	vst v2;
	v0 =	vld [tilespmem:s6+$0x10]  }
0x257: {  	v2 =	vld [tilespmem:s6+$0xFFFFFF90];
	v5 =	vadd.f32 v7, v5  }
0x258: {  	v7 =	vld [tilespmem:s19+$0xFFFFFF90];
	v1 =	vadd.f32 v1, v6  }
0x259: {  	v6 =	vld [tilespmem:s19+$0x10];
	[tilespmem:s18+$0x50] =	vst v5  }
0x25a: {  	v3 =	vadd.f32 v4, v3;
	v4 =	vld [tilespmem:s6+$0x60];
	[tilespmem:s20+$0xFFFFFFB0] =	vst v1  }
0x25b: {  	v1 =	vld [tilespmem:s19+$0x60]  }
0x25c: {  	[tilespmem:s18+$0xFFFFFFD0] =	vst v3;
	v5 =	vld [tilespmem:s17+$0x30];
	s17 =	smov.u32 s6  }
0x25d: {  	v2 =	vadd.f32 v7, v2;
	v3 =	vld [tilespmem:s6+$0xFFFFFFE0]  }
0x25e: {  	v7 =	vld [tilespmem:s19+$0xFFFFFFE0];
	v0 =	vadd.f32 v6, v0  }
0x25f: {  	[tilespmem:s18+$0xFFFFFF90] =	vst v2;
	v2 =	vld [tilespmem:s21+$0x30];
	s21 =	smov.u32 s19  }
0x260: {  	v6 =	vld [tilespmem:s6+$0xFFFFFFA0];
	[tilespmem:s18+$0x10] =	vst v0;
	v1 =	vadd.f32 v1, v4  }
0x261: {  	v4 =	vld [tilespmem:s19+$0xFFFFFFA0]  }
0x262: {  	v0 =	vld [tilespmem:s6+$0x20];
	[tilespmem:s18+$0x60] =	vst v1  }
.Ltmp8:
0x263: {  	v7 =	vadd.f32 v7, v3;
	v1 =	vld [tilespmem:s6+$0x70];
	(pc) =	sbr.rel @p1 .LBB2_15-.Ltmp8, $4  }
0x264: {  	v3 =	vld [tilespmem:s19+$0x70];
	v8 =	vadd.f32 v2, v5  }
0x265: {  	[tilespmem:s18+$0xFFFFFFE0] =	vst v7;
	v5 =	vld [tilespmem:s19+$0x20]  }
0x266: {  	v6 =	vadd.f32 v4, v6;
	v2 =	vld [tilespmem:s6+$0xFFFFFFF0];
	[tilespmem:s20+$0x30] =	vst v8;
	s20 =	smov.u32 s18  }
0x267: {  	s6 =	sadd.s32 $0x100, s6;
	v4 =	vld [tilespmem:s19+$0xFFFFFFF0]  }
0x268: {  	_ =	sdelay $0x1  }
0x269: {  	[tilespmem:s18+$0xFFFFFFA0] =	vst v6;
	v0 =	vadd.f32 v5, v0  }
0x26a: {  	v5 =	vld [tilespmem:s17+$0xFFFFFFB0]  }
0x26b: {  	[tilespmem:s18+$0x20] =	vst v0;
	v0 =	vld [tilespmem:s21+$0xFFFFFFB0]  }
0x26c: {  	v6 =	vld [tilespmem:s17+$0x30]  }
0x26d: {  	v7 =	vld [tilespmem:s21+$0x30];
	_ =	sdelay $0x1  }
0x26e: {  	v1 =	vadd.f32 v3, v1  }
0x26f: {  	v2 =	vadd.f32 v4, v2  }
0x270: {  	[tilespmem:s18+$0x70] =	vst v1;
	v0 =	vadd.f32 v0, v5  }
0x271: {  	[tilespmem:s18+$0xFFFFFFF0] =	vst v2;
	v1 =	vadd.f32 v7, v6  }
0x272: {  	[tilespmem:s20+$0xFFFFFFB0] =	vst v0  }
0x273: {  	[tilespmem:s20+$0x30] =	vst v1  }
0x274: {  	s18 =	simm.s32 $0x81F0;
	v0 =	vld [tilespmem:s16+$0x40]  }
0x275: {  	v1 =	vld [tilespmem:s18+$0xFFFFFFD0]  }
0x276: {  	v2 =	vld [tilespmem:s18+$0xFFFFFF10]  }
0x277: {  	v3 =	vld [tilespmem:s16+$0xFFFFFFC0]  }
0x278: {  	v4 =	vld [tilespmem:s18+$0xFFFFFF50]  }
0x279: {  	v5 =	vld [tilespmem:s16+$0x0]  }
0x27a: {  	v6 =	vld [tilespmem:s18+$0xFFFFFF90];
	v0 =	vadd.f32 v1, v0  }
0x27b: {  	s17 =	simm.s32 $0x1ADF0;
	v1 =	vld [tilespmem:s16+$0xFFFFFF80]  }
0x27c: {  	[tilespmem:s17+$0xFFFFFFD0] =	vst v0  }
0x27d: {  	v0 =	vadd.f32 v4, v3;
	v3 =	vld [tilespmem:s16+$0x50]  }
0x27e: {  	v4 =	vld [tilespmem:s18+$0xFFFFFFE0]  }
0x27f: {  	[tilespmem:s17+$0xFFFFFF50] =	vst v0;
	v0 =	vadd.f32 v6, v5  }
0x280: {  	v1 =	vadd.f32 v2, v1;
	v2 =	vld [tilespmem:s16+$0xFFFFFFD0]  }
0x281: {  	v5 =	vld [tilespmem:s18+$0xFFFFFF60];
	[tilespmem:s17+$0xFFFFFF90] =	vst v0  }
0x282: {  	[tilespmem:s17+$0xFFFFFF10] =	vst v1;
	v0 =	vld [tilespmem:s16+$0x10]  }
0x283: {  	v1 =	vld [tilespmem:s16+$0xFFFFFF90];
	v3 =	vadd.f32 v4, v3  }
0x284: {  	v4 =	vld [tilespmem:s18+$0xFFFFFF20]  }
0x285: {  	v6 =	vld [tilespmem:s18+$0xFFFFFFA0];
	[tilespmem:s17+$0xFFFFFFE0] =	vst v3  }
0x286: {  	v2 =	vadd.f32 v5, v2;
	v3 =	vld [tilespmem:s16+$0x60]  }
0x287: {  	v5 =	vld [tilespmem:s18+$0xFFFFFFF0]  }
0x288: {  	[tilespmem:s17+$0xFFFFFF60] =	vst v2  }
0x289: {  	v1 =	vadd.f32 v4, v1;
	v2 =	vld [tilespmem:s16+$0xFFFFFFE0]  }
0x28a: {  	v4 =	vld [tilespmem:s18+$0xFFFFFF70]  }
0x28b: {  	v0 =	vadd.f32 v6, v0;
	[tilespmem:s17+$0xFFFFFF20] =	vst v1  }
0x28c: {  	v6 =	vld [tilespmem:s16+$0xFFFFFFA0];
	v1 =	vadd.f32 v5, v3  }
0x28d: {  	[tilespmem:s17+$0xFFFFFFA0] =	vst v0;
	v7 =	vld [tilespmem:s18+$0xFFFFFF30]  }
0x28e: {  	v0 =	vld [tilespmem:s16+$0x20];
	[tilespmem:s17+$0xFFFFFFF0] =	vst v1  }
0x28f: {  	v3 =	vadd.f32 v4, v2;
	v1 =	vld [tilespmem:s16+$0x70]  }
0x290: {  	v2 =	vld [tilespmem:s18+$0x0]  }
0x291: {  	v5 =	vld [tilespmem:s18+$0xFFFFFFB0];
	[tilespmem:s17+$0xFFFFFF70] =	vst v3  }
0x292: {  	s6 =	simm.s32 $0x14A80;
	v3 =	vld [tilespmem:s16+$0xFFFFFFF0];
	v6 =	vadd.f32 v7, v6  }
0x293: {  	s5 =	simm.s32 $0x81F0;
	s19 =	simm.s32 $0x1ADF0;
	s20 =	simm.s32 $0x0;
	v4 =	vld [tilespmem:s18+$0xFFFFFF80]  }
.LBB2_17:
0x294: {  	v7 =	vld [tilespmem:s6+$0x40];
	[tilespmem:s17+$0xFFFFFF30] =	vst v6;
	s18 =	sadd.s32 $0x100, s18  }
0x295: {  	v6 =	vld [tilespmem:s18+$0xFFFFFFD0];
	v1 =	vadd.f32 v2, v1  }
0x296: {  	v2 =	vld [tilespmem:s18+$0xFFFFFF10];
	v0 =	vadd.f32 v5, v0  }
0x297: {  	v5 =	vld [tilespmem:s6+$0xFFFFFFC0];
	[tilespmem:s17+$0x0] =	vst v1  }
0x298: {  	s20 =	sadd.s32 $0x4, s20;
	v1 =	vld [tilespmem:s18+$0xFFFFFF50];
	v3 =	vadd.f32 v4, v3;
	[tilespmem:s17+$0xFFFFFFB0] =	vst v0  }
0x299: {  	p1 =	slt.u32 s20, $0x60;
	v0 =	vld [tilespmem:s6+$0x0]  }
0x29a: {  	v4 =	vld [tilespmem:s18+$0xFFFFFF90];
	v6 =	vadd.f32 v6, v7;
	[tilespmem:s17+$0xFFFFFF80] =	vst v3  }
0x29b: {  	s17 =	sadd.s32 $0x100, s17;
	v3 =	vld [tilespmem:s6+$0xFFFFFF80]  }
0x29c: {  	[tilespmem:s17+$0xFFFFFFD0] =	vst v6;
	v6 =	vld [tilespmem:s16+$0xFFFFFFB0]  }
0x29d: {  	v1 =	vadd.f32 v1, v5;
	v5 =	vld [tilespmem:s6+$0x50]  }
0x29e: {  	v7 =	vld [tilespmem:s18+$0xFFFFFFE0]  }
0x29f: {  	[tilespmem:s17+$0xFFFFFF50] =	vst v1;
	v0 =	vadd.f32 v4, v0;
	v1 =	vld [tilespmem:s5+$0xFFFFFF40]  }
0x2a0: {  	v2 =	vadd.f32 v2, v3;
	v3 =	vld [tilespmem:s6+$0xFFFFFFD0]  }
0x2a1: {  	v4 =	vld [tilespmem:s18+$0xFFFFFF60];
	[tilespmem:s17+$0xFFFFFF90] =	vst v0  }
0x2a2: {  	[tilespmem:s17+$0xFFFFFF10] =	vst v2;
	v0 =	vld [tilespmem:s6+$0x10]  }
0x2a3: {  	v2 =	vld [tilespmem:s6+$0xFFFFFF90];
	v5 =	vadd.f32 v7, v5  }
0x2a4: {  	v7 =	vld [tilespmem:s18+$0xFFFFFF20];
	v1 =	vadd.f32 v1, v6  }
0x2a5: {  	v6 =	vld [tilespmem:s18+$0xFFFFFFA0];
	[tilespmem:s17+$0xFFFFFFE0] =	vst v5  }
0x2a6: {  	v3 =	vadd.f32 v4, v3;
	v4 =	vld [tilespmem:s6+$0x60];
	[tilespmem:s19+$0xFFFFFF40] =	vst v1  }
0x2a7: {  	v1 =	vld [tilespmem:s18+$0xFFFFFFF0]  }
0x2a8: {  	[tilespmem:s17+$0xFFFFFF60] =	vst v3;
	v3 =	vld [tilespmem:s16+$0x30];
	s16 =	smov.u32 s6  }
0x2a9: {  	v2 =	vadd.f32 v7, v2;
	v5 =	vld [tilespmem:s6+$0xFFFFFFE0]  }
0x2aa: {  	v7 =	vld [tilespmem:s18+$0xFFFFFF70];
	v0 =	vadd.f32 v6, v0  }
0x2ab: {  	[tilespmem:s17+$0xFFFFFF20] =	vst v2;
	v6 =	vld [tilespmem:s5+$0xFFFFFFC0];
	s5 =	smov.u32 s18  }
0x2ac: {  	v8 =	vld [tilespmem:s6+$0xFFFFFFA0];
	[tilespmem:s17+$0xFFFFFFA0] =	vst v0;
	v1 =	vadd.f32 v1, v4  }
0x2ad: {  	v4 =	vld [tilespmem:s18+$0xFFFFFF30]  }
0x2ae: {  	v0 =	vld [tilespmem:s6+$0x20];
	[tilespmem:s17+$0xFFFFFFF0] =	vst v1  }
.Ltmp9:
0x2af: {  	v5 =	vadd.f32 v7, v5;
	v1 =	vld [tilespmem:s6+$0x70];
	(pc) =	sbr.rel @p1 .LBB2_17-.Ltmp9, $4  }
0x2b0: {  	v2 =	vld [tilespmem:s18+$0x0];
	v7 =	vadd.f32 v6, v3  }
0x2b1: {  	[tilespmem:s17+$0xFFFFFF70] =	vst v5;
	v5 =	vld [tilespmem:s18+$0xFFFFFFB0]  }
0x2b2: {  	v6 =	vadd.f32 v4, v8;
	v3 =	vld [tilespmem:s6+$0xFFFFFFF0];
	[tilespmem:s19+$0xFFFFFFC0] =	vst v7;
	s19 =	smov.u32 s17  }
0x2b3: {  	s6 =	sadd.s32 $0x100, s6;
	v4 =	vld [tilespmem:s18+$0xFFFFFF80]  }
0x2b4: {  	_ =	sdelay $0x1  }
0x2b5: {  	[tilespmem:s17+$0xFFFFFF30] =	vst v6;
	v0 =	vadd.f32 v5, v0  }
0x2b6: {  	v59 =	vld [tilespmem:s16+$0xFFFFFFB0]  }
0x2b7: {  	v60 =	vld [tilespmem:s5+$0xFFFFFF40];
	[tilespmem:s17+$0xFFFFFFB0] =	vst v0  }
0x2b8: {  	v61 =	vld [tilespmem:s16+$0x30]  }
0x2b9: {  	v7 =	vld [tilespmem:s5+$0xFFFFFFC0];
	_ =	sdelay $0x1  }
0x2ba: {  	v1 =	vadd.f32 v2, v1  }
0x2bb: {  	v62 =	vadd.f32 v4, v3  }
.Ltmp10:
0x2bc: {  	[tilespmem:s17+$0x0] =	vst v1;
	v0 =	vadd.f32 v60, v59;
	(pc) =	sbr.rel @p0 .LBB2_20-.Ltmp10, $4  }
0x2bd: {  	[tilespmem:s17+$0xFFFFFF80] =	vst v62;
	v63 =	vadd.f32 v7, v61  }
0x2be: {  	[tilespmem:s19+$0xFFFFFF40] =	vst v0  }
0x2bf: {  	s25 =	sadd.s32 $0x12C0, s15;
	[tilespmem:s19+$0xFFFFFFC0] =	vst v63  }
0x2c0: {  	[hbm4b:s25+s3] =	stream.linear.scatter [tilespmem:s31], [sflag:$0x6], $0x3200, $0x38;
	[tilespmem:$0x1C600] =	vst v63  }
0x2c1: {  	s5 =	smul.u32 $0xD00, s14;
	_ =	sdelay $0x1  }
.Ltmp11:
0x2c2: {  	s5 =	sshra.s32 s5, $0x2;
	(pc) =	sbr.rel .LBB2_2-.Ltmp11, $4  }
0x2c3: {  	s6 =	sadd.s32 $0x5B0, s5  }
0x2c4: {  	[tilespmem:s24], [sflag:$0x4] =	stream.indirect.gather [hbm4b:s4+s11], $0x40, s6, s11, $0xb8;
	[tilespmem:$0x1C600] =	vst v63  }
0x2c5: {  	s14 =	sadd.s32 $0x1, s14;
	s5 =	sadd.s32 $0x618, s5  }
0x2c6: {  	[tilespmem:s26], [sflag:$0x4] =	stream.indirect.gather [hbm4b:s4+s11], $0x40, s5, s11, $0xb8;
	[tilespmem:$0x1C600] =	vst v63  }
.LBB2_21:
0x2c7: {  	_ =	sfence.sel $0x180000  }
0x2c8: {  	[bflag:$0x0] =	sbarrier.arrive $0xFFFF  }
0x2c9: {  	_ =	strace $0x90000047  }
0x2ca: {  	s0 =	stileid.u32;
	[bflag:$0x2] =	sbarrier.arrive $0xFFFF  }
0x2cb: {  	p0 =	sne.s32 s0, $0x0;
	s0 =	rddreg [dreg:$0x2]  }
0x2cc: {  	s0 =	sadd.s32 @!p0 $0x100000, s0  }
0x2cd: {  	[sflag:s0] =	ssyncadd.tile.s32 @!p0 $0x1;
	_ =	shalt  }
.Lfunc_end2:
_tile_overlayer_lowered:
.L_overlay_start_2:
0x2ce: {  	(tag) =	ssettag $0x2  }
0x2cf: {  	s0 =	rddreg [dreg:$0x0];
	s2 =	stileid.u32  }
0x2d0: {  	s1 =	rddreg [dreg:$0x1];
	p0 =	sne.s32 s2, $0x0  }
0x2d1: {  	s3 =	rddreg [dreg:$0x2];
	[bflag:$0x3] =	sbarrier.arrive $0xFFFF;
	s2 =	simm.s32 @!p0 $0x1C07  }
0x2d2: {  	[timem:s3], [sflag:s2] =	dma.local @!p0 [hbm:s0], s1  }
0x2d3: {  	s0 =	simm.s32 @!p0 $0x7  }
0x2d4: {  	_ =	swait.ge @!p0 [sflag:s0], s1  }
0x2d5: {  	s1 =	ssub.s32 @!p0 $0x0, s1;
	[sflag:s0] =	ssyncset.done @!p0 $0x0  }
0x2d6: {  	[sflag:s0] =	ssyncadd.s32 @!p0 s1  }
0x2d7: {  	[bflag:$0x3] =	sbarrier.arrive $0xFFFF  }
0x2d8: {  	_ =	shalt  }

// kernel: sparse-core-data-format-call.cloned.1.call-start
scs
called_computation_lowered:
.L_overlay_start_0:
0x0: {  	s2 =	sld [smem:$0x3FD9]  }
0x1: {  	s3 =	sld [smem:$0x3FFE];
	_ =	sdelay $0x1  }
0x2: {  	s1 =	srdreg.scid  }
0x3: {  	s0 =	sand.u32 $0x1, s1  }
0x4: {  	s18 =	sshll.u32 s0, $0xA;
	s2 =	sadd.s32 s3, s2  }
0x5: {  	s2 =	sadd.s32 s2, s18  }
0x6: {  	[smem:$0x3FC6] =	sst s2  }
0x7: {  	_ = 	snop  }
0x8: {  	s2 =	sld [smem:$0x3FD0];
	(tm) =	ssettm $0x1  }
0x9: {  	s19 =	sld [smem:$0x3FFB];
	_ =	sdelay $0x3  }
0xa: {  	_ =	strace s19  }
0xb: {  	s3 =	sld [smem:$0x3FFC];
	_ =	sdelay $0x3  }
0xc: {  	_ =	strace s3  }
0xd: {  	s3 =	sld [smem:$0x3FFD];
	_ =	sdelay $0x3  }
0xe: {  	_ =	strace s3  }
0xf: {  	_ =	strace $0x8FFFFFFF  }
0x10: {  	s20 =	sld [smem:$0x3FDB];
	_ =	sdelay $0x1  }
0x11: {  	s4 =	simm.s32 $_scs_section_size  }
0x12: {  	s5 =	simm.s32 $_size__tile_overlayer_lowered;
	s6 =	simm.s32 $_tile_overlayer_lowered  }
0x13: {  	s23 =	simm.s32 $0x1BFF;
	s22 =	sshll.u32 s6, $0x1;
	s3 =	sadd.s32 s4, s20  }
0x14: {  	s7 =	simm.s32 $0x0;
	s21 =	sshll.u32 s5, $0x1;
	s5 =	sadd.s32 s22, s3  }
0x15: {  	[timem:s7], [sflag:s23] =	dma.local [hbm:s5], s21  }
0x16: {  	_ =	swait.ge [sflag:s23], s21  }
0x17: {  	s4 =	ssub.s32 $0x0, s21;
	[sflag:s23] =	ssyncset.done $0x0  }
0x18: {  	[sflag:s23] =	ssyncadd.s32 s4;
	_ =	sdelay $0x1  }
0x19: {  	s24 =	simm.s32 $0x1B8B  }
0x1a: {  	_ =	swait.ge [sflag:s24], $0x1  }
0x1b: {  	[sflag:s24] =	ssyncset.done $0x0  }
0x1c: {  	s26 =	simm.s32 $0x1B8E;
	s25 =	sld [smem:$0x3FFE];
	[sflag:s24] =	ssyncadd.s32 $0xFFFFFFFF  }
0x1d: {  	s27 =	simm.s32 $execute0_lowered;
	[smem:$0x3FD2] =	sst s26  }
0x1e: {  	s5 =	sshll.u32 s27, $0x1;
	_ =	strace $0x80000049;
	[dreg:$0x1] =	wrdreg $0xFFFFFFFF  }
0x1f: {  	s28 =	simm.s32 $_size_execute0_lowered;
	s3 =	sadd.s32 s3, s5;
	[dreg:$0x0] =	wrdreg $0x0  }
0x20: {  	s5 =	sshll.u32 s28, $0x1;
	[dreg:$0x2] =	wrdreg s3  }
0x21: {  	[dreg:$0x3] =	wrdreg s5  }
0x22: {  	[dreg:$0x4] =	wrdreg $0xC0  }
0x23: {  	_ =	task [dreg:s7], $0x5FFFF  }
0x24: {  	[dreg:$0x1] =	wrdreg $0xFFFFFFFF  }
0x25: {  	[dreg:$0x0] =	wrdreg $0x60  }
0x26: {  	[dreg:$0x2] =	wrdreg s25  }
0x27: {  	[dreg:$0x3] =	wrdreg s2  }
0x28: {  	[dreg:$0x4] =	wrdreg $0x9  }
0x29: {  	_ =	task.clear_ibuf [dreg:s7], $0x5FFFF;
	_ =	strace $0x90000049  }
0x2a: {  	s29 =	simm.s32 $0x9;
	_ =	strace $0x8000004B  }
0x2b: {  	_ =	swait.ge [sflag:s29], $0x1  }
0x2c: {  	[sflag:s29] =	ssyncadd.s32 $0xFFFFFFFF  }
0x2d: {  	_ =	strace $0x9000004B  }
0x2e: {  	_ =	sfence  }
0x2f: {  	s30 =	sld [smem:$0x0];
	_ =	sdelay $0x2  }
0x30: {  	s31 =	sshll.u32 s1, $0xD;
	s1 =	sshrl.u32 s1, $0x2  }
0x31: {  	s3 =	sand.u32 $0x4000, s31;
	s1 =	sadd.s32 s1, s30  }
0x32: {  	s0 =	sor.u32 s3, s0;
	s1 =	sshll.u32 s1, $0x11  }
0x33: {  	s0 =	sor.u32 s1, s0  }
0x34: {  	s0 =	sadd.s32 $0x8F2B, s0  }
0x35: {  	[sflag:s0] =	ssyncadd.remote.s32 $0x1  }
0x36: {  	_ =	sfence.sel $0xFFFF  }
0x37: {  	[dreg:$0x0] =	wrdreg $0xFFFFFFFF;
	(pc) =	sbr.abs _section_cstart, $3  }
0x38: {  	[dreg:$0x1] =	wrdreg $0xFFFFFFFF  }
0x39: {  	_ =	task.clear_ibuf [dreg:s7], $0x2FFFF;
	_ =	strace $0x9FFFFFFF  }
0x3a: {  	(tm) =	ssettm $0x7FFFFFFF  }
0x3b: {  	_ =	shalt  }
tec
execute0_lowered:
.L_overlay_start_1:
0x0: {  	(tag) =	ssettag $0x1  }
0x1: {  	s0 =	srdreg.scid  }
0x2: {  	s1 =	sshll.u32 s0, $0x4  }
0x3: {  	s0 =	stileid.u32;
	s1 =	sand.u32 $0x10, s1  }
0x4: {  	s1 =	sor.u32 s0, s1  }
0x5: {  	s6 =	rddreg [dreg:$0x0];
	s4 =	simm.s32 $0x1;
	s2 =	sshll.u32 s1, $0x7  }
0x6: {  	s7 =	simm.s32 $0x2;
	s12 =	simm.s32 $0x0;
	s1 =	ssub.s32 $0x1000, s2  }
0x7: {  	s8 =	simm.s32 $0x8000;
	s13 =	simm.s32 $0x0;
	s3 =	sand.u32 $0xF80, s1  }
0x8: {  	s9 =	simm.s32 $0x0;
	s5 =	sshrl.u32 s1, $0xC;
	p0 =	sne.s32 s3, $0x0  }
.Ltmp0:
0x9: {  	s1 =	rddreg [dreg:$0x2];
	s4 =	simm.s32 @!p0 $0x0;
	(pc) =	sbr.rel .LBB1_1-.Ltmp0, $4  }
0xa: {  	s11 =	simm.s32 $0x0;
	s3 =	rddreg [dreg:$0x1];
	s5 =	sadd.s32 s4, s5  }
0xb: {  	_ =	strace $0x8000004A;
	s4 =	simm.s32 $0x1;
	s5 =	smul.u32 $0xC8, s5  }
0xc: {  	s6 =	sadd.s32 $0x400, s6;
	s10 =	smov.u32 s2;
	[sflag:s4] =	ssyncpa.u1 $0x0  }
0xd: {  	p0 =	por $0x0, $0x0;
	[sflag:s7] =	ssyncpa.u1 $0x0;
	s7 =	sor.u32 $0x1, s5  }
.LBB1_4:
0xe: {  	s16 =	sshll.u32 s13, $0x3;
	s17 =	sand.u32 $0x78, s13  }
0xf: {  	s30 =	sand.u32 $0x7E00, s13;
	s12 =	sshll.u32 s12, $0xF;
	s16 =	sand.u32 $0xC00, s16  }
0x10: {  	[tilespmem:s15+$0x810 ss:$0x81] =	vst.msk $0xffff, v2;
	s31 =	sand.u32 $0x7, s13;
	s16 =	sor.u32 s17, s16;
	s17 =	sadd.s32 s3, s30  }
0x11: {  	[tilespmem:s15+$0x1020 ss:$0x81] =	vst.msk $0xffff, v0;
	s13 =	sshll.u32 s31, $0x12;
	s12 =	sadd.s32 s12, s17;
	s16 =	sshrl.u32 s16, $0x3  }
0x12: {  	[tilespmem:s15+$0x0 ss:$0x81] =	vst.msk $0xffff, v1;
	s13 =	sor.u32 $0x400, s13;
	s12 =	sadd.s32 s16, s12  }
0x13: {  	[hbm4b:s12+s13] =	stream.strided.scatter [tilespmem:s14], [sflag:$0x2], $0x2000, s8, s13, $0x20;
	[tilespmem:$0x8080] =	vst v63  }
.LBB1_5:
0x14: {  	s14 =	sadd.s32 $0x1, s9  }
0x15: {  	s12 =	sadd.s32 $0x1000, s10;
	s16 =	smov.u32 s10;
	p2 =	sgt.s32 s14, $0xC7  }
0x16: {  	s16 =	smov.u32 @p2 s12  }
0x17: {  	s14 =	simm.s32 @p2 $0x0;
	p2 =	sgt.s32 s16, $0xFFF  }
0x18: {  	s16 =	smov.u32 @p2 s2;
	p2 =	sne.s32 s11, s7  }
.Ltmp1:
0x19: {  	p1 =	slt.u32 s11, $0x2;
	(pc) =	sbr.rel @!p2 .LBB1_6-.Ltmp1, $4  }
0x1a: {  	s15 =	simm.s32 @!p1 $0x2  }
0x1b: {  	s13 =	smov.u32 s10;
	p0 =	por !p0, !p0;
	_ =	swait.ge @!p1 [sflag:s15], $0x2000  }
0x1c: {  	s12 =	smov.u32 s9;
	[sflag:s15] =	ssyncset.done @!p1 $0x0;
	s9 =	smov.u32 s14  }
0x1d: {  	s11 =	sadd.s32 $0x1, s11;
	[sflag:s15] =	ssyncadd.s32 @!p1 $0xFFFFE000;
	s10 =	smov.u32 s16  }
.LBB1_1:
0x1e: {  	p1 =	sge.u32 s11, s5  }
0x1f: {  	s14 =	sand.u32 @!p1 $0x1FFFFFF, s9  }
0x20: {  	s15 =	smulhi.u32 @!p1 $0x147AE15, s14;
	_ =	sdelay $0x1  }
0x21: {  	s15 =	smul.u32 @!p1 $0xC8, s15  }
0x22: {  	s16 =	sxor.u32 @!p1 $0xFFFFFFFF, s11;
	s17 =	smul.u32 @!p1 $0xC80, s10  }
0x23: {  	s31 =	sadd.s32 $0xFFFFFFFF, s11;
	s16 =	sshll.u32 @!p1 s16, $0xD;
	s14 =	ssub.s32 @!p1 s14, s15  }
0x24: {  	s15 =	sand.u32 @!p1 $0x2000, s16;
	s16 =	sadd.s32 @!p1 s6, s17;
	s14 =	sshll.u32 @!p1 s14, $0x4  }
0x25: {  	s17 =	simm.s32 @!p1 $0x6400;
	s14 =	sadd.s32 @!p1 s14, s16;
	s16 =	simm.s32 @!p1 $0x40  }
0x26: {  	[tilespmem:s15], [sflag:$0x1] =	stream.strided.gather @!p1 [hbm4b:s14+s16], $0x2000, s17, s16, $0x38;
	[tilespmem:$0x8080] =	vst v63  }
0x27: {  	p1 =	sge.u32 s31, s5  }
.Ltmp2:
0x28: {  	_ = 	snop;
	(pc) =	sbr.rel @p1 .LBB1_5-.Ltmp2, $1  }
0x29: {  	_ =	sdelay $0x3  }
0x2a: {  	s14 =	simm.s32 $0x1  }
0x2b: {  	_ =	swait.ge [sflag:s4], $0x2000;
	s14 =	simm.s32 @!p0 $0x0  }
0x2c: {  	[sflag:s4] =	ssyncset.done $0x0;
	s15 =	sshll.u32 s14, $0xD  }
0x2d: {  	[sflag:s4] =	ssyncadd.s32 $0xFFFFE000;
	s18 =	sor.u32 $0x20, s15  }
0x2e: {  	s14 =	smul.u32 $0x8100, s14;
	v3 =	vld [tilespmem:s18+$0x10]  }
0x2f: {  	s30 =	sand.u32 $0x1, s11;
	v2 =	vld [tilespmem:s18+$0xFFFFFFF0]  }
0x30: {  	s15 =	smul.u32 $0x8100, s30;
	s14 =	sshrl.u32 s14, $0x2;
	v0 =	vld [tilespmem:s18+$0x0]  }
0x31: {  	v1 =	vld [tilespmem:s18+$0xFFFFFFE0];
	s16 =	sor.u32 $0x4000, s14  }
0x32: {  	s31 =	sshrl.u32 s15, $0x2;
	s15 =	sadd.s32 $0x0, s16  }
0x33: {  	s17 =	simm.s32 $0x4;
	s18 =	sadd.s32 $0x40, s18;
	s14 =	sor.u32 $0x4000, s31;
	[tilespmem:s15+$0x1830 ss:$0x81] =	vst.msk $0xffff, v3  }
.LBB1_3:
0x34: {  	v3 =	vld [tilespmem:s18+$0x10];
	p1 =	sne.s32 s17, $0x1FC;
	[tilespmem:s15+$0x810 ss:$0x81] =	vst.msk $0xffff, v2;
	s19 =	smov.u32 s17;
	s17 =	sadd.s32 $0x4, s17  }
.Ltmp3:
0x35: {  	v2 =	vld [tilespmem:s18+$0xFFFFFFF0];
	[tilespmem:s15+$0x1020 ss:$0x81] =	vst.msk $0xffff, v0;
	(pc) =	sbr.rel @p1 .LBB1_3-.Ltmp3, $4  }
0x36: {  	v0 =	vld [tilespmem:s18+$0x0];
	[tilespmem:s15+$0x0 ss:$0x81] =	vst.msk $0xffff, v1  }
0x37: {  	s15 =	sshra.s32 s19, $0x2;
	v1 =	vld [tilespmem:s18+$0xFFFFFFE0]  }
0x38: {  	s15 =	sadd.s32 s15, s16  }
0x39: {  	s18 =	sadd.s32 $0x40, s18;
	[tilespmem:s15+$0x1830 ss:$0x81] =	vst.msk $0xffff, v3  }
.Ltmp4:
0x3a: {  	_ = 	snop;
	(pc) =	sbr.rel .LBB1_4-.Ltmp4, $1  }
0x3b: {  	_ =	sdelay $0x3  }
.LBB1_6:
0x3c: {  	_ =	sfence.sel $0x180000  }
0x3d: {  	s2 =	simm.s32 $0x1;
	[bflag:$0x0] =	sbarrier.arrive $0xFFFF  }
0x3e: {  	s31 =	simm.s32 $0x2;
	[sflag:s2] =	ssyncpa.u1 $0x1  }
0x3f: {  	[sflag:s31] =	ssyncpa.u1 $0x1  }
0x40: {  	p0 =	sne.s32 s0, $0x0;
	_ =	strace $0x9000004A  }
0x41: {  	s0 =	sadd.s32 @!p0 $0x100000, s1;
	[bflag:$0x2] =	sbarrier.arrive $0xFFFF  }
0x42: {  	[sflag:s0] =	ssyncadd.tile.s32 @!p0 $0x1;
	_ =	shalt  }
.Lfunc_end1:
_tile_overlayer_lowered:
.L_overlay_start_2:
0x43: {  	(tag) =	ssettag $0x2  }
0x44: {  	s0 =	rddreg [dreg:$0x0];
	s2 =	stileid.u32  }
0x45: {  	s1 =	rddreg [dreg:$0x1];
	p0 =	sne.s32 s2, $0x0  }
0x46: {  	s3 =	rddreg [dreg:$0x2];
	[bflag:$0x3] =	sbarrier.arrive $0xFFFF;
	s2 =	simm.s32 @!p0 $0x1C01  }
0x47: {  	[timem:s3], [sflag:s2] =	dma.local @!p0 [hbm:s0], s1  }
0x48: {  	s0 =	simm.s32 @!p0 $0x1  }
0x49: {  	_ =	swait.ge @!p0 [sflag:s0], s1  }
0x4a: {  	s1 =	ssub.s32 @!p0 $0x0, s1;
	[sflag:s0] =	ssyncset.done @!p0 $0x0  }
0x4b: {  	[sflag:s0] =	ssyncadd.s32 @!p0 s1  }
0x4c: {  	[bflag:$0x3] =	sbarrier.arrive $0xFFFF  }
0x4d: {  	_ =	shalt  }

</sc_bundles>
